<compile_context>
chip_gen: v7x
topology: tpu7x:2x2x1
jax: 0.10.2.dev20260603
libtpu: 0.0.44.dev20260713+nightly
codegen_flags: <defaults>
</compile_context>

<pallas_src>
import functools

import jax
import jax.numpy as jnp
from jax import lax
from jax.experimental import pallas as pl
from jax.experimental.pallas import tpu as pltpu
from jax.experimental.pallas import tpu_sc as plsc

_LR = 0.1
_L = 16
_MASKHI = -65536
_RND = 0x8000


def _build(B, N, E):
    assert B == 4 and N % 16 == 0
    EPT1 = E // 16
    EPT2 = E // 8
    C = 2000
    NCHUNK1 = EPT1 // C
    NCHUNK2 = EPT2 // C
    assert EPT1 % C == 0 and EPT2 % C == 0
    assert NCHUNK1 % 2 == 0 and NCHUNK2 % 2 == 0
    VPC = C // _L
    NP8 = N // 8
    SIZE = NP8 + 16 - (NP8 % 16) if NP8 % 16 else NP8
    assert SIZE % 16 == 0

    mesh = plsc.VectorSubcoreMesh(core_axis_name="c", subcore_axis_name="s")

    @functools.partial(
        pl.kernel,
        mesh=mesh,
        compiler_params=pltpu.CompilerParams(needs_layout_passes=False),
        out_type=(
            jax.ShapeDtypeStruct((B * N,), jnp.float32),
            jax.ShapeDtypeStruct((2 * E,), jnp.float32),
            jax.ShapeDtypeStruct((32 * N,), jnp.float32),
        ),
        scratch_types=[
            pltpu.VMEM((N,), jnp.float32),
            pltpu.VMEM((C,), jnp.int32),
            pltpu.VMEM((C,), jnp.int32),
            pltpu.VMEM((C,), jnp.int32),
            pltpu.VMEM((C,), jnp.int32),
            pltpu.VMEM((C,), jnp.float32),
            pltpu.VMEM((C,), jnp.float32),
            pltpu.VMEM((C,), jnp.float32),
            pltpu.VMEM((C,), jnp.float32),
            pltpu.SemaphoreType.DMA((2,)),
            pltpu.SemaphoreType.DMA((2,)),
        ],
    )
    def run(x_hbm, xp_hbm, src_hbm, dst_hbm, th_hbm, out_hbm, cur_hbm,
            part_hbm, xacc, sb0, sb1, db0, db1, tb0, tb1, cb0, cb1,
            insem, outsem):
        cid = lax.axis_index("c")
        sid = lax.axis_index("s")
        grp = cid
        bg = cid * 2 + sid // 8
        half = sid // 8
        c8 = sid % 8
        ebase1 = pl.multiple_of(sid * EPT1, 8)
        ebase2 = pl.multiple_of(c8 * EPT2, 8)
        wrow = bg * 8 + c8
        sb = (sb0, sb1)
        db = (db0, db1)
        tb = (tb0, tb1)
        cb = (cb0, cb1)

        def coff1(ci):
            return pl.multiple_of(grp * E + ebase1 + ci * C, 8)

        def coff2(ci):
            return pl.multiple_of(grp * E + ebase2 + ci * C, 8)

        def issue_in1(ci, slot):
            base = pl.multiple_of(ebase1 + ci * C, 8)
            pltpu.async_copy(src_hbm.at[pl.ds(base, C)], sb[slot], insem.at[slot])
            pltpu.async_copy(dst_hbm.at[pl.ds(base, C)], db[slot], insem.at[slot])
            pltpu.async_copy(th_hbm.at[pl.ds(base, C)], tb[slot], insem.at[slot])

        def wait_in1(ci, slot):
            base = pl.multiple_of(ebase1 + ci * C, 8)
            pltpu.make_async_copy(src_hbm.at[pl.ds(base, C)], sb[slot],
                                  insem.at[slot]).wait()
            pltpu.make_async_copy(dst_hbm.at[pl.ds(base, C)], db[slot],
                                  insem.at[slot]).wait()
            pltpu.make_async_copy(th_hbm.at[pl.ds(base, C)], tb[slot],
                                  insem.at[slot]).wait()

        def issue_in2(ci, slot):
            base = pl.multiple_of(ebase2 + ci * C, 8)
            pltpu.async_copy(src_hbm.at[pl.ds(base, C)], sb[slot], insem.at[slot])
            pltpu.async_copy(dst_hbm.at[pl.ds(base, C)], db[slot], insem.at[slot])
            pltpu.async_copy(cur_hbm.at[pl.ds(coff2(ci), C)], tb[slot],
                             insem.at[slot])

        def wait_in2(ci, slot):
            base = pl.multiple_of(ebase2 + ci * C, 8)
            pltpu.make_async_copy(src_hbm.at[pl.ds(base, C)], sb[slot],
                                  insem.at[slot]).wait()
            pltpu.make_async_copy(dst_hbm.at[pl.ds(base, C)], db[slot],
                                  insem.at[slot]).wait()
            pltpu.make_async_copy(cur_hbm.at[pl.ds(coff2(ci), C)], tb[slot],
                                  insem.at[slot]).wait()

        scope1 = jax.named_scope("ph1_currents")
        scope1.__enter__()
        xcp = pltpu.async_copy(
            xp_hbm.at[pl.ds(pl.multiple_of(grp * N, 8), N)], xacc, insem.at[0])
        xcp.wait()
        issue_in1(0, 0)

        def compute1(slot):
            sbuf, dbuf, gbuf, cbuf = sb[slot], db[slot], tb[slot], cb[slot]

            @plsc.parallel_loop(0, VPC, unroll=4)
            def _(i):
                o = i * _L
                sv = sbuf[pl.ds(o, _L)]
                dv = dbuf[pl.ds(o, _L)]
                g = gbuf[pl.ds(o, _L)]
                ps = plsc.bitcast(plsc.load_gather(xacc, [sv]), jnp.int32)
                pd = plsc.bitcast(plsc.load_gather(xacc, [dv]), jnp.int32)
                xs0 = plsc.bitcast(ps << 16, jnp.float32)
                xd0 = plsc.bitcast(pd << 16, jnp.float32)
                xs1 = plsc.bitcast(ps & _MASKHI, jnp.float32)
                xd1 = plsc.bitcast(pd & _MASKHI, jnp.float32)
                c0 = g * (xs0 - xd0)
                c1 = g * (xs1 - xd1)
                b0 = plsc.bitcast(c0, jnp.int32)
                b1 = plsc.bitcast(c1, jnp.int32)
                lo = lax.shift_right_logical(b0 + _RND, 16)
                hi = (b1 + _RND) & _MASKHI
                cbuf[pl.ds(o, _L)] = plsc.bitcast(lo | hi, jnp.float32)

        def chunk1(ci2, _):
            ci = ci2 * 2
            issue_in1(ci + 1, 1)
            wait_in1(ci, 0)

            @pl.when(ci2 >= 1)
            def _():
                pltpu.make_async_copy(cb0, cur_hbm.at[pl.ds(coff1(ci), C)],
                                      outsem.at[0]).wait()

            compute1(0)
            pltpu.async_copy(cb0, cur_hbm.at[pl.ds(coff1(ci), C)], outsem.at[0])

            @pl.when(ci + 2 < NCHUNK1)
            def _():
                issue_in1(ci + 2, 0)

            wait_in1(ci + 1, 1)

            @pl.when(ci2 >= 1)
            def _():
                pltpu.make_async_copy(cb1, cur_hbm.at[pl.ds(coff1(ci + 1), C)],
                                      outsem.at[1]).wait()

            compute1(1)
            pltpu.async_copy(cb1, cur_hbm.at[pl.ds(coff1(ci + 1), C)],
                             outsem.at[1])
            return 0

        lax.fori_loop(0, NCHUNK1 // 2, chunk1, 0)
        pltpu.make_async_copy(cb0, cur_hbm.at[pl.ds(coff1(NCHUNK1 - 2), C)],
                              outsem.at[0]).wait()
        pltpu.make_async_copy(cb1, cur_hbm.at[pl.ds(coff1(NCHUNK1 - 1), C)],
                              outsem.at[1]).wait()
        plsc.subcore_barrier()
        scope1.__exit__(None, None, None)
        scope2 = jax.named_scope("ph2_scatter")
        scope2.__enter__()

        issue_in2(0, 0)
        zeros = jnp.zeros((_L,), jnp.float32)

        @plsc.parallel_loop(0, N // _L, unroll=8)
        def _(i):
            xacc[pl.ds(i * _L, _L)] = zeros

        shv = jnp.zeros((_L,), jnp.int32) + half * 16

        def compute2(slot):
            sbuf, dbuf, cbuf = sb[slot], db[slot], tb[slot]

            @plsc.parallel_loop(0, VPC, unroll=4)
            def _(i):
                o = i * _L
                sv = sbuf[pl.ds(o, _L)]
                dv = dbuf[pl.ds(o, _L)]
                cp = plsc.bitcast(cbuf[pl.ds(o, _L)], jnp.int32)
                cv = plsc.bitcast(lax.shift_right_arithmetic(cp, shv) << 16,
                                  jnp.float32)
                plsc.addupdate_scatter(xacc, [sv], cv)
                plsc.addupdate_scatter(xacc, [dv], -cv)

        def chunk2(ci2, _):
            ci = ci2 * 2
            issue_in2(ci + 1, 1)
            wait_in2(ci, 0)
            compute2(0)

            @pl.when(ci + 2 < NCHUNK2)
            def _():
                issue_in2(ci + 2, 0)

            wait_in2(ci + 1, 1)
            compute2(1)
            return 0

        lax.fori_loop(0, NCHUNK2 // 2, chunk2, 0)

        scope2.__exit__(None, None, None)
        scope3 = jax.named_scope("ph3_combine")
        scope3.__enter__()
        pltpu.sync_copy(xacc, part_hbm.at[pl.ds(pl.multiple_of(wrow * N, 8), N)])
        plsc.subcore_barrier()

        nstart = c8 * NP8 - (c8 * NP8) % 16
        nstart = pl.multiple_of(lax.min(nstart, N - SIZE), 16)
        xo = 0
        po = (SIZE, 2 * SIZE)

        def ppart(j):
            return part_hbm.at[pl.ds(
                pl.multiple_of((bg * 8 + j) * N + nstart, 16), SIZE)]

        xslice = x_hbm.at[pl.ds(pl.multiple_of(bg * N + nstart, 16), SIZE)]
        pltpu.async_copy(xslice, xacc.at[pl.ds(xo, SIZE)], insem.at[0])
        pltpu.async_copy(ppart(0), xacc.at[pl.ds(po[0], SIZE)], outsem.at[0])
        pltpu.make_async_copy(xslice, xacc.at[pl.ds(xo, SIZE)],
                              insem.at[0]).wait()
        for j in range(8):
            slot = j % 2
            if j + 1 < 8:
                pltpu.async_copy(ppart(j + 1), xacc.at[pl.ds(po[1 - slot], SIZE)],
                                 outsem.at[1 - slot])
            pltpu.make_async_copy(ppart(j), xacc.at[pl.ds(po[slot], SIZE)],
                                  outsem.at[slot]).wait()
            pj = po[slot]

            @plsc.parallel_loop(0, SIZE // _L, unroll=4)
            def _(i, _pj=pj):
                o = i * _L
                xacc[pl.ds(xo + o, _L)] = (
                    xacc[pl.ds(xo + o, _L)] - _LR * xacc[pl.ds(_pj + o, _L)])

        pltpu.sync_copy(xacc.at[pl.ds(xo, SIZE)],
                        out_hbm.at[pl.ds(pl.multiple_of(bg * N + nstart, 16), SIZE)])
        scope3.__exit__(None, None, None)

    return run


def kernel(x, theta, edge_index):
    B, N = x.shape
    E = edge_index.shape[1]
    src = edge_index[0].astype(jnp.int32)
    dst = edge_index[1].astype(jnp.int32)
    th = theta.reshape(E)
    xf = x.reshape(B * N)
    xb = lax.bitcast_convert_type(x.astype(jnp.bfloat16), jnp.uint16)
    xb = xb.astype(jnp.uint32)
    xp = jnp.concatenate([xb[0] | (xb[1] << 16), xb[2] | (xb[3] << 16)])
    xp = lax.bitcast_convert_type(xp, jnp.float32)
    out_flat, _, _ = _build(B, N, E)(xf, xp, src, dst, th)
    return out_flat.reshape(B, N)

# --- scband reference (transcript-rebuilt; emitter-appended) ---
"""Pipeline reference for scband-circuit-model-40647570489938 (READ-ONLY COPY).

The authoritative reference and input builder live on the scoring server;
editing this copy changes nothing except your own understanding.
"""

import jax, jax.numpy as jnp
import numpy as np

N_NODES = 100000
N_EDGES = 3200000
N_BATCH = 4
OPTIM_LR = 0.1


def setup_inputs(seed: int = 0) -> dict:
    key = jax.random.key(seed)
    k1, k2, k3 = jax.random.split(key, 3)
    # node voltages: batched node-state (CircuitModel internal voltage tensor)
    x = jax.random.normal(k1, (N_BATCH, N_NODES), dtype=jnp.float32)
    # per-edge element parameters (ElementLayer.theta, N_params=1 resistor conductance),
    # clipped into a positive range per element.param_ranges
    theta = jax.random.uniform(k2, (1, N_EDGES), dtype=jnp.float32, minval=0.1, maxval=1.0)
    # circuit topology as COO edge list (incidence-matrix equivalent)
    edge_index = jax.random.randint(k3, (2, N_EDGES), 0, N_NODES, dtype=jnp.int64)
    return {"x": x, "theta": theta, "edge_index": edge_index}


def reference(x, theta, edge_index):
    # One internal optimization step on the cocontent objective:
    #   dv_e = v[src_e] - v[dst_e]                 (incidence-matrix gather, D @ v)
    #   rho_e = 0.5 * g_e * dv_e^2                 (ElementLayer.rho, cocontent)
    #   current_e = g_e * dv_e                     (ElementLayer.gamma)
    #   grad_v = D^T @ current                     (scatter-add of branch currents)
    #   v_new = v - lr * grad_v                    (gradient step of internal optimizer)
    src = edge_index[0]
    dst = edge_index[1]
    dv = x[:, src] - x[:, dst]                      # [B, E] gather
    g = theta[0]                                    # [E]
    cur = g[None, :] * dv                           # branch currents [B, E]
    inj = jnp.zeros_like(x)
    inj = inj.at[:, src].add(cur)                   # D^T scatter-add (+ at src)
    inj = inj.at[:, dst].add(-cur)                  # D^T scatter-add (- at dst)
    v_new = x - OPTIM_LR * inj                      # [B, N]
    return v_new

if __name__ == "__main__":
    import jax
    _d = setup_inputs()
    print(jax.jit(kernel)(*tuple(_d.values())))

</pallas_src>

<mosaic_0001>
#map = affine_map<(d0, d1) -> (0)>
module attributes {stable_mosaic.version = 14 : i64} {
  func.func @run(%arg0: i32, %arg1: i32, %arg2: memref<400000xf32, #tpu.memory_space<hbm>>, %arg3: memref<200000xf32, #tpu.memory_space<hbm>>, %arg4: memref<3200000xi32, #tpu.memory_space<hbm>>, %arg5: memref<3200000xi32, #tpu.memory_space<hbm>>, %arg6: memref<3200000xf32, #tpu.memory_space<hbm>>, %arg7: memref<400000xf32, #tpu.memory_space<hbm>>, %arg8: memref<6400000xf32, #tpu.memory_space<hbm>>, %arg9: memref<3200000xf32, #tpu.memory_space<hbm>>, %arg10: memref<100000xf32, #tpu.memory_space<vmem>>, %arg11: memref<2000xi32, #tpu.memory_space<vmem>>, %arg12: memref<2000xi32, #tpu.memory_space<vmem>>, %arg13: memref<2000xi32, #tpu.memory_space<vmem>>, %arg14: memref<2000xi32, #tpu.memory_space<vmem>>, %arg15: memref<2000xf32, #tpu.memory_space<vmem>>, %arg16: memref<2000xf32, #tpu.memory_space<vmem>>, %arg17: memref<2000xf32, #tpu.memory_space<vmem>>, %arg18: memref<2000xf32, #tpu.memory_space<vmem>>, %arg19: memref<2x!tpu.dma_semaphore, #tpu.memory_space<semaphore_mem>>, %arg20: memref<2x!tpu.dma_semaphore, #tpu.memory_space<semaphore_mem>>) attributes {dimension_semantics = [#tpu.dimension_semantics<core_parallel>, #tpu.dimension_semantics<subcore_parallel>], iteration_bounds = array<i64: 2, 16>, scalar_prefetch = 0 : i64, scratch_operands = 11 : i64, tpu.core_type = #tpu.core_type<sc_vector_subcore>, window_params = [{transform_indices = #map}, {transform_indices = #map}, {transform_indices = #map}, {transform_indices = #map}, {transform_indices = #map}, {transform_indices = #map}, {transform_indices = #map}, {transform_indices = #map}]} {
    %mul3A = arith.constant 2 : i32
    %mul3A_0 = arith.muli %arg0, %mul3A : i32
    %jit3A = arith.constant 8 : i32
    %div3A = arith.divsi %arg1, %jit3A : i32
    %sign3A = arith.constant 0 : i32
    %sign3A_1 = arith.cmpi sgt, %arg1, %sign3A : i32
    %sign3A_2 = arith.extui %sign3A_1 : i1 to i32
    %sign3A_3 = arith.constant 0 : i32
    %sign3A_4 = arith.cmpi slt, %arg1, %sign3A_3 : i32
    %sign3A_5 = arith.extui %sign3A_4 : i1 to i32
    %sign3A_6 = arith.subi %sign3A_2, %sign3A_5 : i32
    %sign3A_7 = arith.constant 0 : i32
    %sign3A_8 = arith.cmpi sgt, %jit3A, %sign3A_7 : i32
    %sign3A_9 = arith.extui %sign3A_8 : i1 to i32
    %sign3A_10 = arith.constant 0 : i32
    %sign3A_11 = arith.cmpi slt, %jit3A, %sign3A_10 : i32
    %sign3A_12 = arith.extui %sign3A_11 : i1 to i32
    %sign3A_13 = arith.subi %sign3A_9, %sign3A_12 : i32
    %ne3A = arith.cmpi ne, %sign3A_6, %sign3A_13 : i32
    %rem3A = arith.remsi %arg1, %jit3A : i32
    %ne3A_14 = arith.constant 0 : i32
    %ne3A_15 = arith.cmpi ne, %rem3A, %ne3A_14 : i32
    %and3A = arith.andi %ne3A, %ne3A_15 : i1
    %sub3A = arith.constant 1 : i32
    %sub3A_16 = arith.subi %div3A, %sub3A : i32
    %select_n3A = arith.select %and3A, %sub3A_16, %div3A : i32
    %add3A = arith.addi %mul3A_0, %select_n3A : i32
    %jit3A_17 = arith.constant 8 : i32
    %div3A_18 = arith.divsi %arg1, %jit3A_17 : i32
    %sign3A_19 = arith.constant 0 : i32
    %sign3A_20 = arith.cmpi sgt, %arg1, %sign3A_19 : i32
    %sign3A_21 = arith.extui %sign3A_20 : i1 to i32
    %sign3A_22 = arith.constant 0 : i32
    %sign3A_23 = arith.cmpi slt, %arg1, %sign3A_22 : i32
    %sign3A_24 = arith.extui %sign3A_23 : i1 to i32
    %sign3A_25 = arith.subi %sign3A_21, %sign3A_24 : i32
    %sign3A_26 = arith.constant 0 : i32
    %sign3A_27 = arith.cmpi sgt, %jit3A_17, %sign3A_26 : i32
    %sign3A_28 = arith.extui %sign3A_27 : i1 to i32
    %sign3A_29 = arith.constant 0 : i32
    %sign3A_30 = arith.cmpi slt, %jit3A_17, %sign3A_29 : i32
    %sign3A_31 = arith.extui %sign3A_30 : i1 to i32
    %sign3A_32 = arith.subi %sign3A_28, %sign3A_31 : i32
    %ne3A_33 = arith.cmpi ne, %sign3A_25, %sign3A_32 : i32
    %rem3A_34 = arith.remsi %arg1, %jit3A_17 : i32
    %ne3A_35 = arith.constant 0 : i32
    %ne3A_36 = arith.cmpi ne, %rem3A_34, %ne3A_35 : i32
    %and3A_37 = arith.andi %ne3A_33, %ne3A_36 : i1
    %sub3A_38 = arith.constant 1 : i32
    %sub3A_39 = arith.subi %div3A_18, %sub3A_38 : i32
    %select_n3A_40 = arith.select %and3A_37, %sub3A_39, %div3A_18 : i32
    %jit3A_41 = arith.constant 8 : i32
    %eq3A = arith.constant 0 : i32
    %eq3A_42 = arith.cmpi eq, %jit3A_41, %eq3A : i32
    %jit3A_43 = arith.constant 1 : i32
    %select_n3A_44 = arith.select %eq3A_42, %jit3A_43, %jit3A_41 : i32
    %rem3A_45 = arith.remsi %arg1, %select_n3A_44 : i32
    %ne3A_46 = arith.constant 0 : i32
    %ne3A_47 = arith.cmpi ne, %rem3A_45, %ne3A_46 : i32
    %lt3A = arith.constant 0 : i32
    %lt3A_48 = arith.cmpi slt, %rem3A_45, %lt3A : i32
    %lt3A_49 = arith.constant 0 : i32
    %lt3A_50 = arith.cmpi slt, %select_n3A_44, %lt3A_49 : i32
    %ne3A_51 = arith.xori %lt3A_48, %lt3A_50 : i1
    %and3A_52 = arith.andi %ne3A_51, %ne3A_47 : i1
    %add3A_53 = arith.addi %rem3A_45, %select_n3A_44 : i32
    %select_n3A_54 = arith.select %and3A_52, %add3A_53, %rem3A_45 : i32
    %mul3A_55 = arith.constant 200000 : i32
    %mul3A_56 = arith.muli %arg1, %mul3A_55 : i32
    %multiple_of3A = tpu.assume_multiple %mul3A_56, 8 : i32
    %mul3A_57 = arith.constant 400000 : i32
    %mul3A_58 = arith.muli %select_n3A_54, %mul3A_57 : i32
    %multiple_of3A_59 = tpu.assume_multiple %mul3A_58, 8 : i32
    %mul3A_60 = arith.constant 8 : i32
    %mul3A_61 = arith.muli %add3A, %mul3A_60 : i32
    %add3A_62 = arith.addi %mul3A_61, %select_n3A_54 : i32
    "tpu.trace_start"() <{level = 10 : i32, message = "ph1_currents"}> : () -> ()
    %mul3A_63 = arith.constant 100000 : i32
    %mul3A_64 = arith.muli %arg0, %mul3A_63 : i32
    %multiple_of3A_65 = tpu.assume_multiple %mul3A_64, 8 : i32
    %dma_start3A = arith.constant 0 : i32
    %dma_start3A_66 = tpu.memref_slice %arg3[%multiple_of3A_65] : memref<200000xf32, #tpu.memory_space<hbm>> -> memref<100000xf32, #tpu.memory_space<hbm>>
    %dma_start3A_67 = tpu.memref_slice %arg19[%dma_start3A] : memref<2x!tpu.dma_semaphore, #tpu.memory_space<semaphore_mem>> -> memref<1x!tpu.dma_semaphore, #tpu.memory_space<semaphore_mem>>
    %dma_start3A_68 = tpu.memref_squeeze %dma_start3A_67 : memref<1x!tpu.dma_semaphore, #tpu.memory_space<semaphore_mem>> -> memref<!tpu.dma_semaphore, #tpu.memory_space<semaphore_mem>>
    %dma_start3A_69 = tpu.memref_slice %arg3[%multiple_of3A_65] : memref<200000xf32, #tpu.memory_space<hbm>> -> memref<100000xf32, #tpu.memory_space<hbm>>
    tpu.enqueue_dma source(%dma_start3A_69 : memref<100000xf32, #tpu.memory_space<hbm>>) target(%arg10 : memref<100000xf32, #tpu.memory_space<vmem>>) target_semaphore(%dma_start3A_68 : memref<!tpu.dma_semaphore, #tpu.memory_space<semaphore_mem>>)
    %dma_wait3A = arith.constant 0 : i32
    %dma_wait3A_70 = tpu.memref_slice %arg3[%multiple_of3A_65] : memref<200000xf32, #tpu.memory_space<hbm>> -> memref<100000xf32, #tpu.memory_space<hbm>>
    %dma_wait3A_71 = tpu.memref_slice %arg19[%dma_wait3A] : memref<2x!tpu.dma_semaphore, #tpu.memory_space<semaphore_mem>> -> memref<1x!tpu.dma_semaphore, #tpu.memory_space<semaphore_mem>>
    %dma_wait3A_72 = tpu.memref_squeeze %dma_wait3A_71 : memref<1x!tpu.dma_semaphore, #tpu.memory_space<semaphore_mem>> -> memref<!tpu.dma_semaphore, #tpu.memory_space<semaphore_mem>>
    %dma_wait3A_73 = tpu.memref_slice %arg3[%multiple_of3A_65] : memref<200000xf32, #tpu.memory_space<hbm>> -> memref<100000xf32, #tpu.memory_space<hbm>>
    tpu.wait_dma2 semaphore(%dma_wait3A_72 : memref<!tpu.dma_semaphore, #tpu.memory_space<semaphore_mem>>) src(%dma_wait3A_73 : memref<100000xf32, #tpu.memory_space<hbm>>) dst(%arg10 : memref<100000xf32, #tpu.memory_space<vmem>>)
    %add3A_74 = arith.constant 0 : i32
    %add3A_75 = arith.addi %multiple_of3A, %add3A_74 : i32
    %multiple_of3A_76 = tpu.assume_multiple %add3A_75, 8 : i32
    %dma_start3A_77 = arith.constant 0 : i32
    %dma_start3A_78 = tpu.memref_slice %arg4[%multiple_of3A_76] : memref<3200000xi32, #tpu.memory_space<hbm>> -> memref<2000xi32, #tpu.memory_space<hbm>>
    %dma_start3A_79 = tpu.memref_slice %arg19[%dma_start3A_77] : memref<2x!tpu.dma_semaphore, #tpu.memory_space<semaphore_mem>> -> memref<1x!tpu.dma_semaphore, #tpu.memory_space<semaphore_mem>>
    %dma_start3A_80 = tpu.memref_squeeze %dma_start3A_79 : memref<1x!tpu.dma_semaphore, #tpu.memory_space<semaphore_mem>> -> memref<!tpu.dma_semaphore, #tpu.memory_space<semaphore_mem>>
    %dma_start3A_81 = tpu.memref_slice %arg4[%multiple_of3A_76] : memref<3200000xi32, #tpu.memory_space<hbm>> -> memref<2000xi32, #tpu.memory_space<hbm>>
    tpu.enqueue_dma source(%dma_start3A_81 : memref<2000xi32, #tpu.memory_space<hbm>>) target(%arg11 : memref<2000xi32, #tpu.memory_space<vmem>>) target_semaphore(%dma_start3A_80 : memref<!tpu.dma_semaphore, #tpu.memory_space<semaphore_mem>>)
    %dma_start3A_82 = arith.constant 0 : i32
    %dma_start3A_83 = tpu.memref_slice %arg5[%multiple_of3A_76] : memref<3200000xi32, #tpu.memory_space<hbm>> -> memref<2000xi32, #tpu.memory_space<hbm>>
    %dma_start3A_84 = tpu.memref_slice %arg19[%dma_start3A_82] : memref<2x!tpu.dma_semaphore, #tpu.memory_space<semaphore_mem>> -> memref<1x!tpu.dma_semaphore, #tpu.memory_space<semaphore_mem>>
    %dma_start3A_85 = tpu.memref_squeeze %dma_start3A_84 : memref<1x!tpu.dma_semaphore, #tpu.memory_space<semaphore_mem>> -> memref<!tpu.dma_semaphore, #tpu.memory_space<semaphore_mem>>
    %dma_start3A_86 = tpu.memref_slice %arg5[%multiple_of3A_76] : memref<3200000xi32, #tpu.memory_space<hbm>> -> memref<2000xi32, #tpu.memory_space<hbm>>
    tpu.enqueue_dma source(%dma_start3A_86 : memref<2000xi32, #tpu.memory_space<hbm>>) target(%arg13 : memref<2000xi32, #tpu.memory_space<vmem>>) target_semaphore(%dma_start3A_85 : memref<!tpu.dma_semaphore, #tpu.memory_space<semaphore_mem>>)
    %dma_start3A_87 = arith.constant 0 : i32
    %dma_start3A_88 = tpu.memref_slice %arg6[%multiple_of3A_76] : memref<3200000xf32, #tpu.memory_space<hbm>> -> memref<2000xf32, #tpu.memory_space<hbm>>
    %dma_start3A_89 = tpu.memref_slice %arg19[%dma_start3A_87] : memref<2x!tpu.dma_semaphore, #tpu.memory_space<semaphore_mem>> -> memref<1x!tpu.dma_semaphore, #tpu.memory_space<semaphore_mem>>
    %dma_start3A_90 = tpu.memref_squeeze %dma_start3A_89 : memref<1x!tpu.dma_semaphore, #tpu.memory_space<semaphore_mem>> -> memref<!tpu.dma_semaphore, #tpu.memory_space<semaphore_mem>>
    %dma_start3A_91 = tpu.memref_slice %arg6[%multiple_of3A_76] : memref<3200000xf32, #tpu.memory_space<hbm>> -> memref<2000xf32, #tpu.memory_space<hbm>>
    tpu.enqueue_dma source(%dma_start3A_91 : memref<2000xf32, #tpu.memory_space<hbm>>) target(%arg15 : memref<2000xf32, #tpu.memory_space<vmem>>) target_semaphore(%dma_start3A_90 : memref<!tpu.dma_semaphore, #tpu.memory_space<semaphore_mem>>)
    %scan3A = arith.constant 0 : i32
    %scan3A_92 = arith.constant 0 : i32
    %scan3A_93 = arith.constant 50 : i32
    %scan3A_94 = arith.addi %scan3A_92, %scan3A_93 : i32
    %scan3A_95 = arith.constant 1 : i32
    %scan3A_96 = scf.for %scan3A_509 = %scan3A_92 to %scan3A_94 step %scan3A_95 iter_args(%scan3A_510 = %scan3A) -> (i32)  : i32 {
      %mul3A_511 = arith.constant 2 : i32
      %mul3A_512 = arith.muli %scan3A_509, %mul3A_511 : i32
      %add3A_513 = arith.constant 1 : i32
      %add3A_514 = arith.addi %mul3A_512, %add3A_513 : i32
      %mul3A_515 = arith.constant 2000 : i32
      %mul3A_516 = arith.muli %add3A_514, %mul3A_515 : i32
      %add3A_517 = arith.addi %multiple_of3A, %mul3A_516 : i32
      %multiple_of3A_518 = tpu.assume_multiple %add3A_517, 8 : i32
      %dma_start3A_519 = arith.constant 1 : i32
      %dma_start3A_520 = tpu.memref_slice %arg4[%multiple_of3A_518] : memref<3200000xi32, #tpu.memory_space<hbm>> -> memref<2000xi32, #tpu.memory_space<hbm>>
      %dma_start3A_521 = tpu.memref_slice %arg19[%dma_start3A_519] : memref<2x!tpu.dma_semaphore, #tpu.memory_space<semaphore_mem>> -> memref<1x!tpu.dma_semaphore, #tpu.memory_space<semaphore_mem>>
      %dma_start3A_522 = tpu.memref_squeeze %dma_start3A_521 : memref<1x!tpu.dma_semaphore, #tpu.memory_space<semaphore_mem>> -> memref<!tpu.dma_semaphore, #tpu.memory_space<semaphore_mem>>
      %dma_start3A_523 = tpu.memref_slice %arg4[%multiple_of3A_518] : memref<3200000xi32, #tpu.memory_space<hbm>> -> memref<2000xi32, #tpu.memory_space<hbm>>
      tpu.enqueue_dma source(%dma_start3A_523 : memref<2000xi32, #tpu.memory_space<hbm>>) target(%arg12 : memref<2000xi32, #tpu.memory_space<vmem>>) target_semaphore(%dma_start3A_522 : memref<!tpu.dma_semaphore, #tpu.memory_space<semaphore_mem>>)
      %dma_start3A_524 = arith.constant 1 : i32
      %dma_start3A_525 = tpu.memref_slice %arg5[%multiple_of3A_518] : memref<3200000xi32, #tpu.memory_space<hbm>> -> memref<2000xi32, #tpu.memory_space<hbm>>
      %dma_start3A_526 = tpu.memref_slice %arg19[%dma_start3A_524] : memref<2x!tpu.dma_semaphore, #tpu.memory_space<semaphore_mem>> -> memref<1x!tpu.dma_semaphore, #tpu.memory_space<semaphore_mem>>
      %dma_start3A_527 = tpu.memref_squeeze %dma_start3A_526 : memref<1x!tpu.dma_semaphore, #tpu.memory_space<semaphore_mem>> -> memref<!tpu.dma_semaphore, #tpu.memory_space<semaphore_mem>>
      %dma_start3A_528 = tpu.memref_slice %arg5[%multiple_of3A_518] : memref<3200000xi32, #tpu.memory_space<hbm>> -> memref<2000xi32, #tpu.memory_space<hbm>>
      tpu.enqueue_dma source(%dma_start3A_528 : memref<2000xi32, #tpu.memory_space<hbm>>) target(%arg14 : memref<2000xi32, #tpu.memory_space<vmem>>) target_semaphore(%dma_start3A_527 : memref<!tpu.dma_semaphore, #tpu.memory_space<semaphore_mem>>)
      %dma_start3A_529 = arith.constant 1 : i32
      %dma_start3A_530 = tpu.memref_slice %arg6[%multiple_of3A_518] : memref<3200000xf32, #tpu.memory_space<hbm>> -> memref<2000xf32, #tpu.memory_space<hbm>>
      %dma_start3A_531 = tpu.memref_slice %arg19[%dma_start3A_529] : memref<2x!tpu.dma_semaphore, #tpu.memory_space<semaphore_mem>> -> memref<1x!tpu.dma_semaphore, #tpu.memory_space<semaphore_mem>>
      %dma_start3A_532 = tpu.memref_squeeze %dma_start3A_531 : memref<1x!tpu.dma_semaphore, #tpu.memory_space<semaphore_mem>> -> memref<!tpu.dma_semaphore, #tpu.memory_space<semaphore_mem>>
      %dma_start3A_533 = tpu.memref_slice %arg6[%multiple_of3A_518] : memref<3200000xf32, #tpu.memory_space<hbm>> -> memref<2000xf32, #tpu.memory_space<hbm>>
      tpu.enqueue_dma source(%dma_start3A_533 : memref<2000xf32, #tpu.memory_space<hbm>>) target(%arg16 : memref<2000xf32, #tpu.memory_space<vmem>>) target_semaphore(%dma_start3A_532 : memref<!tpu.dma_semaphore, #tpu.memory_space<semaphore_mem>>)
      %mul3A_534 = arith.constant 2000 : i32
      %mul3A_535 = arith.muli %mul3A_512, %mul3A_534 : i32
      %add3A_536 = arith.addi %multiple_of3A, %mul3A_535 : i32
      %multiple_of3A_537 = tpu.assume_multiple %add3A_536, 8 : i32
      %dma_wait3A_538 = arith.constant 0 : i32
      %dma_wait3A_539 = tpu.memref_slice %arg4[%multiple_of3A_537] : memref<3200000xi32, #tpu.memory_space<hbm>> -> memref<2000xi32, #tpu.memory_space<hbm>>
      %dma_wait3A_540 = tpu.memref_slice %arg19[%dma_wait3A_538] : memref<2x!tpu.dma_semaphore, #tpu.memory_space<semaphore_mem>> -> memref<1x!tpu.dma_semaphore, #tpu.memory_space<semaphore_mem>>
      %dma_wait3A_541 = tpu.memref_squeeze %dma_wait3A_540 : memref<1x!tpu.dma_semaphore, #tpu.memory_space<semaphore_mem>> -> memref<!tpu.dma_semaphore, #tpu.memory_space<semaphore_mem>>
      %dma_wait3A_542 = tpu.memref_slice %arg4[%multiple_of3A_537] : memref<3200000xi32, #tpu.memory_space<hbm>> -> memref<2000xi32, #tpu.memory_space<hbm>>
      tpu.wait_dma2 semaphore(%dma_wait3A_541 : memref<!tpu.dma_semaphore, #tpu.memory_space<semaphore_mem>>) src(%dma_wait3A_542 : memref<2000xi32, #tpu.memory_space<hbm>>) dst(%arg11 : memref<2000xi32, #tpu.memory_space<vmem>>)
      %dma_wait3A_543 = arith.constant 0 : i32
      %dma_wait3A_544 = tpu.memref_slice %arg5[%multiple_of3A_537] : memref<3200000xi32, #tpu.memory_space<hbm>> -> memref<2000xi32, #tpu.memory_space<hbm>>
      %dma_wait3A_545 = tpu.memref_slice %arg19[%dma_wait3A_543] : memref<2x!tpu.dma_semaphore, #tpu.memory_space<semaphore_mem>> -> memref<1x!tpu.dma_semaphore, #tpu.memory_space<semaphore_mem>>
      %dma_wait3A_546 = tpu.memref_squeeze %dma_wait3A_545 : memref<1x!tpu.dma_semaphore, #tpu.memory_space<semaphore_mem>> -> memref<!tpu.dma_semaphore, #tpu.memory_space<semaphore_mem>>
      %dma_wait3A_547 = tpu.memref_slice %arg5[%multiple_of3A_537] : memref<3200000xi32, #tpu.memory_space<hbm>> -> memref<2000xi32, #tpu.memory_space<hbm>>
      tpu.wait_dma2 semaphore(%dma_wait3A_546 : memref<!tpu.dma_semaphore, #tpu.memory_space<semaphore_mem>>) src(%dma_wait3A_547 : memref<2000xi32, #tpu.memory_space<hbm>>) dst(%arg13 : memref<2000xi32, #tpu.memory_space<vmem>>)
      %dma_wait3A_548 = arith.constant 0 : i32
      %dma_wait3A_549 = tpu.memref_slice %arg6[%multiple_of3A_537] : memref<3200000xf32, #tpu.memory_space<hbm>> -> memref<2000xf32, #tpu.memory_space<hbm>>
      %dma_wait3A_550 = tpu.memref_slice %arg19[%dma_wait3A_548] : memref<2x!tpu.dma_semaphore, #tpu.memory_space<semaphore_mem>> -> memref<1x!tpu.dma_semaphore, #tpu.memory_space<semaphore_mem>>
      %dma_wait3A_551 = tpu.memref_squeeze %dma_wait3A_550 : memref<1x!tpu.dma_semaphore, #tpu.memory_space<semaphore_mem>> -> memref<!tpu.dma_semaphore, #tpu.memory_space<semaphore_mem>>
      %dma_wait3A_552 = tpu.memref_slice %arg6[%multiple_of3A_537] : memref<3200000xf32, #tpu.memory_space<hbm>> -> memref<2000xf32, #tpu.memory_space<hbm>>
      tpu.wait_dma2 semaphore(%dma_wait3A_551 : memref<!tpu.dma_semaphore, #tpu.memory_space<semaphore_mem>>) src(%dma_wait3A_552 : memref<2000xf32, #tpu.memory_space<hbm>>) dst(%arg15 : memref<2000xf32, #tpu.memory_space<vmem>>)
      %ge3A = arith.constant 1 : i32
      %ge3A_553 = arith.cmpi sge, %scan3A_509, %ge3A : i32
      %convert_element_type3A = arith.extui %ge3A_553 : i1 to i32
      %cond3A = arith.constant 0 : i32
      %cond3A_554 = arith.cmpi ne, %convert_element_type3A, %cond3A : i32
      scf.if %cond3A_554 {
        %mul3A_621 = arith.constant 3200000 : i32
        %mul3A_622 = arith.muli %arg0, %mul3A_621 : i32
        %add3A_623 = arith.addi %mul3A_622, %multiple_of3A : i32
        %mul3A_624 = arith.constant 2000 : i32
        %mul3A_625 = arith.muli %mul3A_512, %mul3A_624 : i32
        %add3A_626 = arith.addi %add3A_623, %mul3A_625 : i32
        %multiple_of3A_627 = tpu.assume_multiple %add3A_626, 8 : i32
        %dma_wait3A_628 = arith.constant 0 : i32
        %dma_wait3A_629 = tpu.memref_slice %arg8[%multiple_of3A_627] : memref<6400000xf32, #tpu.memory_space<hbm>> -> memref<2000xf32, #tpu.memory_space<hbm>>
        %dma_wait3A_630 = tpu.memref_slice %arg20[%dma_wait3A_628] : memref<2x!tpu.dma_semaphore, #tpu.memory_space<semaphore_mem>> -> memref<1x!tpu.dma_semaphore, #tpu.memory_space<semaphore_mem>>
        %dma_wait3A_631 = tpu.memref_squeeze %dma_wait3A_630 : memref<1x!tpu.dma_semaphore, #tpu.memory_space<semaphore_mem>> -> memref<!tpu.dma_semaphore, #tpu.memory_space<semaphore_mem>>
        %dma_wait3A_632 = tpu.memref_slice %arg8[%multiple_of3A_627] : memref<6400000xf32, #tpu.memory_space<hbm>> -> memref<2000xf32, #tpu.memory_space<hbm>>
        tpu.wait_dma2 semaphore(%dma_wait3A_631 : memref<!tpu.dma_semaphore, #tpu.memory_space<semaphore_mem>>) src(%arg17 : memref<2000xf32, #tpu.memory_space<vmem>>) dst(%dma_wait3A_632 : memref<2000xf32, #tpu.memory_space<hbm>>)
      } else {
      }
      %parallel_loop3A_555 = arith.constant 0 : i32
      %parallel_loop3A_556 = arith.constant 125 : i32
      %parallel_loop3A_557 = arith.constant 1 : i32
      scf.for %parallel_loop3A_621 = %parallel_loop3A_555 to %parallel_loop3A_556 step %parallel_loop3A_557  : i32 {
        %parallel_loop3A_622 = arith.constant 16 : i32
        %parallel_loop3A_623 = arith.muli %parallel_loop3A_621, %parallel_loop3A_622 : i32
        %parallel_loop3A_624 = arith.index_cast %parallel_loop3A_623 : i32 to index
        %parallel_loop3A_625 = tpu.vector_load %arg11[%parallel_loop3A_624] {strides = array<i32>} : memref<2000xi32, #tpu.memory_space<vmem>>, vector<16xi32>,
        %parallel_loop3A_626 = arith.index_cast %parallel_loop3A_623 : i32 to index
        %parallel_loop3A_627 = tpu.vector_load %arg13[%parallel_loop3A_626] {strides = array<i32>} : memref<2000xi32, #tpu.memory_space<vmem>>, vector<16xi32>,
        %parallel_loop3A_628 = arith.index_cast %parallel_loop3A_623 : i32 to index
        %parallel_loop3A_629 = tpu.vector_load %arg15[%parallel_loop3A_628] {strides = array<i32>} : memref<2000xf32, #tpu.memory_space<vmem>>, vector<16xf32>,
        %parallel_loop3A_630 = tpu.vector_load_idx %arg10[%parallel_loop3A_625] : memref<100000xf32, #tpu.memory_space<vmem>>[vector<16xi32>], vector<16xf32>,
        %parallel_loop3A_631 = vector.bitcast %parallel_loop3A_630 : vector<16xf32> to vector<16xi32>
        %parallel_loop3A_632 = tpu.vector_load_idx %arg10[%parallel_loop3A_627] : memref<100000xf32, #tpu.memory_space<vmem>>[vector<16xi32>], vector<16xf32>,
        %parallel_loop3A_633 = vector.bitcast %parallel_loop3A_632 : vector<16xf32> to vector<16xi32>
        %parallel_loop3A_634 = arith.constant 16 : i32
        %parallel_loop3A_635 = vector.broadcast %parallel_loop3A_634 : i32 to vector<16xi32>
        %parallel_loop3A_636 = arith.shli %parallel_loop3A_631, %parallel_loop3A_635 : vector<16xi32>
        %parallel_loop3A_637 = vector.bitcast %parallel_loop3A_636 : vector<16xi32> to vector<16xf32>
        %parallel_loop3A_638 = arith.constant 16 : i32
        %parallel_loop3A_639 = vector.broadcast %parallel_loop3A_638 : i32 to vector<16xi32>
        %parallel_loop3A_640 = arith.shli %parallel_loop3A_633, %parallel_loop3A_639 : vector<16xi32>
        %parallel_loop3A_641 = vector.bitcast %parallel_loop3A_640 : vector<16xi32> to vector<16xf32>
        %parallel_loop3A_642 = arith.constant -65536 : i32
        %parallel_loop3A_643 = vector.broadcast %parallel_loop3A_642 : i32 to vector<16xi32>
        %parallel_loop3A_644 = arith.andi %parallel_loop3A_631, %parallel_loop3A_643 : vector<16xi32>
        %parallel_loop3A_645 = vector.bitcast %parallel_loop3A_644 : vector<16xi32> to vector<16xf32>
        %parallel_loop3A_646 = arith.constant -65536 : i32
        %parallel_loop3A_647 = vector.broadcast %parallel_loop3A_646 : i32 to vector<16xi32>
        %parallel_loop3A_648 = arith.andi %parallel_loop3A_633, %parallel_loop3A_647 : vector<16xi32>
        %parallel_loop3A_649 = vector.bitcast %parallel_loop3A_648 : vector<16xi32> to vector<16xf32>
        %parallel_loop3A_650 = arith.subf %parallel_loop3A_637, %parallel_loop3A_641 : vector<16xf32>
        %parallel_loop3A_651 = arith.mulf %parallel_loop3A_629, %parallel_loop3A_650 : vector<16xf32>
        %parallel_loop3A_652 = arith.subf %parallel_loop3A_645, %parallel_loop3A_649 : vector<16xf32>
        %parallel_loop3A_653 = arith.mulf %parallel_loop3A_629, %parallel_loop3A_652 : vector<16xf32>
        %parallel_loop3A_654 = vector.bitcast %parallel_loop3A_651 : vector<16xf32> to vector<16xi32>
        %parallel_loop3A_655 = vector.bitcast %parallel_loop3A_653 : vector<16xf32> to vector<16xi32>
        %parallel_loop3A_656 = arith.constant 32768 : i32
        %parallel_loop3A_657 = vector.broadcast %parallel_loop3A_656 : i32 to vector<16xi32>
        %parallel_loop3A_658 = arith.addi %parallel_loop3A_654, %parallel_loop3A_657 : vector<16xi32>
        %parallel_loop3A_659 = arith.constant 16 : i32
        %parallel_loop3A_660 = vector.broadcast %parallel_loop3A_659 : i32 to vector<16xi32>
        %parallel_loop3A_661 = arith.shrui %parallel_loop3A_658, %parallel_loop3A_660 : vector<16xi32>
        %parallel_loop3A_662 = arith.constant 32768 : i32
        %parallel_loop3A_663 = vector.broadcast %parallel_loop3A_662 : i32 to vector<16xi32>
        %parallel_loop3A_664 = arith.addi %parallel_loop3A_655, %parallel_loop3A_663 : vector<16xi32>
        %parallel_loop3A_665 = arith.constant -65536 : i32
        %parallel_loop3A_666 = vector.broadcast %parallel_loop3A_665 : i32 to vector<16xi32>
        %parallel_loop3A_667 = arith.andi %parallel_loop3A_664, %parallel_loop3A_666 : vector<16xi32>
        %parallel_loop3A_668 = arith.ori %parallel_loop3A_661, %parallel_loop3A_667 : vector<16xi32>
        %parallel_loop3A_669 = vector.bitcast %parallel_loop3A_668 : vector<16xi32> to vector<16xf32>
        %parallel_loop3A_670 = arith.index_cast %parallel_loop3A_623 : i32 to index
        %parallel_loop3A_671 = tpu.vector_load %arg17[%parallel_loop3A_670] {strides = array<i32>} : memref<2000xf32, #tpu.memory_space<vmem>>, vector<16xf32>,
        tpu.vector_store %arg17[%parallel_loop3A_670], %parallel_loop3A_669 {strides = array<i32>} : memref<2000xf32, #tpu.memory_space<vmem>>, vector<16xf32>,
      } {sc.loop_unroll_factor = 4 : i64, sc.parallel_access}
      %mul3A_558 = arith.constant 3200000 : i32
      %mul3A_559 = arith.muli %arg0, %mul3A_558 : i32
      %add3A_560 = arith.addi %mul3A_559, %multiple_of3A : i32
      %mul3A_561 = arith.constant 2000 : i32
      %mul3A_562 = arith.muli %mul3A_512, %mul3A_561 : i32
      %add3A_563 = arith.addi %add3A_560, %mul3A_562 : i32
      %multiple_of3A_564 = tpu.assume_multiple %add3A_563, 8 : i32
      %dma_start3A_565 = arith.constant 0 : i32
      %dma_start3A_566 = tpu.memref_slice %arg8[%multiple_of3A_564] : memref<6400000xf32, #tpu.memory_space<hbm>> -> memref<2000xf32, #tpu.memory_space<hbm>>
      %dma_start3A_567 = tpu.memref_slice %arg20[%dma_start3A_565] : memref<2x!tpu.dma_semaphore, #tpu.memory_space<semaphore_mem>> -> memref<1x!tpu.dma_semaphore, #tpu.memory_space<semaphore_mem>>
      %dma_start3A_568 = tpu.memref_squeeze %dma_start3A_567 : memref<1x!tpu.dma_semaphore, #tpu.memory_space<semaphore_mem>> -> memref<!tpu.dma_semaphore, #tpu.memory_space<semaphore_mem>>
      %dma_start3A_569 = tpu.memref_slice %arg8[%multiple_of3A_564] : memref<6400000xf32, #tpu.memory_space<hbm>> -> memref<2000xf32, #tpu.memory_space<hbm>>
      tpu.enqueue_dma source(%arg17 : memref<2000xf32, #tpu.memory_space<vmem>>) target(%dma_start3A_569 : memref<2000xf32, #tpu.memory_space<hbm>>) target_semaphore(%dma_start3A_568 : memref<!tpu.dma_semaphore, #tpu.memory_space<semaphore_mem>>)
      %add3A_570 = arith.constant 2 : i32
      %add3A_571 = arith.addi %mul3A_512, %add3A_570 : i32
      %lt3A_572 = arith.constant 100 : i32
      %lt3A_573 = arith.cmpi slt, %add3A_571, %lt3A_572 : i32
      %convert_element_type3A_574 = arith.extui %lt3A_573 : i1 to i32
      %cond3A_575 = arith.constant 0 : i32
      %cond3A_576 = arith.cmpi ne, %convert_element_type3A_574, %cond3A_575 : i32
      scf.if %cond3A_576 {
        %add3A_621 = arith.constant 2 : i32
        %add3A_622 = arith.addi %mul3A_512, %add3A_621 : i32
        %mul3A_623 = arith.constant 2000 : i32
        %mul3A_624 = arith.muli %add3A_622, %mul3A_623 : i32
        %add3A_625 = arith.addi %multiple_of3A, %mul3A_624 : i32
        %multiple_of3A_626 = tpu.assume_multiple %add3A_625, 8 : i32
        %dma_start3A_627 = arith.constant 0 : i32
        %dma_start3A_628 = tpu.memref_slice %arg4[%multiple_of3A_626] : memref<3200000xi32, #tpu.memory_space<hbm>> -> memref<2000xi32, #tpu.memory_space<hbm>>
        %dma_start3A_629 = tpu.memref_slice %arg19[%dma_start3A_627] : memref<2x!tpu.dma_semaphore, #tpu.memory_space<semaphore_mem>> -> memref<1x!tpu.dma_semaphore, #tpu.memory_space<semaphore_mem>>
        %dma_start3A_630 = tpu.memref_squeeze %dma_start3A_629 : memref<1x!tpu.dma_semaphore, #tpu.memory_space<semaphore_mem>> -> memref<!tpu.dma_semaphore, #tpu.memory_space<semaphore_mem>>
        %dma_start3A_631 = tpu.memref_slice %arg4[%multiple_of3A_626] : memref<3200000xi32, #tpu.memory_space<hbm>> -> memref<2000xi32, #tpu.memory_space<hbm>>
        tpu.enqueue_dma source(%dma_start3A_631 : memref<2000xi32, #tpu.memory_space<hbm>>) target(%arg11 : memref<2000xi32, #tpu.memory_space<vmem>>) target_semaphore(%dma_start3A_630 : memref<!tpu.dma_semaphore, #tpu.memory_space<semaphore_mem>>)
        %dma_start3A_632 = arith.constant 0 : i32
        %dma_start3A_633 = tpu.memref_slice %arg5[%multiple_of3A_626] : memref<3200000xi32, #tpu.memory_space<hbm>> -> memref<2000xi32, #tpu.memory_space<hbm>>
        %dma_start3A_634 = tpu.memref_slice %arg19[%dma_start3A_632] : memref<2x!tpu.dma_semaphore, #tpu.memory_space<semaphore_mem>> -> memref<1x!tpu.dma_semaphore, #tpu.memory_space<semaphore_mem>>
        %dma_start3A_635 = tpu.memref_squeeze %dma_start3A_634 : memref<1x!tpu.dma_semaphore, #tpu.memory_space<semaphore_mem>> -> memref<!tpu.dma_semaphore, #tpu.memory_space<semaphore_mem>>
        %dma_start3A_636 = tpu.memref_slice %arg5[%multiple_of3A_626] : memref<3200000xi32, #tpu.memory_space<hbm>> -> memref<2000xi32, #tpu.memory_space<hbm>>
        tpu.enqueue_dma source(%dma_start3A_636 : memref<2000xi32, #tpu.memory_space<hbm>>) target(%arg13 : memref<2000xi32, #tpu.memory_space<vmem>>) target_semaphore(%dma_start3A_635 : memref<!tpu.dma_semaphore, #tpu.memory_space<semaphore_mem>>)
        %dma_start3A_637 = arith.constant 0 : i32
        %dma_start3A_638 = tpu.memref_slice %arg6[%multiple_of3A_626] : memref<3200000xf32, #tpu.memory_space<hbm>> -> memref<2000xf32, #tpu.memory_space<hbm>>
        %dma_start3A_639 = tpu.memref_slice %arg19[%dma_start3A_637] : memref<2x!tpu.dma_semaphore, #tpu.memory_space<semaphore_mem>> -> memref<1x!tpu.dma_semaphore, #tpu.memory_space<semaphore_mem>>
        %dma_start3A_640 = tpu.memref_squeeze %dma_start3A_639 : memref<1x!tpu.dma_semaphore, #tpu.memory_space<semaphore_mem>> -> memref<!tpu.dma_semaphore, #tpu.memory_space<semaphore_mem>>
        %dma_start3A_641 = tpu.memref_slice %arg6[%multiple_of3A_626] : memref<3200000xf32, #tpu.memory_space<hbm>> -> memref<2000xf32, #tpu.memory_space<hbm>>
        tpu.enqueue_dma source(%dma_start3A_641 : memref<2000xf32, #tpu.memory_space<hbm>>) target(%arg15 : memref<2000xf32, #tpu.memory_space<vmem>>) target_semaphore(%dma_start3A_640 : memref<!tpu.dma_semaphore, #tpu.memory_space<semaphore_mem>>)
      } else {
      }
      %add3A_577 = arith.constant 1 : i32
      %add3A_578 = arith.addi %mul3A_512, %add3A_577 : i32
      %mul3A_579 = arith.constant 2000 : i32
      %mul3A_580 = arith.muli %add3A_578, %mul3A_579 : i32
      %add3A_581 = arith.addi %multiple_of3A, %mul3A_580 : i32
      %multiple_of3A_582 = tpu.assume_multiple %add3A_581, 8 : i32
      %dma_wait3A_583 = arith.constant 1 : i32
      %dma_wait3A_584 = tpu.memref_slice %arg4[%multiple_of3A_582] : memref<3200000xi32, #tpu.memory_space<hbm>> -> memref<2000xi32, #tpu.memory_space<hbm>>
      %dma_wait3A_585 = tpu.memref_slice %arg19[%dma_wait3A_583] : memref<2x!tpu.dma_semaphore, #tpu.memory_space<semaphore_mem>> -> memref<1x!tpu.dma_semaphore, #tpu.memory_space<semaphore_mem>>
      %dma_wait3A_586 = tpu.memref_squeeze %dma_wait3A_585 : memref<1x!tpu.dma_semaphore, #tpu.memory_space<semaphore_mem>> -> memref<!tpu.dma_semaphore, #tpu.memory_space<semaphore_mem>>
      %dma_wait3A_587 = tpu.memref_slice %arg4[%multiple_of3A_582] : memref<3200000xi32, #tpu.memory_space<hbm>> -> memref<2000xi32, #tpu.memory_space<hbm>>
      tpu.wait_dma2 semaphore(%dma_wait3A_586 : memref<!tpu.dma_semaphore, #tpu.memory_space<semaphore_mem>>) src(%dma_wait3A_587 : memref<2000xi32, #tpu.memory_space<hbm>>) dst(%arg12 : memref<2000xi32, #tpu.memory_space<vmem>>)
      %dma_wait3A_588 = arith.constant 1 : i32
      %dma_wait3A_589 = tpu.memref_slice %arg5[%multiple_of3A_582] : memref<3200000xi32, #tpu.memory_space<hbm>> -> memref<2000xi32, #tpu.memory_space<hbm>>
      %dma_wait3A_590 = tpu.memref_slice %arg19[%dma_wait3A_588] : memref<2x!tpu.dma_semaphore, #tpu.memory_space<semaphore_mem>> -> memref<1x!tpu.dma_semaphore, #tpu.memory_space<semaphore_mem>>
      %dma_wait3A_591 = tpu.memref_squeeze %dma_wait3A_590 : memref<1x!tpu.dma_semaphore, #tpu.memory_space<semaphore_mem>> -> memref<!tpu.dma_semaphore, #tpu.memory_space<semaphore_mem>>
      %dma_wait3A_592 = tpu.memref_slice %arg5[%multiple_of3A_582] : memref<3200000xi32, #tpu.memory_space<hbm>> -> memref<2000xi32, #tpu.memory_space<hbm>>
      tpu.wait_dma2 semaphore(%dma_wait3A_591 : memref<!tpu.dma_semaphore, #tpu.memory_space<semaphore_mem>>) src(%dma_wait3A_592 : memref<2000xi32, #tpu.memory_space<hbm>>) dst(%arg14 : memref<2000xi32, #tpu.memory_space<vmem>>)
      %dma_wait3A_593 = arith.constant 1 : i32
      %dma_wait3A_594 = tpu.memref_slice %arg6[%multiple_of3A_582] : memref<3200000xf32, #tpu.memory_space<hbm>> -> memref<2000xf32, #tpu.memory_space<hbm>>
      %dma_wait3A_595 = tpu.memref_slice %arg19[%dma_wait3A_593] : memref<2x!tpu.dma_semaphore, #tpu.memory_space<semaphore_mem>> -> memref<1x!tpu.dma_semaphore, #tpu.memory_space<semaphore_mem>>
      %dma_wait3A_596 = tpu.memref_squeeze %dma_wait3A_595 : memref<1x!tpu.dma_semaphore, #tpu.memory_space<semaphore_mem>> -> memref<!tpu.dma_semaphore, #tpu.memory_space<semaphore_mem>>
      %dma_wait3A_597 = tpu.memref_slice %arg6[%multiple_of3A_582] : memref<3200000xf32, #tpu.memory_space<hbm>> -> memref<2000xf32, #tpu.memory_space<hbm>>
      tpu.wait_dma2 semaphore(%dma_wait3A_596 : memref<!tpu.dma_semaphore, #tpu.memory_space<semaphore_mem>>) src(%dma_wait3A_597 : memref<2000xf32, #tpu.memory_space<hbm>>) dst(%arg16 : memref<2000xf32, #tpu.memory_space<vmem>>)
      %ge3A_598 = arith.constant 1 : i32
      %ge3A_599 = arith.cmpi sge, %scan3A_509, %ge3A_598 : i32
      %convert_element_type3A_600 = arith.extui %ge3A_599 : i1 to i32
      %cond3A_601 = arith.constant 0 : i32
      %cond3A_602 = arith.cmpi ne, %convert_element_type3A_600, %cond3A_601 : i32
      scf.if %cond3A_602 {
        %add3A_621 = arith.constant 1 : i32
        %add3A_622 = arith.addi %mul3A_512, %add3A_621 : i32
        %mul3A_623 = arith.constant 3200000 : i32
        %mul3A_624 = arith.muli %arg0, %mul3A_623 : i32
        %add3A_625 = arith.addi %mul3A_624, %multiple_of3A : i32
        %mul3A_626 = arith.constant 2000 : i32
        %mul3A_627 = arith.muli %add3A_622, %mul3A_626 : i32
        %add3A_628 = arith.addi %add3A_625, %mul3A_627 : i32
        %multiple_of3A_629 = tpu.assume_multiple %add3A_628, 8 : i32
        %dma_wait3A_630 = arith.constant 1 : i32
        %dma_wait3A_631 = tpu.memref_slice %arg8[%multiple_of3A_629] : memref<6400000xf32, #tpu.memory_space<hbm>> -> memref<2000xf32, #tpu.memory_space<hbm>>
        %dma_wait3A_632 = tpu.memref_slice %arg20[%dma_wait3A_630] : memref<2x!tpu.dma_semaphore, #tpu.memory_space<semaphore_mem>> -> memref<1x!tpu.dma_semaphore, #tpu.memory_space<semaphore_mem>>
        %dma_wait3A_633 = tpu.memref_squeeze %dma_wait3A_632 : memref<1x!tpu.dma_semaphore, #tpu.memory_space<semaphore_mem>> -> memref<!tpu.dma_semaphore, #tpu.memory_space<semaphore_mem>>
        %dma_wait3A_634 = tpu.memref_slice %arg8[%multiple_of3A_629] : memref<6400000xf32, #tpu.memory_space<hbm>> -> memref<2000xf32, #tpu.memory_space<hbm>>
        tpu.wait_dma2 semaphore(%dma_wait3A_633 : memref<!tpu.dma_semaphore, #tpu.memory_space<semaphore_mem>>) src(%arg18 : memref<2000xf32, #tpu.memory_space<vmem>>) dst(%dma_wait3A_634 : memref<2000xf32, #tpu.memory_space<hbm>>)
      } else {
      }
      %parallel_loop3A_603 = arith.constant 0 : i32
      %parallel_loop3A_604 = arith.constant 125 : i32
      %parallel_loop3A_605 = arith.constant 1 : i32
      scf.for %parallel_loop3A_621 = %parallel_loop3A_603 to %parallel_loop3A_604 step %parallel_loop3A_605  : i32 {
        %parallel_loop3A_622 = arith.constant 16 : i32
        %parallel_loop3A_623 = arith.muli %parallel_loop3A_621, %parallel_loop3A_622 : i32
        %parallel_loop3A_624 = arith.index_cast %parallel_loop3A_623 : i32 to index
        %parallel_loop3A_625 = tpu.vector_load %arg12[%parallel_loop3A_624] {strides = array<i32>} : memref<2000xi32, #tpu.memory_space<vmem>>, vector<16xi32>,
        %parallel_loop3A_626 = arith.index_cast %parallel_loop3A_623 : i32 to index
        %parallel_loop3A_627 = tpu.vector_load %arg14[%parallel_loop3A_626] {strides = array<i32>} : memref<2000xi32, #tpu.memory_space<vmem>>, vector<16xi32>,
        %parallel_loop3A_628 = arith.index_cast %parallel_loop3A_623 : i32 to index
        %parallel_loop3A_629 = tpu.vector_load %arg16[%parallel_loop3A_628] {strides = array<i32>} : memref<2000xf32, #tpu.memory_space<vmem>>, vector<16xf32>,
        %parallel_loop3A_630 = tpu.vector_load_idx %arg10[%parallel_loop3A_625] : memref<100000xf32, #tpu.memory_space<vmem>>[vector<16xi32>], vector<16xf32>,
        %parallel_loop3A_631 = vector.bitcast %parallel_loop3A_630 : vector<16xf32> to vector<16xi32>
        %parallel_loop3A_632 = tpu.vector_load_idx %arg10[%parallel_loop3A_627] : memref<100000xf32, #tpu.memory_space<vmem>>[vector<16xi32>], vector<16xf32>,
        %parallel_loop3A_633 = vector.bitcast %parallel_loop3A_632 : vector<16xf32> to vector<16xi32>
        %parallel_loop3A_634 = arith.constant 16 : i32
        %parallel_loop3A_635 = vector.broadcast %parallel_loop3A_634 : i32 to vector<16xi32>
        %parallel_loop3A_636 = arith.shli %parallel_loop3A_631, %parallel_loop3A_635 : vector<16xi32>
        %parallel_loop3A_637 = vector.bitcast %parallel_loop3A_636 : vector<16xi32> to vector<16xf32>
        %parallel_loop3A_638 = arith.constant 16 : i32
        %parallel_loop3A_639 = vector.broadcast %parallel_loop3A_638 : i32 to vector<16xi32>
        %parallel_loop3A_640 = arith.shli %parallel_loop3A_633, %parallel_loop3A_639 : vector<16xi32>
        %parallel_loop3A_641 = vector.bitcast %parallel_loop3A_640 : vector<16xi32> to vector<16xf32>
        %parallel_loop3A_642 = arith.constant -65536 : i32
        %parallel_loop3A_643 = vector.broadcast %parallel_loop3A_642 : i32 to vector<16xi32>
        %parallel_loop3A_644 = arith.andi %parallel_loop3A_631, %parallel_loop3A_643 : vector<16xi32>
        %parallel_loop3A_645 = vector.bitcast %parallel_loop3A_644 : vector<16xi32> to vector<16xf32>
        %parallel_loop3A_646 = arith.constant -65536 : i32
        %parallel_loop3A_647 = vector.broadcast %parallel_loop3A_646 : i32 to vector<16xi32>
        %parallel_loop3A_648 = arith.andi %parallel_loop3A_633, %parallel_loop3A_647 : vector<16xi32>
        %parallel_loop3A_649 = vector.bitcast %parallel_loop3A_648 : vector<16xi32> to vector<16xf32>
        %parallel_loop3A_650 = arith.subf %parallel_loop3A_637, %parallel_loop3A_641 : vector<16xf32>
        %parallel_loop3A_651 = arith.mulf %parallel_loop3A_629, %parallel_loop3A_650 : vector<16xf32>
        %parallel_loop3A_652 = arith.subf %parallel_loop3A_645, %parallel_loop3A_649 : vector<16xf32>
        %parallel_loop3A_653 = arith.mulf %parallel_loop3A_629, %parallel_loop3A_652 : vector<16xf32>
        %parallel_loop3A_654 = vector.bitcast %parallel_loop3A_651 : vector<16xf32> to vector<16xi32>
        %parallel_loop3A_655 = vector.bitcast %parallel_loop3A_653 : vector<16xf32> to vector<16xi32>
        %parallel_loop3A_656 = arith.constant 32768 : i32
        %parallel_loop3A_657 = vector.broadcast %parallel_loop3A_656 : i32 to vector<16xi32>
        %parallel_loop3A_658 = arith.addi %parallel_loop3A_654, %parallel_loop3A_657 : vector<16xi32>
        %parallel_loop3A_659 = arith.constant 16 : i32
        %parallel_loop3A_660 = vector.broadcast %parallel_loop3A_659 : i32 to vector<16xi32>
        %parallel_loop3A_661 = arith.shrui %parallel_loop3A_658, %parallel_loop3A_660 : vector<16xi32>
        %parallel_loop3A_662 = arith.constant 32768 : i32
        %parallel_loop3A_663 = vector.broadcast %parallel_loop3A_662 : i32 to vector<16xi32>
        %parallel_loop3A_664 = arith.addi %parallel_loop3A_655, %parallel_loop3A_663 : vector<16xi32>
        %parallel_loop3A_665 = arith.constant -65536 : i32
        %parallel_loop3A_666 = vector.broadcast %parallel_loop3A_665 : i32 to vector<16xi32>
        %parallel_loop3A_667 = arith.andi %parallel_loop3A_664, %parallel_loop3A_666 : vector<16xi32>
        %parallel_loop3A_668 = arith.ori %parallel_loop3A_661, %parallel_loop3A_667 : vector<16xi32>
        %parallel_loop3A_669 = vector.bitcast %parallel_loop3A_668 : vector<16xi32> to vector<16xf32>
        %parallel_loop3A_670 = arith.index_cast %parallel_loop3A_623 : i32 to index
        %parallel_loop3A_671 = tpu.vector_load %arg18[%parallel_loop3A_670] {strides = array<i32>} : memref<2000xf32, #tpu.memory_space<vmem>>, vector<16xf32>,
        tpu.vector_store %arg18[%parallel_loop3A_670], %parallel_loop3A_669 {strides = array<i32>} : memref<2000xf32, #tpu.memory_space<vmem>>, vector<16xf32>,
      } {sc.loop_unroll_factor = 4 : i64, sc.parallel_access}
      %add3A_606 = arith.constant 1 : i32
      %add3A_607 = arith.addi %mul3A_512, %add3A_606 : i32
      %mul3A_608 = arith.constant 3200000 : i32
      %mul3A_609 = arith.muli %arg0, %mul3A_608 : i32
      %add3A_610 = arith.addi %mul3A_609, %multiple_of3A : i32
      %mul3A_611 = arith.constant 2000 : i32
      %mul3A_612 = arith.muli %add3A_607, %mul3A_611 : i32
      %add3A_613 = arith.addi %add3A_610, %mul3A_612 : i32
      %multiple_of3A_614 = tpu.assume_multiple %add3A_613, 8 : i32
      %dma_start3A_615 = arith.constant 1 : i32
      %dma_start3A_616 = tpu.memref_slice %arg8[%multiple_of3A_614] : memref<6400000xf32, #tpu.memory_space<hbm>> -> memref<2000xf32, #tpu.memory_space<hbm>>
      %dma_start3A_617 = tpu.memref_slice %arg20[%dma_start3A_615] : memref<2x!tpu.dma_semaphore, #tpu.memory_space<semaphore_mem>> -> memref<1x!tpu.dma_semaphore, #tpu.memory_space<semaphore_mem>>
      %dma_start3A_618 = tpu.memref_squeeze %dma_start3A_617 : memref<1x!tpu.dma_semaphore, #tpu.memory_space<semaphore_mem>> -> memref<!tpu.dma_semaphore, #tpu.memory_space<semaphore_mem>>
      %dma_start3A_619 = tpu.memref_slice %arg8[%multiple_of3A_614] : memref<6400000xf32, #tpu.memory_space<hbm>> -> memref<2000xf32, #tpu.memory_space<hbm>>
      tpu.enqueue_dma source(%arg18 : memref<2000xf32, #tpu.memory_space<vmem>>) target(%dma_start3A_619 : memref<2000xf32, #tpu.memory_space<hbm>>) target_semaphore(%dma_start3A_618 : memref<!tpu.dma_semaphore, #tpu.memory_space<semaphore_mem>>)
      %scan3A_620 = arith.constant 0 : i32
      scf.yield %scan3A_620 : i32
    }
    %scan3A_97 = arith.constant 50 : i32
    %mul3A_98 = arith.constant 3200000 : i32
    %mul3A_99 = arith.muli %arg0, %mul3A_98 : i32
    %add3A_100 = arith.addi %mul3A_99, %multiple_of3A : i32
    %add3A_101 = arith.constant 196000 : i32
    %add3A_102 = arith.addi %add3A_100, %add3A_101 : i32
    %multiple_of3A_103 = tpu.assume_multiple %add3A_102, 8 : i32
    %dma_wait3A_104 = arith.constant 0 : i32
    %dma_wait3A_105 = tpu.memref_slice %arg8[%multiple_of3A_103] : memref<6400000xf32, #tpu.memory_space<hbm>> -> memref<2000xf32, #tpu.memory_space<hbm>>
    %dma_wait3A_106 = tpu.memref_slice %arg20[%dma_wait3A_104] : memref<2x!tpu.dma_semaphore, #tpu.memory_space<semaphore_mem>> -> memref<1x!tpu.dma_semaphore, #tpu.memory_space<semaphore_mem>>
    %dma_wait3A_107 = tpu.memref_squeeze %dma_wait3A_106 : memref<1x!tpu.dma_semaphore, #tpu.memory_space<semaphore_mem>> -> memref<!tpu.dma_semaphore, #tpu.memory_space<semaphore_mem>>
    %dma_wait3A_108 = tpu.memref_slice %arg8[%multiple_of3A_103] : memref<6400000xf32, #tpu.memory_space<hbm>> -> memref<2000xf32, #tpu.memory_space<hbm>>
    tpu.wait_dma2 semaphore(%dma_wait3A_107 : memref<!tpu.dma_semaphore, #tpu.memory_space<semaphore_mem>>) src(%arg17 : memref<2000xf32, #tpu.memory_space<vmem>>) dst(%dma_wait3A_108 : memref<2000xf32, #tpu.memory_space<hbm>>)
    %mul3A_109 = arith.constant 3200000 : i32
    %mul3A_110 = arith.muli %arg0, %mul3A_109 : i32
    %add3A_111 = arith.addi %mul3A_110, %multiple_of3A : i32
    %add3A_112 = arith.constant 198000 : i32
    %add3A_113 = arith.addi %add3A_111, %add3A_112 : i32
    %multiple_of3A_114 = tpu.assume_multiple %add3A_113, 8 : i32
    %dma_wait3A_115 = arith.constant 1 : i32
    %dma_wait3A_116 = tpu.memref_slice %arg8[%multiple_of3A_114] : memref<6400000xf32, #tpu.memory_space<hbm>> -> memref<2000xf32, #tpu.memory_space<hbm>>
    %dma_wait3A_117 = tpu.memref_slice %arg20[%dma_wait3A_115] : memref<2x!tpu.dma_semaphore, #tpu.memory_space<semaphore_mem>> -> memref<1x!tpu.dma_semaphore, #tpu.memory_space<semaphore_mem>>
    %dma_wait3A_118 = tpu.memref_squeeze %dma_wait3A_117 : memref<1x!tpu.dma_semaphore, #tpu.memory_space<semaphore_mem>> -> memref<!tpu.dma_semaphore, #tpu.memory_space<semaphore_mem>>
    %dma_wait3A_119 = tpu.memref_slice %arg8[%multiple_of3A_114] : memref<6400000xf32, #tpu.memory_space<hbm>> -> memref<2000xf32, #tpu.memory_space<hbm>>
    tpu.wait_dma2 semaphore(%dma_wait3A_118 : memref<!tpu.dma_semaphore, #tpu.memory_space<semaphore_mem>>) src(%arg18 : memref<2000xf32, #tpu.memory_space<vmem>>) dst(%dma_wait3A_119 : memref<2000xf32, #tpu.memory_space<hbm>>)
    %barrier3A = arith.constant 0 : index
    tpu.barrier barrier_id(%barrier3A)
    "tpu.trace_stop"() : () -> ()
    "tpu.trace_start"() <{level = 10 : i32, message = "ph2_scatter"}> : () -> ()
    %add3A_120 = arith.constant 0 : i32
    %add3A_121 = arith.addi %multiple_of3A_59, %add3A_120 : i32
    %multiple_of3A_122 = tpu.assume_multiple %add3A_121, 8 : i32
    %dma_start3A_123 = arith.constant 0 : i32
    %dma_start3A_124 = tpu.memref_slice %arg4[%multiple_of3A_122] : memref<3200000xi32, #tpu.memory_space<hbm>> -> memref<2000xi32, #tpu.memory_space<hbm>>
    %dma_start3A_125 = tpu.memref_slice %arg19[%dma_start3A_123] : memref<2x!tpu.dma_semaphore, #tpu.memory_space<semaphore_mem>> -> memref<1x!tpu.dma_semaphore, #tpu.memory_space<semaphore_mem>>
    %dma_start3A_126 = tpu.memref_squeeze %dma_start3A_125 : memref<1x!tpu.dma_semaphore, #tpu.memory_space<semaphore_mem>> -> memref<!tpu.dma_semaphore, #tpu.memory_space<semaphore_mem>>
    %dma_start3A_127 = tpu.memref_slice %arg4[%multiple_of3A_122] : memref<3200000xi32, #tpu.memory_space<hbm>> -> memref<2000xi32, #tpu.memory_space<hbm>>
    tpu.enqueue_dma source(%dma_start3A_127 : memref<2000xi32, #tpu.memory_space<hbm>>) target(%arg11 : memref<2000xi32, #tpu.memory_space<vmem>>) target_semaphore(%dma_start3A_126 : memref<!tpu.dma_semaphore, #tpu.memory_space<semaphore_mem>>)
    %dma_start3A_128 = arith.constant 0 : i32
    %dma_start3A_129 = tpu.memref_slice %arg5[%multiple_of3A_122] : memref<3200000xi32, #tpu.memory_space<hbm>> -> memref<2000xi32, #tpu.memory_space<hbm>>
    %dma_start3A_130 = tpu.memref_slice %arg19[%dma_start3A_128] : memref<2x!tpu.dma_semaphore, #tpu.memory_space<semaphore_mem>> -> memref<1x!tpu.dma_semaphore, #tpu.memory_space<semaphore_mem>>
    %dma_start3A_131 = tpu.memref_squeeze %dma_start3A_130 : memref<1x!tpu.dma_semaphore, #tpu.memory_space<semaphore_mem>> -> memref<!tpu.dma_semaphore, #tpu.memory_space<semaphore_mem>>
    %dma_start3A_132 = tpu.memref_slice %arg5[%multiple_of3A_122] : memref<3200000xi32, #tpu.memory_space<hbm>> -> memref<2000xi32, #tpu.memory_space<hbm>>
    tpu.enqueue_dma source(%dma_start3A_132 : memref<2000xi32, #tpu.memory_space<hbm>>) target(%arg13 : memref<2000xi32, #tpu.memory_space<vmem>>) target_semaphore(%dma_start3A_131 : memref<!tpu.dma_semaphore, #tpu.memory_space<semaphore_mem>>)
    %mul3A_133 = arith.constant 3200000 : i32
    %mul3A_134 = arith.muli %arg0, %mul3A_133 : i32
    %add3A_135 = arith.addi %mul3A_134, %multiple_of3A_59 : i32
    %add3A_136 = arith.constant 0 : i32
    %add3A_137 = arith.addi %add3A_135, %add3A_136 : i32
    %multiple_of3A_138 = tpu.assume_multiple %add3A_137, 8 : i32
    %dma_start3A_139 = arith.constant 0 : i32
    %dma_start3A_140 = tpu.memref_slice %arg8[%multiple_of3A_138] : memref<6400000xf32, #tpu.memory_space<hbm>> -> memref<2000xf32, #tpu.memory_space<hbm>>
    %dma_start3A_141 = tpu.memref_slice %arg19[%dma_start3A_139] : memref<2x!tpu.dma_semaphore, #tpu.memory_space<semaphore_mem>> -> memref<1x!tpu.dma_semaphore, #tpu.memory_space<semaphore_mem>>
    %dma_start3A_142 = tpu.memref_squeeze %dma_start3A_141 : memref<1x!tpu.dma_semaphore, #tpu.memory_space<semaphore_mem>> -> memref<!tpu.dma_semaphore, #tpu.memory_space<semaphore_mem>>
    %dma_start3A_143 = tpu.memref_slice %arg8[%multiple_of3A_138] : memref<6400000xf32, #tpu.memory_space<hbm>> -> memref<2000xf32, #tpu.memory_space<hbm>>
    tpu.enqueue_dma source(%dma_start3A_143 : memref<2000xf32, #tpu.memory_space<hbm>>) target(%arg15 : memref<2000xf32, #tpu.memory_space<vmem>>) target_semaphore(%dma_start3A_142 : memref<!tpu.dma_semaphore, #tpu.memory_space<semaphore_mem>>)
    %broadcast_in_dim3A = arith.constant 0.000000e+00 : f32
    %broadcast_in_dim3A_144 = vector.broadcast %broadcast_in_dim3A : f32 to vector<16xf32>
    %parallel_loop3A = arith.constant 0 : i32
    %parallel_loop3A_145 = arith.constant 6250 : i32
    %parallel_loop3A_146 = arith.constant 1 : i32
    scf.for %parallel_loop3A_509 = %parallel_loop3A to %parallel_loop3A_145 step %parallel_loop3A_146  : i32 {
      %parallel_loop3A_510 = arith.constant 16 : i32
      %parallel_loop3A_511 = arith.muli %parallel_loop3A_509, %parallel_loop3A_510 : i32
      %parallel_loop3A_512 = arith.index_cast %parallel_loop3A_511 : i32 to index
      %parallel_loop3A_513 = tpu.vector_load %arg10[%parallel_loop3A_512] {strides = array<i32>} : memref<100000xf32, #tpu.memory_space<vmem>>, vector<16xf32>,
      tpu.vector_store %arg10[%parallel_loop3A_512], %broadcast_in_dim3A_144 {strides = array<i32>} : memref<100000xf32, #tpu.memory_space<vmem>>, vector<16xf32>,
    } {sc.loop_unroll_factor = 8 : i64, sc.parallel_access}
    %broadcast_in_dim3A_147 = arith.constant 0 : i32
    %broadcast_in_dim3A_148 = vector.broadcast %broadcast_in_dim3A_147 : i32 to vector<16xi32>
    %mul3A_149 = arith.constant 16 : i32
    %mul3A_150 = arith.muli %select_n3A_40, %mul3A_149 : i32
    %add3A_151 = vector.broadcast %mul3A_150 : i32 to vector<16xi32>
    %add3A_152 = arith.addi %broadcast_in_dim3A_148, %add3A_151 : vector<16xi32>
    %scan3A_153 = arith.constant 0 : i32
    %scan3A_154 = arith.constant 0 : i32
    %scan3A_155 = arith.constant 100 : i32
    %scan3A_156 = arith.addi %scan3A_154, %scan3A_155 : i32
    %scan3A_157 = arith.constant 1 : i32
    %scan3A_158 = scf.for %scan3A_509 = %scan3A_154 to %scan3A_156 step %scan3A_157 iter_args(%scan3A_510 = %scan3A_153) -> (i32)  : i32 {
      %mul3A_511 = arith.constant 2 : i32
      %mul3A_512 = arith.muli %scan3A_509, %mul3A_511 : i32
      %add3A_513 = arith.constant 1 : i32
      %add3A_514 = arith.addi %mul3A_512, %add3A_513 : i32
      %mul3A_515 = arith.constant 2000 : i32
      %mul3A_516 = arith.muli %add3A_514, %mul3A_515 : i32
      %add3A_517 = arith.addi %multiple_of3A_59, %mul3A_516 : i32
      %multiple_of3A_518 = tpu.assume_multiple %add3A_517, 8 : i32
      %dma_start3A_519 = arith.constant 1 : i32
      %dma_start3A_520 = tpu.memref_slice %arg4[%multiple_of3A_518] : memref<3200000xi32, #tpu.memory_space<hbm>> -> memref<2000xi32, #tpu.memory_space<hbm>>
      %dma_start3A_521 = tpu.memref_slice %arg19[%dma_start3A_519] : memref<2x!tpu.dma_semaphore, #tpu.memory_space<semaphore_mem>> -> memref<1x!tpu.dma_semaphore, #tpu.memory_space<semaphore_mem>>
      %dma_start3A_522 = tpu.memref_squeeze %dma_start3A_521 : memref<1x!tpu.dma_semaphore, #tpu.memory_space<semaphore_mem>> -> memref<!tpu.dma_semaphore, #tpu.memory_space<semaphore_mem>>
      %dma_start3A_523 = tpu.memref_slice %arg4[%multiple_of3A_518] : memref<3200000xi32, #tpu.memory_space<hbm>> -> memref<2000xi32, #tpu.memory_space<hbm>>
      tpu.enqueue_dma source(%dma_start3A_523 : memref<2000xi32, #tpu.memory_space<hbm>>) target(%arg12 : memref<2000xi32, #tpu.memory_space<vmem>>) target_semaphore(%dma_start3A_522 : memref<!tpu.dma_semaphore, #tpu.memory_space<semaphore_mem>>)
      %dma_start3A_524 = arith.constant 1 : i32
      %dma_start3A_525 = tpu.memref_slice %arg5[%multiple_of3A_518] : memref<3200000xi32, #tpu.memory_space<hbm>> -> memref<2000xi32, #tpu.memory_space<hbm>>
      %dma_start3A_526 = tpu.memref_slice %arg19[%dma_start3A_524] : memref<2x!tpu.dma_semaphore, #tpu.memory_space<semaphore_mem>> -> memref<1x!tpu.dma_semaphore, #tpu.memory_space<semaphore_mem>>
      %dma_start3A_527 = tpu.memref_squeeze %dma_start3A_526 : memref<1x!tpu.dma_semaphore, #tpu.memory_space<semaphore_mem>> -> memref<!tpu.dma_semaphore, #tpu.memory_space<semaphore_mem>>
      %dma_start3A_528 = tpu.memref_slice %arg5[%multiple_of3A_518] : memref<3200000xi32, #tpu.memory_space<hbm>> -> memref<2000xi32, #tpu.memory_space<hbm>>
      tpu.enqueue_dma source(%dma_start3A_528 : memref<2000xi32, #tpu.memory_space<hbm>>) target(%arg14 : memref<2000xi32, #tpu.memory_space<vmem>>) target_semaphore(%dma_start3A_527 : memref<!tpu.dma_semaphore, #tpu.memory_space<semaphore_mem>>)
      %mul3A_529 = arith.constant 3200000 : i32
      %mul3A_530 = arith.muli %arg0, %mul3A_529 : i32
      %add3A_531 = arith.addi %mul3A_530, %multiple_of3A_59 : i32
      %mul3A_532 = arith.constant 2000 : i32
      %mul3A_533 = arith.muli %add3A_514, %mul3A_532 : i32
      %add3A_534 = arith.addi %add3A_531, %mul3A_533 : i32
      %multiple_of3A_535 = tpu.assume_multiple %add3A_534, 8 : i32
      %dma_start3A_536 = arith.constant 1 : i32
      %dma_start3A_537 = tpu.memref_slice %arg8[%multiple_of3A_535] : memref<6400000xf32, #tpu.memory_space<hbm>> -> memref<2000xf32, #tpu.memory_space<hbm>>
      %dma_start3A_538 = tpu.memref_slice %arg19[%dma_start3A_536] : memref<2x!tpu.dma_semaphore, #tpu.memory_space<semaphore_mem>> -> memref<1x!tpu.dma_semaphore, #tpu.memory_space<semaphore_mem>>
      %dma_start3A_539 = tpu.memref_squeeze %dma_start3A_538 : memref<1x!tpu.dma_semaphore, #tpu.memory_space<semaphore_mem>> -> memref<!tpu.dma_semaphore, #tpu.memory_space<semaphore_mem>>
      %dma_start3A_540 = tpu.memref_slice %arg8[%multiple_of3A_535] : memref<6400000xf32, #tpu.memory_space<hbm>> -> memref<2000xf32, #tpu.memory_space<hbm>>
      tpu.enqueue_dma source(%dma_start3A_540 : memref<2000xf32, #tpu.memory_space<hbm>>) target(%arg16 : memref<2000xf32, #tpu.memory_space<vmem>>) target_semaphore(%dma_start3A_539 : memref<!tpu.dma_semaphore, #tpu.memory_space<semaphore_mem>>)
      %mul3A_541 = arith.constant 2000 : i32
      %mul3A_542 = arith.muli %mul3A_512, %mul3A_541 : i32
      %add3A_543 = arith.addi %multiple_of3A_59, %mul3A_542 : i32
      %multiple_of3A_544 = tpu.assume_multiple %add3A_543, 8 : i32
      %dma_wait3A_545 = arith.constant 0 : i32
      %dma_wait3A_546 = tpu.memref_slice %arg4[%multiple_of3A_544] : memref<3200000xi32, #tpu.memory_space<hbm>> -> memref<2000xi32, #tpu.memory_space<hbm>>
      %dma_wait3A_547 = tpu.memref_slice %arg19[%dma_wait3A_545] : memref<2x!tpu.dma_semaphore, #tpu.memory_space<semaphore_mem>> -> memref<1x!tpu.dma_semaphore, #tpu.memory_space<semaphore_mem>>
      %dma_wait3A_548 = tpu.memref_squeeze %dma_wait3A_547 : memref<1x!tpu.dma_semaphore, #tpu.memory_space<semaphore_mem>> -> memref<!tpu.dma_semaphore, #tpu.memory_space<semaphore_mem>>
      %dma_wait3A_549 = tpu.memref_slice %arg4[%multiple_of3A_544] : memref<3200000xi32, #tpu.memory_space<hbm>> -> memref<2000xi32, #tpu.memory_space<hbm>>
      tpu.wait_dma2 semaphore(%dma_wait3A_548 : memref<!tpu.dma_semaphore, #tpu.memory_space<semaphore_mem>>) src(%dma_wait3A_549 : memref<2000xi32, #tpu.memory_space<hbm>>) dst(%arg11 : memref<2000xi32, #tpu.memory_space<vmem>>)
      %dma_wait3A_550 = arith.constant 0 : i32
      %dma_wait3A_551 = tpu.memref_slice %arg5[%multiple_of3A_544] : memref<3200000xi32, #tpu.memory_space<hbm>> -> memref<2000xi32, #tpu.memory_space<hbm>>
      %dma_wait3A_552 = tpu.memref_slice %arg19[%dma_wait3A_550] : memref<2x!tpu.dma_semaphore, #tpu.memory_space<semaphore_mem>> -> memref<1x!tpu.dma_semaphore, #tpu.memory_space<semaphore_mem>>
      %dma_wait3A_553 = tpu.memref_squeeze %dma_wait3A_552 : memref<1x!tpu.dma_semaphore, #tpu.memory_space<semaphore_mem>> -> memref<!tpu.dma_semaphore, #tpu.memory_space<semaphore_mem>>
      %dma_wait3A_554 = tpu.memref_slice %arg5[%multiple_of3A_544] : memref<3200000xi32, #tpu.memory_space<hbm>> -> memref<2000xi32, #tpu.memory_space<hbm>>
      tpu.wait_dma2 semaphore(%dma_wait3A_553 : memref<!tpu.dma_semaphore, #tpu.memory_space<semaphore_mem>>) src(%dma_wait3A_554 : memref<2000xi32, #tpu.memory_space<hbm>>) dst(%arg13 : memref<2000xi32, #tpu.memory_space<vmem>>)
      %mul3A_555 = arith.constant 3200000 : i32
      %mul3A_556 = arith.muli %arg0, %mul3A_555 : i32
      %add3A_557 = arith.addi %mul3A_556, %multiple_of3A_59 : i32
      %mul3A_558 = arith.constant 2000 : i32
      %mul3A_559 = arith.muli %mul3A_512, %mul3A_558 : i32
      %add3A_560 = arith.addi %add3A_557, %mul3A_559 : i32
      %multiple_of3A_561 = tpu.assume_multiple %add3A_560, 8 : i32
      %dma_wait3A_562 = arith.constant 0 : i32
      %dma_wait3A_563 = tpu.memref_slice %arg8[%multiple_of3A_561] : memref<6400000xf32, #tpu.memory_space<hbm>> -> memref<2000xf32, #tpu.memory_space<hbm>>
      %dma_wait3A_564 = tpu.memref_slice %arg19[%dma_wait3A_562] : memref<2x!tpu.dma_semaphore, #tpu.memory_space<semaphore_mem>> -> memref<1x!tpu.dma_semaphore, #tpu.memory_space<semaphore_mem>>
      %dma_wait3A_565 = tpu.memref_squeeze %dma_wait3A_564 : memref<1x!tpu.dma_semaphore, #tpu.memory_space<semaphore_mem>> -> memref<!tpu.dma_semaphore, #tpu.memory_space<semaphore_mem>>
      %dma_wait3A_566 = tpu.memref_slice %arg8[%multiple_of3A_561] : memref<6400000xf32, #tpu.memory_space<hbm>> -> memref<2000xf32, #tpu.memory_space<hbm>>
      tpu.wait_dma2 semaphore(%dma_wait3A_565 : memref<!tpu.dma_semaphore, #tpu.memory_space<semaphore_mem>>) src(%dma_wait3A_566 : memref<2000xf32, #tpu.memory_space<hbm>>) dst(%arg15 : memref<2000xf32, #tpu.memory_space<vmem>>)
      %parallel_loop3A_567 = arith.constant 0 : i32
      %parallel_loop3A_568 = arith.constant 125 : i32
      %parallel_loop3A_569 = arith.constant 1 : i32
      scf.for %parallel_loop3A_607 = %parallel_loop3A_567 to %parallel_loop3A_568 step %parallel_loop3A_569  : i32 {
        %parallel_loop3A_608 = arith.constant 16 : i32
        %parallel_loop3A_609 = arith.muli %parallel_loop3A_607, %parallel_loop3A_608 : i32
        %parallel_loop3A_610 = arith.index_cast %parallel_loop3A_609 : i32 to index
        %parallel_loop3A_611 = tpu.vector_load %arg11[%parallel_loop3A_610] {strides = array<i32>} : memref<2000xi32, #tpu.memory_space<vmem>>, vector<16xi32>,
        %parallel_loop3A_612 = arith.index_cast %parallel_loop3A_609 : i32 to index
        %parallel_loop3A_613 = tpu.vector_load %arg13[%parallel_loop3A_612] {strides = array<i32>} : memref<2000xi32, #tpu.memory_space<vmem>>, vector<16xi32>,
        %parallel_loop3A_614 = arith.index_cast %parallel_loop3A_609 : i32 to index
        %parallel_loop3A_615 = tpu.vector_load %arg15[%parallel_loop3A_614] {strides = array<i32>} : memref<2000xf32, #tpu.memory_space<vmem>>, vector<16xf32>,
        %parallel_loop3A_616 = vector.bitcast %parallel_loop3A_615 : vector<16xf32> to vector<16xi32>
        %parallel_loop3A_617 = arith.shrsi %parallel_loop3A_616, %add3A_152 : vector<16xi32>
        %parallel_loop3A_618 = arith.constant 16 : i32
        %parallel_loop3A_619 = vector.broadcast %parallel_loop3A_618 : i32 to vector<16xi32>
        %parallel_loop3A_620 = arith.shli %parallel_loop3A_617, %parallel_loop3A_619 : vector<16xi32>
        %parallel_loop3A_621 = vector.bitcast %parallel_loop3A_620 : vector<16xi32> to vector<16xf32>
        tpu.vector_store_idx %arg10[%parallel_loop3A_611], %parallel_loop3A_621 {add = true} : memref<100000xf32, #tpu.memory_space<vmem>>[vector<16xi32>], vector<16xf32>,
        %parallel_loop3A_622 = arith.constant 0.000000e+00 : f32
        %parallel_loop3A_623 = vector.broadcast %parallel_loop3A_622 : f32 to vector<16xf32>
        %parallel_loop3A_624 = arith.subf %parallel_loop3A_623, %parallel_loop3A_621 : vector<16xf32>
        tpu.vector_store_idx %arg10[%parallel_loop3A_613], %parallel_loop3A_624 {add = true} : memref<100000xf32, #tpu.memory_space<vmem>>[vector<16xi32>], vector<16xf32>,
      } {sc.loop_unroll_factor = 4 : i64, sc.parallel_access}
      %add3A_570 = arith.constant 2 : i32
      %add3A_571 = arith.addi %mul3A_512, %add3A_570 : i32
      %lt3A_572 = arith.constant 200 : i32
      %lt3A_573 = arith.cmpi slt, %add3A_571, %lt3A_572 : i32
      %convert_element_type3A = arith.extui %lt3A_573 : i1 to i32
      %cond3A = arith.constant 0 : i32
      %cond3A_574 = arith.cmpi ne, %convert_element_type3A, %cond3A : i32
      scf.if %cond3A_574 {
        %add3A_607 = arith.constant 2 : i32
        %add3A_608 = arith.addi %mul3A_512, %add3A_607 : i32
        %mul3A_609 = arith.constant 2000 : i32
        %mul3A_610 = arith.muli %add3A_608, %mul3A_609 : i32
        %add3A_611 = arith.addi %multiple_of3A_59, %mul3A_610 : i32
        %multiple_of3A_612 = tpu.assume_multiple %add3A_611, 8 : i32
        %dma_start3A_613 = arith.constant 0 : i32
        %dma_start3A_614 = tpu.memref_slice %arg4[%multiple_of3A_612] : memref<3200000xi32, #tpu.memory_space<hbm>> -> memref<2000xi32, #tpu.memory_space<hbm>>
        %dma_start3A_615 = tpu.memref_slice %arg19[%dma_start3A_613] : memref<2x!tpu.dma_semaphore, #tpu.memory_space<semaphore_mem>> -> memref<1x!tpu.dma_semaphore, #tpu.memory_space<semaphore_mem>>
        %dma_start3A_616 = tpu.memref_squeeze %dma_start3A_615 : memref<1x!tpu.dma_semaphore, #tpu.memory_space<semaphore_mem>> -> memref<!tpu.dma_semaphore, #tpu.memory_space<semaphore_mem>>
        %dma_start3A_617 = tpu.memref_slice %arg4[%multiple_of3A_612] : memref<3200000xi32, #tpu.memory_space<hbm>> -> memref<2000xi32, #tpu.memory_space<hbm>>
        tpu.enqueue_dma source(%dma_start3A_617 : memref<2000xi32, #tpu.memory_space<hbm>>) target(%arg11 : memref<2000xi32, #tpu.memory_space<vmem>>) target_semaphore(%dma_start3A_616 : memref<!tpu.dma_semaphore, #tpu.memory_space<semaphore_mem>>)
        %dma_start3A_618 = arith.constant 0 : i32
        %dma_start3A_619 = tpu.memref_slice %arg5[%multiple_of3A_612] : memref<3200000xi32, #tpu.memory_space<hbm>> -> memref<2000xi32, #tpu.memory_space<hbm>>
        %dma_start3A_620 = tpu.memref_slice %arg19[%dma_start3A_618] : memref<2x!tpu.dma_semaphore, #tpu.memory_space<semaphore_mem>> -> memref<1x!tpu.dma_semaphore, #tpu.memory_space<semaphore_mem>>
        %dma_start3A_621 = tpu.memref_squeeze %dma_start3A_620 : memref<1x!tpu.dma_semaphore, #tpu.memory_space<semaphore_mem>> -> memref<!tpu.dma_semaphore, #tpu.memory_space<semaphore_mem>>
        %dma_start3A_622 = tpu.memref_slice %arg5[%multiple_of3A_612] : memref<3200000xi32, #tpu.memory_space<hbm>> -> memref<2000xi32, #tpu.memory_space<hbm>>
        tpu.enqueue_dma source(%dma_start3A_622 : memref<2000xi32, #tpu.memory_space<hbm>>) target(%arg13 : memref<2000xi32, #tpu.memory_space<vmem>>) target_semaphore(%dma_start3A_621 : memref<!tpu.dma_semaphore, #tpu.memory_space<semaphore_mem>>)
        %mul3A_623 = arith.constant 3200000 : i32
        %mul3A_624 = arith.muli %arg0, %mul3A_623 : i32
        %add3A_625 = arith.addi %mul3A_624, %multiple_of3A_59 : i32
        %mul3A_626 = arith.constant 2000 : i32
        %mul3A_627 = arith.muli %add3A_608, %mul3A_626 : i32
        %add3A_628 = arith.addi %add3A_625, %mul3A_627 : i32
        %multiple_of3A_629 = tpu.assume_multiple %add3A_628, 8 : i32
        %dma_start3A_630 = arith.constant 0 : i32
        %dma_start3A_631 = tpu.memref_slice %arg8[%multiple_of3A_629] : memref<6400000xf32, #tpu.memory_space<hbm>> -> memref<2000xf32, #tpu.memory_space<hbm>>
        %dma_start3A_632 = tpu.memref_slice %arg19[%dma_start3A_630] : memref<2x!tpu.dma_semaphore, #tpu.memory_space<semaphore_mem>> -> memref<1x!tpu.dma_semaphore, #tpu.memory_space<semaphore_mem>>
        %dma_start3A_633 = tpu.memref_squeeze %dma_start3A_632 : memref<1x!tpu.dma_semaphore, #tpu.memory_space<semaphore_mem>> -> memref<!tpu.dma_semaphore, #tpu.memory_space<semaphore_mem>>
        %dma_start3A_634 = tpu.memref_slice %arg8[%multiple_of3A_629] : memref<6400000xf32, #tpu.memory_space<hbm>> -> memref<2000xf32, #tpu.memory_space<hbm>>
        tpu.enqueue_dma source(%dma_start3A_634 : memref<2000xf32, #tpu.memory_space<hbm>>) target(%arg15 : memref<2000xf32, #tpu.memory_space<vmem>>) target_semaphore(%dma_start3A_633 : memref<!tpu.dma_semaphore, #tpu.memory_space<semaphore_mem>>)
      } else {
      }
      %add3A_575 = arith.constant 1 : i32
      %add3A_576 = arith.addi %mul3A_512, %add3A_575 : i32
      %mul3A_577 = arith.constant 2000 : i32
      %mul3A_578 = arith.muli %add3A_576, %mul3A_577 : i32
      %add3A_579 = arith.addi %multiple_of3A_59, %mul3A_578 : i32
      %multiple_of3A_580 = tpu.assume_multiple %add3A_579, 8 : i32
      %dma_wait3A_581 = arith.constant 1 : i32
      %dma_wait3A_582 = tpu.memref_slice %arg4[%multiple_of3A_580] : memref<3200000xi32, #tpu.memory_space<hbm>> -> memref<2000xi32, #tpu.memory_space<hbm>>
      %dma_wait3A_583 = tpu.memref_slice %arg19[%dma_wait3A_581] : memref<2x!tpu.dma_semaphore, #tpu.memory_space<semaphore_mem>> -> memref<1x!tpu.dma_semaphore, #tpu.memory_space<semaphore_mem>>
      %dma_wait3A_584 = tpu.memref_squeeze %dma_wait3A_583 : memref<1x!tpu.dma_semaphore, #tpu.memory_space<semaphore_mem>> -> memref<!tpu.dma_semaphore, #tpu.memory_space<semaphore_mem>>
      %dma_wait3A_585 = tpu.memref_slice %arg4[%multiple_of3A_580] : memref<3200000xi32, #tpu.memory_space<hbm>> -> memref<2000xi32, #tpu.memory_space<hbm>>
      tpu.wait_dma2 semaphore(%dma_wait3A_584 : memref<!tpu.dma_semaphore, #tpu.memory_space<semaphore_mem>>) src(%dma_wait3A_585 : memref<2000xi32, #tpu.memory_space<hbm>>) dst(%arg12 : memref<2000xi32, #tpu.memory_space<vmem>>)
      %dma_wait3A_586 = arith.constant 1 : i32
      %dma_wait3A_587 = tpu.memref_slice %arg5[%multiple_of3A_580] : memref<3200000xi32, #tpu.memory_space<hbm>> -> memref<2000xi32, #tpu.memory_space<hbm>>
      %dma_wait3A_588 = tpu.memref_slice %arg19[%dma_wait3A_586] : memref<2x!tpu.dma_semaphore, #tpu.memory_space<semaphore_mem>> -> memref<1x!tpu.dma_semaphore, #tpu.memory_space<semaphore_mem>>
      %dma_wait3A_589 = tpu.memref_squeeze %dma_wait3A_588 : memref<1x!tpu.dma_semaphore, #tpu.memory_space<semaphore_mem>> -> memref<!tpu.dma_semaphore, #tpu.memory_space<semaphore_mem>>
      %dma_wait3A_590 = tpu.memref_slice %arg5[%multiple_of3A_580] : memref<3200000xi32, #tpu.memory_space<hbm>> -> memref<2000xi32, #tpu.memory_space<hbm>>
      tpu.wait_dma2 semaphore(%dma_wait3A_589 : memref<!tpu.dma_semaphore, #tpu.memory_space<semaphore_mem>>) src(%dma_wait3A_590 : memref<2000xi32, #tpu.memory_space<hbm>>) dst(%arg14 : memref<2000xi32, #tpu.memory_space<vmem>>)
      %mul3A_591 = arith.constant 3200000 : i32
      %mul3A_592 = arith.muli %arg0, %mul3A_591 : i32
      %add3A_593 = arith.addi %mul3A_592, %multiple_of3A_59 : i32
      %mul3A_594 = arith.constant 2000 : i32
      %mul3A_595 = arith.muli %add3A_576, %mul3A_594 : i32
      %add3A_596 = arith.addi %add3A_593, %mul3A_595 : i32
      %multiple_of3A_597 = tpu.assume_multiple %add3A_596, 8 : i32
      %dma_wait3A_598 = arith.constant 1 : i32
      %dma_wait3A_599 = tpu.memref_slice %arg8[%multiple_of3A_597] : memref<6400000xf32, #tpu.memory_space<hbm>> -> memref<2000xf32, #tpu.memory_space<hbm>>
      %dma_wait3A_600 = tpu.memref_slice %arg19[%dma_wait3A_598] : memref<2x!tpu.dma_semaphore, #tpu.memory_space<semaphore_mem>> -> memref<1x!tpu.dma_semaphore, #tpu.memory_space<semaphore_mem>>
      %dma_wait3A_601 = tpu.memref_squeeze %dma_wait3A_600 : memref<1x!tpu.dma_semaphore, #tpu.memory_space<semaphore_mem>> -> memref<!tpu.dma_semaphore, #tpu.memory_space<semaphore_mem>>
      %dma_wait3A_602 = tpu.memref_slice %arg8[%multiple_of3A_597] : memref<6400000xf32, #tpu.memory_space<hbm>> -> memref<2000xf32, #tpu.memory_space<hbm>>
      tpu.wait_dma2 semaphore(%dma_wait3A_601 : memref<!tpu.dma_semaphore, #tpu.memory_space<semaphore_mem>>) src(%dma_wait3A_602 : memref<2000xf32, #tpu.memory_space<hbm>>) dst(%arg16 : memref<2000xf32, #tpu.memory_space<vmem>>)
      %parallel_loop3A_603 = arith.constant 0 : i32
      %parallel_loop3A_604 = arith.constant 125 : i32
      %parallel_loop3A_605 = arith.constant 1 : i32
      scf.for %parallel_loop3A_607 = %parallel_loop3A_603 to %parallel_loop3A_604 step %parallel_loop3A_605  : i32 {
        %parallel_loop3A_608 = arith.constant 16 : i32
        %parallel_loop3A_609 = arith.muli %parallel_loop3A_607, %parallel_loop3A_608 : i32
        %parallel_loop3A_610 = arith.index_cast %parallel_loop3A_609 : i32 to index
        %parallel_loop3A_611 = tpu.vector_load %arg12[%parallel_loop3A_610] {strides = array<i32>} : memref<2000xi32, #tpu.memory_space<vmem>>, vector<16xi32>,
        %parallel_loop3A_612 = arith.index_cast %parallel_loop3A_609 : i32 to index
        %parallel_loop3A_613 = tpu.vector_load %arg14[%parallel_loop3A_612] {strides = array<i32>} : memref<2000xi32, #tpu.memory_space<vmem>>, vector<16xi32>,
        %parallel_loop3A_614 = arith.index_cast %parallel_loop3A_609 : i32 to index
        %parallel_loop3A_615 = tpu.vector_load %arg16[%parallel_loop3A_614] {strides = array<i32>} : memref<2000xf32, #tpu.memory_space<vmem>>, vector<16xf32>,
        %parallel_loop3A_616 = vector.bitcast %parallel_loop3A_615 : vector<16xf32> to vector<16xi32>
        %parallel_loop3A_617 = arith.shrsi %parallel_loop3A_616, %add3A_152 : vector<16xi32>
        %parallel_loop3A_618 = arith.constant 16 : i32
        %parallel_loop3A_619 = vector.broadcast %parallel_loop3A_618 : i32 to vector<16xi32>
        %parallel_loop3A_620 = arith.shli %parallel_loop3A_617, %parallel_loop3A_619 : vector<16xi32>
        %parallel_loop3A_621 = vector.bitcast %parallel_loop3A_620 : vector<16xi32> to vector<16xf32>
        tpu.vector_store_idx %arg10[%parallel_loop3A_611], %parallel_loop3A_621 {add = true} : memref<100000xf32, #tpu.memory_space<vmem>>[vector<16xi32>], vector<16xf32>,
        %parallel_loop3A_622 = arith.constant 0.000000e+00 : f32
        %parallel_loop3A_623 = vector.broadcast %parallel_loop3A_622 : f32 to vector<16xf32>
        %parallel_loop3A_624 = arith.subf %parallel_loop3A_623, %parallel_loop3A_621 : vector<16xf32>
        tpu.vector_store_idx %arg10[%parallel_loop3A_613], %parallel_loop3A_624 {add = true} : memref<100000xf32, #tpu.memory_space<vmem>>[vector<16xi32>], vector<16xf32>,
      } {sc.loop_unroll_factor = 4 : i64, sc.parallel_access}
      %scan3A_606 = arith.constant 0 : i32
      scf.yield %scan3A_606 : i32
    }
    %scan3A_159 = arith.constant 100 : i32
    "tpu.trace_stop"() : () -> ()
    "tpu.trace_start"() <{level = 10 : i32, message = "ph3_combine"}> : () -> ()
    %mul3A_160 = arith.constant 100000 : i32
    %mul3A_161 = arith.muli %add3A_62, %mul3A_160 : i32
    %multiple_of3A_162 = tpu.assume_multiple %mul3A_161, 8 : i32
    "tpu.region"() ({
      %run_scoped3A = tpu.sem_alloc : memref<!tpu.dma_semaphore, #tpu.memory_space<semaphore_mem>>
      %dma_start3A_509 = tpu.memref_slice %arg9[%multiple_of3A_162] : memref<3200000xf32, #tpu.memory_space<hbm>> -> memref<100000xf32, #tpu.memory_space<hbm>>
      %dma_start3A_510 = tpu.memref_slice %arg9[%multiple_of3A_162] : memref<3200000xf32, #tpu.memory_space<hbm>> -> memref<100000xf32, #tpu.memory_space<hbm>>
      tpu.enqueue_dma source(%arg10 : memref<100000xf32, #tpu.memory_space<vmem>>) target(%dma_start3A_510 : memref<100000xf32, #tpu.memory_space<hbm>>) target_semaphore(%run_scoped3A : memref<!tpu.dma_semaphore, #tpu.memory_space<semaphore_mem>>)
      %dma_wait3A_511 = tpu.memref_slice %arg9[%multiple_of3A_162] : memref<3200000xf32, #tpu.memory_space<hbm>> -> memref<100000xf32, #tpu.memory_space<hbm>>
      %dma_wait3A_512 = tpu.memref_slice %arg9[%multiple_of3A_162] : memref<3200000xf32, #tpu.memory_space<hbm>> -> memref<100000xf32, #tpu.memory_space<hbm>>
      tpu.wait_dma2 semaphore(%run_scoped3A : memref<!tpu.dma_semaphore, #tpu.memory_space<semaphore_mem>>) src(%arg10 : memref<100000xf32, #tpu.memory_space<vmem>>) dst(%dma_wait3A_512 : memref<100000xf32, #tpu.memory_space<hbm>>)
      tpu.yield
    }) : () -> ()
    %barrier3A_163 = arith.constant 0 : index
    tpu.barrier barrier_id(%barrier3A_163)
    %mul3A_164 = arith.constant 12500 : i32
    %mul3A_165 = arith.muli %select_n3A_54, %mul3A_164 : i32
    %mul3A_166 = arith.constant 12500 : i32
    %mul3A_167 = arith.muli %select_n3A_54, %mul3A_166 : i32
    %jit3A_168 = arith.constant 16 : i32
    %eq3A_169 = arith.constant 0 : i32
    %eq3A_170 = arith.cmpi eq, %jit3A_168, %eq3A_169 : i32
    %jit3A_171 = arith.constant 1 : i32
    %select_n3A_172 = arith.select %eq3A_170, %jit3A_171, %jit3A_168 : i32
    %rem3A_173 = arith.remsi %mul3A_167, %select_n3A_172 : i32
    %ne3A_174 = arith.constant 0 : i32
    %ne3A_175 = arith.cmpi ne, %rem3A_173, %ne3A_174 : i32
    %lt3A_176 = arith.constant 0 : i32
    %lt3A_177 = arith.cmpi slt, %rem3A_173, %lt3A_176 : i32
    %lt3A_178 = arith.constant 0 : i32
    %lt3A_179 = arith.cmpi slt, %select_n3A_172, %lt3A_178 : i32
    %ne3A_180 = arith.xori %lt3A_177, %lt3A_179 : i1
    %and3A_181 = arith.andi %ne3A_180, %ne3A_175 : i1
    %add3A_182 = arith.addi %rem3A_173, %select_n3A_172 : i32
    %select_n3A_183 = arith.select %and3A_181, %add3A_182, %rem3A_173 : i32
    %sub3A_184 = arith.subi %mul3A_165, %select_n3A_183 : i32
    %min3A = arith.constant 87488 : i32
    %min3A_185 = arith.minsi %sub3A_184, %min3A : i32
    %multiple_of3A_186 = tpu.assume_multiple %min3A_185, 16 : i32
    %mul3A_187 = arith.constant 100000 : i32
    %mul3A_188 = arith.muli %add3A, %mul3A_187 : i32
    %add3A_189 = arith.addi %mul3A_188, %multiple_of3A_186 : i32
    %multiple_of3A_190 = tpu.assume_multiple %add3A_189, 16 : i32
    %dma_start3A_191 = arith.constant 0 : i32
    %dma_start3A_192 = arith.constant 0 : i32
    %dma_start3A_193 = tpu.memref_slice %arg10[%dma_start3A_192] : memref<100000xf32, #tpu.memory_space<vmem>> -> memref<12512xf32, #tpu.memory_space<vmem>>
    %dma_start3A_194 = tpu.memref_slice %arg2[%multiple_of3A_190] : memref<400000xf32, #tpu.memory_space<hbm>> -> memref<12512xf32, #tpu.memory_space<hbm>>
    %dma_start3A_195 = tpu.memref_slice %arg19[%dma_start3A_191] : memref<2x!tpu.dma_semaphore, #tpu.memory_space<semaphore_mem>> -> memref<1x!tpu.dma_semaphore, #tpu.memory_space<semaphore_mem>>
    %dma_start3A_196 = tpu.memref_squeeze %dma_start3A_195 : memref<1x!tpu.dma_semaphore, #tpu.memory_space<semaphore_mem>> -> memref<!tpu.dma_semaphore, #tpu.memory_space<semaphore_mem>>
    %dma_start3A_197 = arith.constant 0 : i32
    %dma_start3A_198 = tpu.memref_slice %arg10[%dma_start3A_197] : memref<100000xf32, #tpu.memory_space<vmem>> -> memref<12512xf32, #tpu.memory_space<vmem>>
    %dma_start3A_199 = tpu.memref_slice %arg2[%multiple_of3A_190] : memref<400000xf32, #tpu.memory_space<hbm>> -> memref<12512xf32, #tpu.memory_space<hbm>>
    tpu.enqueue_dma source(%dma_start3A_199 : memref<12512xf32, #tpu.memory_space<hbm>>) target(%dma_start3A_198 : memref<12512xf32, #tpu.memory_space<vmem>>) target_semaphore(%dma_start3A_196 : memref<!tpu.dma_semaphore, #tpu.memory_space<semaphore_mem>>)
    %mul3A_200 = arith.constant 8 : i32
    %mul3A_201 = arith.muli %add3A, %mul3A_200 : i32
    %add3A_202 = arith.constant 0 : i32
    %add3A_203 = arith.addi %mul3A_201, %add3A_202 : i32
    %mul3A_204 = arith.constant 100000 : i32
    %mul3A_205 = arith.muli %add3A_203, %mul3A_204 : i32
    %add3A_206 = arith.addi %mul3A_205, %multiple_of3A_186 : i32
    %multiple_of3A_207 = tpu.assume_multiple %add3A_206, 16 : i32
    %dma_start3A_208 = arith.constant 0 : i32
    %dma_start3A_209 = arith.constant 12512 : i32
    %dma_start3A_210 = tpu.memref_slice %arg10[%dma_start3A_209] : memref<100000xf32, #tpu.memory_space<vmem>> -> memref<12512xf32, #tpu.memory_space<vmem>>
    %dma_start3A_211 = tpu.memref_slice %arg9[%multiple_of3A_207] : memref<3200000xf32, #tpu.memory_space<hbm>> -> memref<12512xf32, #tpu.memory_space<hbm>>
    %dma_start3A_212 = tpu.memref_slice %arg20[%dma_start3A_208] : memref<2x!tpu.dma_semaphore, #tpu.memory_space<semaphore_mem>> -> memref<1x!tpu.dma_semaphore, #tpu.memory_space<semaphore_mem>>
    %dma_start3A_213 = tpu.memref_squeeze %dma_start3A_212 : memref<1x!tpu.dma_semaphore, #tpu.memory_space<semaphore_mem>> -> memref<!tpu.dma_semaphore, #tpu.memory_space<semaphore_mem>>
    %dma_start3A_214 = arith.constant 12512 : i32
    %dma_start3A_215 = tpu.memref_slice %arg10[%dma_start3A_214] : memref<100000xf32, #tpu.memory_space<vmem>> -> memref<12512xf32, #tpu.memory_space<vmem>>
    %dma_start3A_216 = tpu.memref_slice %arg9[%multiple_of3A_207] : memref<3200000xf32, #tpu.memory_space<hbm>> -> memref<12512xf32, #tpu.memory_space<hbm>>
    tpu.enqueue_dma source(%dma_start3A_216 : memref<12512xf32, #tpu.memory_space<hbm>>) target(%dma_start3A_215 : memref<12512xf32, #tpu.memory_space<vmem>>) target_semaphore(%dma_start3A_213 : memref<!tpu.dma_semaphore, #tpu.memory_space<semaphore_mem>>)
    %dma_wait3A_217 = arith.constant 0 : i32
    %dma_wait3A_218 = arith.constant 0 : i32
    %dma_wait3A_219 = tpu.memref_slice %arg10[%dma_wait3A_218] : memref<100000xf32, #tpu.memory_space<vmem>> -> memref<12512xf32, #tpu.memory_space<vmem>>
    %dma_wait3A_220 = tpu.memref_slice %arg2[%multiple_of3A_190] : memref<400000xf32, #tpu.memory_space<hbm>> -> memref<12512xf32, #tpu.memory_space<hbm>>
    %dma_wait3A_221 = tpu.memref_slice %arg19[%dma_wait3A_217] : memref<2x!tpu.dma_semaphore, #tpu.memory_space<semaphore_mem>> -> memref<1x!tpu.dma_semaphore, #tpu.memory_space<semaphore_mem>>
    %dma_wait3A_222 = tpu.memref_squeeze %dma_wait3A_221 : memref<1x!tpu.dma_semaphore, #tpu.memory_space<semaphore_mem>> -> memref<!tpu.dma_semaphore, #tpu.memory_space<semaphore_mem>>
    %dma_wait3A_223 = arith.constant 0 : i32
    %dma_wait3A_224 = tpu.memref_slice %arg10[%dma_wait3A_223] : memref<100000xf32, #tpu.memory_space<vmem>> -> memref<12512xf32, #tpu.memory_space<vmem>>
    %dma_wait3A_225 = tpu.memref_slice %arg2[%multiple_of3A_190] : memref<400000xf32, #tpu.memory_space<hbm>> -> memref<12512xf32, #tpu.memory_space<hbm>>
    tpu.wait_dma2 semaphore(%dma_wait3A_222 : memref<!tpu.dma_semaphore, #tpu.memory_space<semaphore_mem>>) src(%dma_wait3A_225 : memref<12512xf32, #tpu.memory_space<hbm>>) dst(%dma_wait3A_224 : memref<12512xf32, #tpu.memory_space<vmem>>)
    %mul3A_226 = arith.constant 8 : i32
    %mul3A_227 = arith.muli %add3A, %mul3A_226 : i32
    %add3A_228 = arith.constant 1 : i32
    %add3A_229 = arith.addi %mul3A_227, %add3A_228 : i32
    %mul3A_230 = arith.constant 100000 : i32
    %mul3A_231 = arith.muli %add3A_229, %mul3A_230 : i32
    %add3A_232 = arith.addi %mul3A_231, %multiple_of3A_186 : i32
    %multiple_of3A_233 = tpu.assume_multiple %add3A_232, 16 : i32
    %dma_start3A_234 = arith.constant 1 : i32
    %dma_start3A_235 = arith.constant 25024 : i32
    %dma_start3A_236 = tpu.memref_slice %arg10[%dma_start3A_235] : memref<100000xf32, #tpu.memory_space<vmem>> -> memref<12512xf32, #tpu.memory_space<vmem>>
    %dma_start3A_237 = tpu.memref_slice %arg9[%multiple_of3A_233] : memref<3200000xf32, #tpu.memory_space<hbm>> -> memref<12512xf32, #tpu.memory_space<hbm>>
    %dma_start3A_238 = tpu.memref_slice %arg20[%dma_start3A_234] : memref<2x!tpu.dma_semaphore, #tpu.memory_space<semaphore_mem>> -> memref<1x!tpu.dma_semaphore, #tpu.memory_space<semaphore_mem>>
    %dma_start3A_239 = tpu.memref_squeeze %dma_start3A_238 : memref<1x!tpu.dma_semaphore, #tpu.memory_space<semaphore_mem>> -> memref<!tpu.dma_semaphore, #tpu.memory_space<semaphore_mem>>
    %dma_start3A_240 = arith.constant 25024 : i32
    %dma_start3A_241 = tpu.memref_slice %arg10[%dma_start3A_240] : memref<100000xf32, #tpu.memory_space<vmem>> -> memref<12512xf32, #tpu.memory_space<vmem>>
    %dma_start3A_242 = tpu.memref_slice %arg9[%multiple_of3A_233] : memref<3200000xf32, #tpu.memory_space<hbm>> -> memref<12512xf32, #tpu.memory_space<hbm>>
    tpu.enqueue_dma source(%dma_start3A_242 : memref<12512xf32, #tpu.memory_space<hbm>>) target(%dma_start3A_241 : memref<12512xf32, #tpu.memory_space<vmem>>) target_semaphore(%dma_start3A_239 : memref<!tpu.dma_semaphore, #tpu.memory_space<semaphore_mem>>)
    %mul3A_243 = arith.constant 8 : i32
    %mul3A_244 = arith.muli %add3A, %mul3A_243 : i32
    %add3A_245 = arith.constant 0 : i32
    %add3A_246 = arith.addi %mul3A_244, %add3A_245 : i32
    %mul3A_247 = arith.constant 100000 : i32
    %mul3A_248 = arith.muli %add3A_246, %mul3A_247 : i32
    %add3A_249 = arith.addi %mul3A_248, %multiple_of3A_186 : i32
    %multiple_of3A_250 = tpu.assume_multiple %add3A_249, 16 : i32
    %dma_wait3A_251 = arith.constant 0 : i32
    %dma_wait3A_252 = arith.constant 12512 : i32
    %dma_wait3A_253 = tpu.memref_slice %arg10[%dma_wait3A_252] : memref<100000xf32, #tpu.memory_space<vmem>> -> memref<12512xf32, #tpu.memory_space<vmem>>
    %dma_wait3A_254 = tpu.memref_slice %arg9[%multiple_of3A_250] : memref<3200000xf32, #tpu.memory_space<hbm>> -> memref<12512xf32, #tpu.memory_space<hbm>>
    %dma_wait3A_255 = tpu.memref_slice %arg20[%dma_wait3A_251] : memref<2x!tpu.dma_semaphore, #tpu.memory_space<semaphore_mem>> -> memref<1x!tpu.dma_semaphore, #tpu.memory_space<semaphore_mem>>
    %dma_wait3A_256 = tpu.memref_squeeze %dma_wait3A_255 : memref<1x!tpu.dma_semaphore, #tpu.memory_space<semaphore_mem>> -> memref<!tpu.dma_semaphore, #tpu.memory_space<semaphore_mem>>
    %dma_wait3A_257 = arith.constant 12512 : i32
    %dma_wait3A_258 = tpu.memref_slice %arg10[%dma_wait3A_257] : memref<100000xf32, #tpu.memory_space<vmem>> -> memref<12512xf32, #tpu.memory_space<vmem>>
    %dma_wait3A_259 = tpu.memref_slice %arg9[%multiple_of3A_250] : memref<3200000xf32, #tpu.memory_space<hbm>> -> memref<12512xf32, #tpu.memory_space<hbm>>
    tpu.wait_dma2 semaphore(%dma_wait3A_256 : memref<!tpu.dma_semaphore, #tpu.memory_space<semaphore_mem>>) src(%dma_wait3A_259 : memref<12512xf32, #tpu.memory_space<hbm>>) dst(%dma_wait3A_258 : memref<12512xf32, #tpu.memory_space<vmem>>)
    %parallel_loop3A_260 = arith.constant 0 : i32
    %parallel_loop3A_261 = arith.constant 782 : i32
    %parallel_loop3A_262 = arith.constant 1 : i32
    scf.for %parallel_loop3A_509 = %parallel_loop3A_260 to %parallel_loop3A_261 step %parallel_loop3A_262  : i32 {
      %parallel_loop3A_510 = arith.constant 16 : i32
      %parallel_loop3A_511 = arith.muli %parallel_loop3A_509, %parallel_loop3A_510 : i32
      %parallel_loop3A_512 = arith.constant 0 : i32
      %parallel_loop3A_513 = arith.addi %parallel_loop3A_512, %parallel_loop3A_511 : i32
      %parallel_loop3A_514 = arith.index_cast %parallel_loop3A_513 : i32 to index
      %parallel_loop3A_515 = tpu.vector_load %arg10[%parallel_loop3A_514] {strides = array<i32>} : memref<100000xf32, #tpu.memory_space<vmem>>, vector<16xf32>,
      %parallel_loop3A_516 = arith.constant 12512 : i32
      %parallel_loop3A_517 = arith.addi %parallel_loop3A_516, %parallel_loop3A_511 : i32
      %parallel_loop3A_518 = arith.index_cast %parallel_loop3A_517 : i32 to index
      %parallel_loop3A_519 = tpu.vector_load %arg10[%parallel_loop3A_518] {strides = array<i32>} : memref<100000xf32, #tpu.memory_space<vmem>>, vector<16xf32>,
      %parallel_loop3A_520 = arith.constant 1.000000e-01 : f32
      %parallel_loop3A_521 = vector.broadcast %parallel_loop3A_520 : f32 to vector<16xf32>
      %parallel_loop3A_522 = arith.mulf %parallel_loop3A_521, %parallel_loop3A_519 : vector<16xf32>
      %parallel_loop3A_523 = arith.subf %parallel_loop3A_515, %parallel_loop3A_522 : vector<16xf32>
      %parallel_loop3A_524 = arith.constant 0 : i32
      %parallel_loop3A_525 = arith.addi %parallel_loop3A_524, %parallel_loop3A_511 : i32
      %parallel_loop3A_526 = arith.index_cast %parallel_loop3A_525 : i32 to index
      %parallel_loop3A_527 = tpu.vector_load %arg10[%parallel_loop3A_526] {strides = array<i32>} : memref<100000xf32, #tpu.memory_space<vmem>>, vector<16xf32>,
      tpu.vector_store %arg10[%parallel_loop3A_526], %parallel_loop3A_523 {strides = array<i32>} : memref<100000xf32, #tpu.memory_space<vmem>>, vector<16xf32>,
    } {sc.loop_unroll_factor = 4 : i64, sc.parallel_access}
    %mul3A_263 = arith.constant 8 : i32
    %mul3A_264 = arith.muli %add3A, %mul3A_263 : i32
    %add3A_265 = arith.constant 2 : i32
    %add3A_266 = arith.addi %mul3A_264, %add3A_265 : i32
    %mul3A_267 = arith.constant 100000 : i32
    %mul3A_268 = arith.muli %add3A_266, %mul3A_267 : i32
    %add3A_269 = arith.addi %mul3A_268, %multiple_of3A_186 : i32
    %multiple_of3A_270 = tpu.assume_multiple %add3A_269, 16 : i32
    %dma_start3A_271 = arith.constant 0 : i32
    %dma_start3A_272 = arith.constant 12512 : i32
    %dma_start3A_273 = tpu.memref_slice %arg10[%dma_start3A_272] : memref<100000xf32, #tpu.memory_space<vmem>> -> memref<12512xf32, #tpu.memory_space<vmem>>
    %dma_start3A_274 = tpu.memref_slice %arg9[%multiple_of3A_270] : memref<3200000xf32, #tpu.memory_space<hbm>> -> memref<12512xf32, #tpu.memory_space<hbm>>
    %dma_start3A_275 = tpu.memref_slice %arg20[%dma_start3A_271] : memref<2x!tpu.dma_semaphore, #tpu.memory_space<semaphore_mem>> -> memref<1x!tpu.dma_semaphore, #tpu.memory_space<semaphore_mem>>
    %dma_start3A_276 = tpu.memref_squeeze %dma_start3A_275 : memref<1x!tpu.dma_semaphore, #tpu.memory_space<semaphore_mem>> -> memref<!tpu.dma_semaphore, #tpu.memory_space<semaphore_mem>>
    %dma_start3A_277 = arith.constant 12512 : i32
    %dma_start3A_278 = tpu.memref_slice %arg10[%dma_start3A_277] : memref<100000xf32, #tpu.memory_space<vmem>> -> memref<12512xf32, #tpu.memory_space<vmem>>
    %dma_start3A_279 = tpu.memref_slice %arg9[%multiple_of3A_270] : memref<3200000xf32, #tpu.memory_space<hbm>> -> memref<12512xf32, #tpu.memory_space<hbm>>
    tpu.enqueue_dma source(%dma_start3A_279 : memref<12512xf32, #tpu.memory_space<hbm>>) target(%dma_start3A_278 : memref<12512xf32, #tpu.memory_space<vmem>>) target_semaphore(%dma_start3A_276 : memref<!tpu.dma_semaphore, #tpu.memory_space<semaphore_mem>>)
    %mul3A_280 = arith.constant 8 : i32
    %mul3A_281 = arith.muli %add3A, %mul3A_280 : i32
    %add3A_282 = arith.constant 1 : i32
    %add3A_283 = arith.addi %mul3A_281, %add3A_282 : i32
    %mul3A_284 = arith.constant 100000 : i32
    %mul3A_285 = arith.muli %add3A_283, %mul3A_284 : i32
    %add3A_286 = arith.addi %mul3A_285, %multiple_of3A_186 : i32
    %multiple_of3A_287 = tpu.assume_multiple %add3A_286, 16 : i32
    %dma_wait3A_288 = arith.constant 1 : i32
    %dma_wait3A_289 = arith.constant 25024 : i32
    %dma_wait3A_290 = tpu.memref_slice %arg10[%dma_wait3A_289] : memref<100000xf32, #tpu.memory_space<vmem>> -> memref<12512xf32, #tpu.memory_space<vmem>>
    %dma_wait3A_291 = tpu.memref_slice %arg9[%multiple_of3A_287] : memref<3200000xf32, #tpu.memory_space<hbm>> -> memref<12512xf32, #tpu.memory_space<hbm>>
    %dma_wait3A_292 = tpu.memref_slice %arg20[%dma_wait3A_288] : memref<2x!tpu.dma_semaphore, #tpu.memory_space<semaphore_mem>> -> memref<1x!tpu.dma_semaphore, #tpu.memory_space<semaphore_mem>>
    %dma_wait3A_293 = tpu.memref_squeeze %dma_wait3A_292 : memref<1x!tpu.dma_semaphore, #tpu.memory_space<semaphore_mem>> -> memref<!tpu.dma_semaphore, #tpu.memory_space<semaphore_mem>>
    %dma_wait3A_294 = arith.constant 25024 : i32
    %dma_wait3A_295 = tpu.memref_slice %arg10[%dma_wait3A_294] : memref<100000xf32, #tpu.memory_space<vmem>> -> memref<12512xf32, #tpu.memory_space<vmem>>
    %dma_wait3A_296 = tpu.memref_slice %arg9[%multiple_of3A_287] : memref<3200000xf32, #tpu.memory_space<hbm>> -> memref<12512xf32, #tpu.memory_space<hbm>>
    tpu.wait_dma2 semaphore(%dma_wait3A_293 : memref<!tpu.dma_semaphore, #tpu.memory_space<semaphore_mem>>) src(%dma_wait3A_296 : memref<12512xf32, #tpu.memory_space<hbm>>) dst(%dma_wait3A_295 : memref<12512xf32, #tpu.memory_space<vmem>>)
    %parallel_loop3A_297 = arith.constant 0 : i32
    %parallel_loop3A_298 = arith.constant 782 : i32
    %parallel_loop3A_299 = arith.constant 1 : i32
    scf.for %parallel_loop3A_509 = %parallel_loop3A_297 to %parallel_loop3A_298 step %parallel_loop3A_299  : i32 {
      %parallel_loop3A_510 = arith.constant 16 : i32
      %parallel_loop3A_511 = arith.muli %parallel_loop3A_509, %parallel_loop3A_510 : i32
      %parallel_loop3A_512 = arith.constant 0 : i32
      %parallel_loop3A_513 = arith.addi %parallel_loop3A_512, %parallel_loop3A_511 : i32
      %parallel_loop3A_514 = arith.index_cast %parallel_loop3A_513 : i32 to index
      %parallel_loop3A_515 = tpu.vector_load %arg10[%parallel_loop3A_514] {strides = array<i32>} : memref<100000xf32, #tpu.memory_space<vmem>>, vector<16xf32>,
      %parallel_loop3A_516 = arith.constant 25024 : i32
      %parallel_loop3A_517 = arith.addi %parallel_loop3A_516, %parallel_loop3A_511 : i32
      %parallel_loop3A_518 = arith.index_cast %parallel_loop3A_517 : i32 to index
      %parallel_loop3A_519 = tpu.vector_load %arg10[%parallel_loop3A_518] {strides = array<i32>} : memref<100000xf32, #tpu.memory_space<vmem>>, vector<16xf32>,
      %parallel_loop3A_520 = arith.constant 1.000000e-01 : f32
      %parallel_loop3A_521 = vector.broadcast %parallel_loop3A_520 : f32 to vector<16xf32>
      %parallel_loop3A_522 = arith.mulf %parallel_loop3A_521, %parallel_loop3A_519 : vector<16xf32>
      %parallel_loop3A_523 = arith.subf %parallel_loop3A_515, %parallel_loop3A_522 : vector<16xf32>
      %parallel_loop3A_524 = arith.constant 0 : i32
      %parallel_loop3A_525 = arith.addi %parallel_loop3A_524, %parallel_loop3A_511 : i32
      %parallel_loop3A_526 = arith.index_cast %parallel_loop3A_525 : i32 to index
      %parallel_loop3A_527 = tpu.vector_load %arg10[%parallel_loop3A_526] {strides = array<i32>} : memref<100000xf32, #tpu.memory_space<vmem>>, vector<16xf32>,
      tpu.vector_store %arg10[%parallel_loop3A_526], %parallel_loop3A_523 {strides = array<i32>} : memref<100000xf32, #tpu.memory_space<vmem>>, vector<16xf32>,
    } {sc.loop_unroll_factor = 4 : i64, sc.parallel_access}
    %mul3A_300 = arith.constant 8 : i32
    %mul3A_301 = arith.muli %add3A, %mul3A_300 : i32
    %add3A_302 = arith.constant 3 : i32
    %add3A_303 = arith.addi %mul3A_301, %add3A_302 : i32
    %mul3A_304 = arith.constant 100000 : i32
    %mul3A_305 = arith.muli %add3A_303, %mul3A_304 : i32
    %add3A_306 = arith.addi %mul3A_305, %multiple_of3A_186 : i32
    %multiple_of3A_307 = tpu.assume_multiple %add3A_306, 16 : i32
    %dma_start3A_308 = arith.constant 1 : i32
    %dma_start3A_309 = arith.constant 25024 : i32
    %dma_start3A_310 = tpu.memref_slice %arg10[%dma_start3A_309] : memref<100000xf32, #tpu.memory_space<vmem>> -> memref<12512xf32, #tpu.memory_space<vmem>>
    %dma_start3A_311 = tpu.memref_slice %arg9[%multiple_of3A_307] : memref<3200000xf32, #tpu.memory_space<hbm>> -> memref<12512xf32, #tpu.memory_space<hbm>>
    %dma_start3A_312 = tpu.memref_slice %arg20[%dma_start3A_308] : memref<2x!tpu.dma_semaphore, #tpu.memory_space<semaphore_mem>> -> memref<1x!tpu.dma_semaphore, #tpu.memory_space<semaphore_mem>>
    %dma_start3A_313 = tpu.memref_squeeze %dma_start3A_312 : memref<1x!tpu.dma_semaphore, #tpu.memory_space<semaphore_mem>> -> memref<!tpu.dma_semaphore, #tpu.memory_space<semaphore_mem>>
    %dma_start3A_314 = arith.constant 25024 : i32
    %dma_start3A_315 = tpu.memref_slice %arg10[%dma_start3A_314] : memref<100000xf32, #tpu.memory_space<vmem>> -> memref<12512xf32, #tpu.memory_space<vmem>>
    %dma_start3A_316 = tpu.memref_slice %arg9[%multiple_of3A_307] : memref<3200000xf32, #tpu.memory_space<hbm>> -> memref<12512xf32, #tpu.memory_space<hbm>>
    tpu.enqueue_dma source(%dma_start3A_316 : memref<12512xf32, #tpu.memory_space<hbm>>) target(%dma_start3A_315 : memref<12512xf32, #tpu.memory_space<vmem>>) target_semaphore(%dma_start3A_313 : memref<!tpu.dma_semaphore, #tpu.memory_space<semaphore_mem>>)
    %mul3A_317 = arith.constant 8 : i32
    %mul3A_318 = arith.muli %add3A, %mul3A_317 : i32
    %add3A_319 = arith.constant 2 : i32
    %add3A_320 = arith.addi %mul3A_318, %add3A_319 : i32
    %mul3A_321 = arith.constant 100000 : i32
    %mul3A_322 = arith.muli %add3A_320, %mul3A_321 : i32
    %add3A_323 = arith.addi %mul3A_322, %multiple_of3A_186 : i32
    %multiple_of3A_324 = tpu.assume_multiple %add3A_323, 16 : i32
    %dma_wait3A_325 = arith.constant 0 : i32
    %dma_wait3A_326 = arith.constant 12512 : i32
    %dma_wait3A_327 = tpu.memref_slice %arg10[%dma_wait3A_326] : memref<100000xf32, #tpu.memory_space<vmem>> -> memref<12512xf32, #tpu.memory_space<vmem>>
    %dma_wait3A_328 = tpu.memref_slice %arg9[%multiple_of3A_324] : memref<3200000xf32, #tpu.memory_space<hbm>> -> memref<12512xf32, #tpu.memory_space<hbm>>
    %dma_wait3A_329 = tpu.memref_slice %arg20[%dma_wait3A_325] : memref<2x!tpu.dma_semaphore, #tpu.memory_space<semaphore_mem>> -> memref<1x!tpu.dma_semaphore, #tpu.memory_space<semaphore_mem>>
    %dma_wait3A_330 = tpu.memref_squeeze %dma_wait3A_329 : memref<1x!tpu.dma_semaphore, #tpu.memory_space<semaphore_mem>> -> memref<!tpu.dma_semaphore, #tpu.memory_space<semaphore_mem>>
    %dma_wait3A_331 = arith.constant 12512 : i32
    %dma_wait3A_332 = tpu.memref_slice %arg10[%dma_wait3A_331] : memref<100000xf32, #tpu.memory_space<vmem>> -> memref<12512xf32, #tpu.memory_space<vmem>>
    %dma_wait3A_333 = tpu.memref_slice %arg9[%multiple_of3A_324] : memref<3200000xf32, #tpu.memory_space<hbm>> -> memref<12512xf32, #tpu.memory_space<hbm>>
    tpu.wait_dma2 semaphore(%dma_wait3A_330 : memref<!tpu.dma_semaphore, #tpu.memory_space<semaphore_mem>>) src(%dma_wait3A_333 : memref<12512xf32, #tpu.memory_space<hbm>>) dst(%dma_wait3A_332 : memref<12512xf32, #tpu.memory_space<vmem>>)
    %parallel_loop3A_334 = arith.constant 0 : i32
    %parallel_loop3A_335 = arith.constant 782 : i32
    %parallel_loop3A_336 = arith.constant 1 : i32
    scf.for %parallel_loop3A_509 = %parallel_loop3A_334 to %parallel_loop3A_335 step %parallel_loop3A_336  : i32 {
      %parallel_loop3A_510 = arith.constant 16 : i32
      %parallel_loop3A_511 = arith.muli %parallel_loop3A_509, %parallel_loop3A_510 : i32
      %parallel_loop3A_512 = arith.constant 0 : i32
      %parallel_loop3A_513 = arith.addi %parallel_loop3A_512, %parallel_loop3A_511 : i32
      %parallel_loop3A_514 = arith.index_cast %parallel_loop3A_513 : i32 to index
      %parallel_loop3A_515 = tpu.vector_load %arg10[%parallel_loop3A_514] {strides = array<i32>} : memref<100000xf32, #tpu.memory_space<vmem>>, vector<16xf32>,
      %parallel_loop3A_516 = arith.constant 12512 : i32
      %parallel_loop3A_517 = arith.addi %parallel_loop3A_516, %parallel_loop3A_511 : i32
      %parallel_loop3A_518 = arith.index_cast %parallel_loop3A_517 : i32 to index
      %parallel_loop3A_519 = tpu.vector_load %arg10[%parallel_loop3A_518] {strides = array<i32>} : memref<100000xf32, #tpu.memory_space<vmem>>, vector<16xf32>,
      %parallel_loop3A_520 = arith.constant 1.000000e-01 : f32
      %parallel_loop3A_521 = vector.broadcast %parallel_loop3A_520 : f32 to vector<16xf32>
      %parallel_loop3A_522 = arith.mulf %parallel_loop3A_521, %parallel_loop3A_519 : vector<16xf32>
      %parallel_loop3A_523 = arith.subf %parallel_loop3A_515, %parallel_loop3A_522 : vector<16xf32>
      %parallel_loop3A_524 = arith.constant 0 : i32
      %parallel_loop3A_525 = arith.addi %parallel_loop3A_524, %parallel_loop3A_511 : i32
      %parallel_loop3A_526 = arith.index_cast %parallel_loop3A_525 : i32 to index
      %parallel_loop3A_527 = tpu.vector_load %arg10[%parallel_loop3A_526] {strides = array<i32>} : memref<100000xf32, #tpu.memory_space<vmem>>, vector<16xf32>,
      tpu.vector_store %arg10[%parallel_loop3A_526], %parallel_loop3A_523 {strides = array<i32>} : memref<100000xf32, #tpu.memory_space<vmem>>, vector<16xf32>,
    } {sc.loop_unroll_factor = 4 : i64, sc.parallel_access}
    %mul3A_337 = arith.constant 8 : i32
    %mul3A_338 = arith.muli %add3A, %mul3A_337 : i32
    %add3A_339 = arith.constant 4 : i32
    %add3A_340 = arith.addi %mul3A_338, %add3A_339 : i32
    %mul3A_341 = arith.constant 100000 : i32
    %mul3A_342 = arith.muli %add3A_340, %mul3A_341 : i32
    %add3A_343 = arith.addi %mul3A_342, %multiple_of3A_186 : i32
    %multiple_of3A_344 = tpu.assume_multiple %add3A_343, 16 : i32
    %dma_start3A_345 = arith.constant 0 : i32
    %dma_start3A_346 = arith.constant 12512 : i32
    %dma_start3A_347 = tpu.memref_slice %arg10[%dma_start3A_346] : memref<100000xf32, #tpu.memory_space<vmem>> -> memref<12512xf32, #tpu.memory_space<vmem>>
    %dma_start3A_348 = tpu.memref_slice %arg9[%multiple_of3A_344] : memref<3200000xf32, #tpu.memory_space<hbm>> -> memref<12512xf32, #tpu.memory_space<hbm>>
    %dma_start3A_349 = tpu.memref_slice %arg20[%dma_start3A_345] : memref<2x!tpu.dma_semaphore, #tpu.memory_space<semaphore_mem>> -> memref<1x!tpu.dma_semaphore, #tpu.memory_space<semaphore_mem>>
    %dma_start3A_350 = tpu.memref_squeeze %dma_start3A_349 : memref<1x!tpu.dma_semaphore, #tpu.memory_space<semaphore_mem>> -> memref<!tpu.dma_semaphore, #tpu.memory_space<semaphore_mem>>
    %dma_start3A_351 = arith.constant 12512 : i32
    %dma_start3A_352 = tpu.memref_slice %arg10[%dma_start3A_351] : memref<100000xf32, #tpu.memory_space<vmem>> -> memref<12512xf32, #tpu.memory_space<vmem>>
    %dma_start3A_353 = tpu.memref_slice %arg9[%multiple_of3A_344] : memref<3200000xf32, #tpu.memory_space<hbm>> -> memref<12512xf32, #tpu.memory_space<hbm>>
    tpu.enqueue_dma source(%dma_start3A_353 : memref<12512xf32, #tpu.memory_space<hbm>>) target(%dma_start3A_352 : memref<12512xf32, #tpu.memory_space<vmem>>) target_semaphore(%dma_start3A_350 : memref<!tpu.dma_semaphore, #tpu.memory_space<semaphore_mem>>)
    %mul3A_354 = arith.constant 8 : i32
    %mul3A_355 = arith.muli %add3A, %mul3A_354 : i32
    %add3A_356 = arith.constant 3 : i32
    %add3A_357 = arith.addi %mul3A_355, %add3A_356 : i32
    %mul3A_358 = arith.constant 100000 : i32
    %mul3A_359 = arith.muli %add3A_357, %mul3A_358 : i32
    %add3A_360 = arith.addi %mul3A_359, %multiple_of3A_186 : i32
    %multiple_of3A_361 = tpu.assume_multiple %add3A_360, 16 : i32
    %dma_wait3A_362 = arith.constant 1 : i32
    %dma_wait3A_363 = arith.constant 25024 : i32
    %dma_wait3A_364 = tpu.memref_slice %arg10[%dma_wait3A_363] : memref<100000xf32, #tpu.memory_space<vmem>> -> memref<12512xf32, #tpu.memory_space<vmem>>
    %dma_wait3A_365 = tpu.memref_slice %arg9[%multiple_of3A_361] : memref<3200000xf32, #tpu.memory_space<hbm>> -> memref<12512xf32, #tpu.memory_space<hbm>>
    %dma_wait3A_366 = tpu.memref_slice %arg20[%dma_wait3A_362] : memref<2x!tpu.dma_semaphore, #tpu.memory_space<semaphore_mem>> -> memref<1x!tpu.dma_semaphore, #tpu.memory_space<semaphore_mem>>
    %dma_wait3A_367 = tpu.memref_squeeze %dma_wait3A_366 : memref<1x!tpu.dma_semaphore, #tpu.memory_space<semaphore_mem>> -> memref<!tpu.dma_semaphore, #tpu.memory_space<semaphore_mem>>
    %dma_wait3A_368 = arith.constant 25024 : i32
    %dma_wait3A_369 = tpu.memref_slice %arg10[%dma_wait3A_368] : memref<100000xf32, #tpu.memory_space<vmem>> -> memref<12512xf32, #tpu.memory_space<vmem>>
    %dma_wait3A_370 = tpu.memref_slice %arg9[%multiple_of3A_361] : memref<3200000xf32, #tpu.memory_space<hbm>> -> memref<12512xf32, #tpu.memory_space<hbm>>
    tpu.wait_dma2 semaphore(%dma_wait3A_367 : memref<!tpu.dma_semaphore, #tpu.memory_space<semaphore_mem>>) src(%dma_wait3A_370 : memref<12512xf32, #tpu.memory_space<hbm>>) dst(%dma_wait3A_369 : memref<12512xf32, #tpu.memory_space<vmem>>)
    %parallel_loop3A_371 = arith.constant 0 : i32
    %parallel_loop3A_372 = arith.constant 782 : i32
    %parallel_loop3A_373 = arith.constant 1 : i32
    scf.for %parallel_loop3A_509 = %parallel_loop3A_371 to %parallel_loop3A_372 step %parallel_loop3A_373  : i32 {
      %parallel_loop3A_510 = arith.constant 16 : i32
      %parallel_loop3A_511 = arith.muli %parallel_loop3A_509, %parallel_loop3A_510 : i32
      %parallel_loop3A_512 = arith.constant 0 : i32
      %parallel_loop3A_513 = arith.addi %parallel_loop3A_512, %parallel_loop3A_511 : i32
      %parallel_loop3A_514 = arith.index_cast %parallel_loop3A_513 : i32 to index
      %parallel_loop3A_515 = tpu.vector_load %arg10[%parallel_loop3A_514] {strides = array<i32>} : memref<100000xf32, #tpu.memory_space<vmem>>, vector<16xf32>,
      %parallel_loop3A_516 = arith.constant 25024 : i32
      %parallel_loop3A_517 = arith.addi %parallel_loop3A_516, %parallel_loop3A_511 : i32
      %parallel_loop3A_518 = arith.index_cast %parallel_loop3A_517 : i32 to index
      %parallel_loop3A_519 = tpu.vector_load %arg10[%parallel_loop3A_518] {strides = array<i32>} : memref<100000xf32, #tpu.memory_space<vmem>>, vector<16xf32>,
      %parallel_loop3A_520 = arith.constant 1.000000e-01 : f32
      %parallel_loop3A_521 = vector.broadcast %parallel_loop3A_520 : f32 to vector<16xf32>
      %parallel_loop3A_522 = arith.mulf %parallel_loop3A_521, %parallel_loop3A_519 : vector<16xf32>
      %parallel_loop3A_523 = arith.subf %parallel_loop3A_515, %parallel_loop3A_522 : vector<16xf32>
      %parallel_loop3A_524 = arith.constant 0 : i32
      %parallel_loop3A_525 = arith.addi %parallel_loop3A_524, %parallel_loop3A_511 : i32
      %parallel_loop3A_526 = arith.index_cast %parallel_loop3A_525 : i32 to index
      %parallel_loop3A_527 = tpu.vector_load %arg10[%parallel_loop3A_526] {strides = array<i32>} : memref<100000xf32, #tpu.memory_space<vmem>>, vector<16xf32>,
      tpu.vector_store %arg10[%parallel_loop3A_526], %parallel_loop3A_523 {strides = array<i32>} : memref<100000xf32, #tpu.memory_space<vmem>>, vector<16xf32>,
    } {sc.loop_unroll_factor = 4 : i64, sc.parallel_access}
    %mul3A_374 = arith.constant 8 : i32
    %mul3A_375 = arith.muli %add3A, %mul3A_374 : i32
    %add3A_376 = arith.constant 5 : i32
    %add3A_377 = arith.addi %mul3A_375, %add3A_376 : i32
    %mul3A_378 = arith.constant 100000 : i32
    %mul3A_379 = arith.muli %add3A_377, %mul3A_378 : i32
    %add3A_380 = arith.addi %mul3A_379, %multiple_of3A_186 : i32
    %multiple_of3A_381 = tpu.assume_multiple %add3A_380, 16 : i32
    %dma_start3A_382 = arith.constant 1 : i32
    %dma_start3A_383 = arith.constant 25024 : i32
    %dma_start3A_384 = tpu.memref_slice %arg10[%dma_start3A_383] : memref<100000xf32, #tpu.memory_space<vmem>> -> memref<12512xf32, #tpu.memory_space<vmem>>
    %dma_start3A_385 = tpu.memref_slice %arg9[%multiple_of3A_381] : memref<3200000xf32, #tpu.memory_space<hbm>> -> memref<12512xf32, #tpu.memory_space<hbm>>
    %dma_start3A_386 = tpu.memref_slice %arg20[%dma_start3A_382] : memref<2x!tpu.dma_semaphore, #tpu.memory_space<semaphore_mem>> -> memref<1x!tpu.dma_semaphore, #tpu.memory_space<semaphore_mem>>
    %dma_start3A_387 = tpu.memref_squeeze %dma_start3A_386 : memref<1x!tpu.dma_semaphore, #tpu.memory_space<semaphore_mem>> -> memref<!tpu.dma_semaphore, #tpu.memory_space<semaphore_mem>>
    %dma_start3A_388 = arith.constant 25024 : i32
    %dma_start3A_389 = tpu.memref_slice %arg10[%dma_start3A_388] : memref<100000xf32, #tpu.memory_space<vmem>> -> memref<12512xf32, #tpu.memory_space<vmem>>
    %dma_start3A_390 = tpu.memref_slice %arg9[%multiple_of3A_381] : memref<3200000xf32, #tpu.memory_space<hbm>> -> memref<12512xf32, #tpu.memory_space<hbm>>
    tpu.enqueue_dma source(%dma_start3A_390 : memref<12512xf32, #tpu.memory_space<hbm>>) target(%dma_start3A_389 : memref<12512xf32, #tpu.memory_space<vmem>>) target_semaphore(%dma_start3A_387 : memref<!tpu.dma_semaphore, #tpu.memory_space<semaphore_mem>>)
    %mul3A_391 = arith.constant 8 : i32
    %mul3A_392 = arith.muli %add3A, %mul3A_391 : i32
    %add3A_393 = arith.constant 4 : i32
    %add3A_394 = arith.addi %mul3A_392, %add3A_393 : i32
    %mul3A_395 = arith.constant 100000 : i32
    %mul3A_396 = arith.muli %add3A_394, %mul3A_395 : i32
    %add3A_397 = arith.addi %mul3A_396, %multiple_of3A_186 : i32
    %multiple_of3A_398 = tpu.assume_multiple %add3A_397, 16 : i32
    %dma_wait3A_399 = arith.constant 0 : i32
    %dma_wait3A_400 = arith.constant 12512 : i32
    %dma_wait3A_401 = tpu.memref_slice %arg10[%dma_wait3A_400] : memref<100000xf32, #tpu.memory_space<vmem>> -> memref<12512xf32, #tpu.memory_space<vmem>>
    %dma_wait3A_402 = tpu.memref_slice %arg9[%multiple_of3A_398] : memref<3200000xf32, #tpu.memory_space<hbm>> -> memref<12512xf32, #tpu.memory_space<hbm>>
    %dma_wait3A_403 = tpu.memref_slice %arg20[%dma_wait3A_399] : memref<2x!tpu.dma_semaphore, #tpu.memory_space<semaphore_mem>> -> memref<1x!tpu.dma_semaphore, #tpu.memory_space<semaphore_mem>>
    %dma_wait3A_404 = tpu.memref_squeeze %dma_wait3A_403 : memref<1x!tpu.dma_semaphore, #tpu.memory_space<semaphore_mem>> -> memref<!tpu.dma_semaphore, #tpu.memory_space<semaphore_mem>>
    %dma_wait3A_405 = arith.constant 12512 : i32
    %dma_wait3A_406 = tpu.memref_slice %arg10[%dma_wait3A_405] : memref<100000xf32, #tpu.memory_space<vmem>> -> memref<12512xf32, #tpu.memory_space<vmem>>
    %dma_wait3A_407 = tpu.memref_slice %arg9[%multiple_of3A_398] : memref<3200000xf32, #tpu.memory_space<hbm>> -> memref<12512xf32, #tpu.memory_space<hbm>>
    tpu.wait_dma2 semaphore(%dma_wait3A_404 : memref<!tpu.dma_semaphore, #tpu.memory_space<semaphore_mem>>) src(%dma_wait3A_407 : memref<12512xf32, #tpu.memory_space<hbm>>) dst(%dma_wait3A_406 : memref<12512xf32, #tpu.memory_space<vmem>>)
    %parallel_loop3A_408 = arith.constant 0 : i32
    %parallel_loop3A_409 = arith.constant 782 : i32
    %parallel_loop3A_410 = arith.constant 1 : i32
    scf.for %parallel_loop3A_509 = %parallel_loop3A_408 to %parallel_loop3A_409 step %parallel_loop3A_410  : i32 {
      %parallel_loop3A_510 = arith.constant 16 : i32
      %parallel_loop3A_511 = arith.muli %parallel_loop3A_509, %parallel_loop3A_510 : i32
      %parallel_loop3A_512 = arith.constant 0 : i32
      %parallel_loop3A_513 = arith.addi %parallel_loop3A_512, %parallel_loop3A_511 : i32
      %parallel_loop3A_514 = arith.index_cast %parallel_loop3A_513 : i32 to index
      %parallel_loop3A_515 = tpu.vector_load %arg10[%parallel_loop3A_514] {strides = array<i32>} : memref<100000xf32, #tpu.memory_space<vmem>>, vector<16xf32>,
      %parallel_loop3A_516 = arith.constant 12512 : i32
      %parallel_loop3A_517 = arith.addi %parallel_loop3A_516, %parallel_loop3A_511 : i32
      %parallel_loop3A_518 = arith.index_cast %parallel_loop3A_517 : i32 to index
      %parallel_loop3A_519 = tpu.vector_load %arg10[%parallel_loop3A_518] {strides = array<i32>} : memref<100000xf32, #tpu.memory_space<vmem>>, vector<16xf32>,
      %parallel_loop3A_520 = arith.constant 1.000000e-01 : f32
      %parallel_loop3A_521 = vector.broadcast %parallel_loop3A_520 : f32 to vector<16xf32>
      %parallel_loop3A_522 = arith.mulf %parallel_loop3A_521, %parallel_loop3A_519 : vector<16xf32>
      %parallel_loop3A_523 = arith.subf %parallel_loop3A_515, %parallel_loop3A_522 : vector<16xf32>
      %parallel_loop3A_524 = arith.constant 0 : i32
      %parallel_loop3A_525 = arith.addi %parallel_loop3A_524, %parallel_loop3A_511 : i32
      %parallel_loop3A_526 = arith.index_cast %parallel_loop3A_525 : i32 to index
      %parallel_loop3A_527 = tpu.vector_load %arg10[%parallel_loop3A_526] {strides = array<i32>} : memref<100000xf32, #tpu.memory_space<vmem>>, vector<16xf32>,
      tpu.vector_store %arg10[%parallel_loop3A_526], %parallel_loop3A_523 {strides = array<i32>} : memref<100000xf32, #tpu.memory_space<vmem>>, vector<16xf32>,
    } {sc.loop_unroll_factor = 4 : i64, sc.parallel_access}
    %mul3A_411 = arith.constant 8 : i32
    %mul3A_412 = arith.muli %add3A, %mul3A_411 : i32
    %add3A_413 = arith.constant 6 : i32
    %add3A_414 = arith.addi %mul3A_412, %add3A_413 : i32
    %mul3A_415 = arith.constant 100000 : i32
    %mul3A_416 = arith.muli %add3A_414, %mul3A_415 : i32
    %add3A_417 = arith.addi %mul3A_416, %multiple_of3A_186 : i32
    %multiple_of3A_418 = tpu.assume_multiple %add3A_417, 16 : i32
    %dma_start3A_419 = arith.constant 0 : i32
    %dma_start3A_420 = arith.constant 12512 : i32
    %dma_start3A_421 = tpu.memref_slice %arg10[%dma_start3A_420] : memref<100000xf32, #tpu.memory_space<vmem>> -> memref<12512xf32, #tpu.memory_space<vmem>>
    %dma_start3A_422 = tpu.memref_slice %arg9[%multiple_of3A_418] : memref<3200000xf32, #tpu.memory_space<hbm>> -> memref<12512xf32, #tpu.memory_space<hbm>>
    %dma_start3A_423 = tpu.memref_slice %arg20[%dma_start3A_419] : memref<2x!tpu.dma_semaphore, #tpu.memory_space<semaphore_mem>> -> memref<1x!tpu.dma_semaphore, #tpu.memory_space<semaphore_mem>>
    %dma_start3A_424 = tpu.memref_squeeze %dma_start3A_423 : memref<1x!tpu.dma_semaphore, #tpu.memory_space<semaphore_mem>> -> memref<!tpu.dma_semaphore, #tpu.memory_space<semaphore_mem>>
    %dma_start3A_425 = arith.constant 12512 : i32
    %dma_start3A_426 = tpu.memref_slice %arg10[%dma_start3A_425] : memref<100000xf32, #tpu.memory_space<vmem>> -> memref<12512xf32, #tpu.memory_space<vmem>>
    %dma_start3A_427 = tpu.memref_slice %arg9[%multiple_of3A_418] : memref<3200000xf32, #tpu.memory_space<hbm>> -> memref<12512xf32, #tpu.memory_space<hbm>>
    tpu.enqueue_dma source(%dma_start3A_427 : memref<12512xf32, #tpu.memory_space<hbm>>) target(%dma_start3A_426 : memref<12512xf32, #tpu.memory_space<vmem>>) target_semaphore(%dma_start3A_424 : memref<!tpu.dma_semaphore, #tpu.memory_space<semaphore_mem>>)
    %mul3A_428 = arith.constant 8 : i32
    %mul3A_429 = arith.muli %add3A, %mul3A_428 : i32
    %add3A_430 = arith.constant 5 : i32
    %add3A_431 = arith.addi %mul3A_429, %add3A_430 : i32
    %mul3A_432 = arith.constant 100000 : i32
    %mul3A_433 = arith.muli %add3A_431, %mul3A_432 : i32
    %add3A_434 = arith.addi %mul3A_433, %multiple_of3A_186 : i32
    %multiple_of3A_435 = tpu.assume_multiple %add3A_434, 16 : i32
    %dma_wait3A_436 = arith.constant 1 : i32
    %dma_wait3A_437 = arith.constant 25024 : i32
    %dma_wait3A_438 = tpu.memref_slice %arg10[%dma_wait3A_437] : memref<100000xf32, #tpu.memory_space<vmem>> -> memref<12512xf32, #tpu.memory_space<vmem>>
    %dma_wait3A_439 = tpu.memref_slice %arg9[%multiple_of3A_435] : memref<3200000xf32, #tpu.memory_space<hbm>> -> memref<12512xf32, #tpu.memory_space<hbm>>
    %dma_wait3A_440 = tpu.memref_slice %arg20[%dma_wait3A_436] : memref<2x!tpu.dma_semaphore, #tpu.memory_space<semaphore_mem>> -> memref<1x!tpu.dma_semaphore, #tpu.memory_space<semaphore_mem>>
    %dma_wait3A_441 = tpu.memref_squeeze %dma_wait3A_440 : memref<1x!tpu.dma_semaphore, #tpu.memory_space<semaphore_mem>> -> memref<!tpu.dma_semaphore, #tpu.memory_space<semaphore_mem>>
    %dma_wait3A_442 = arith.constant 25024 : i32
    %dma_wait3A_443 = tpu.memref_slice %arg10[%dma_wait3A_442] : memref<100000xf32, #tpu.memory_space<vmem>> -> memref<12512xf32, #tpu.memory_space<vmem>>
    %dma_wait3A_444 = tpu.memref_slice %arg9[%multiple_of3A_435] : memref<3200000xf32, #tpu.memory_space<hbm>> -> memref<12512xf32, #tpu.memory_space<hbm>>
    tpu.wait_dma2 semaphore(%dma_wait3A_441 : memref<!tpu.dma_semaphore, #tpu.memory_space<semaphore_mem>>) src(%dma_wait3A_444 : memref<12512xf32, #tpu.memory_space<hbm>>) dst(%dma_wait3A_443 : memref<12512xf32, #tpu.memory_space<vmem>>)
    %parallel_loop3A_445 = arith.constant 0 : i32
    %parallel_loop3A_446 = arith.constant 782 : i32
    %parallel_loop3A_447 = arith.constant 1 : i32
    scf.for %parallel_loop3A_509 = %parallel_loop3A_445 to %parallel_loop3A_446 step %parallel_loop3A_447  : i32 {
      %parallel_loop3A_510 = arith.constant 16 : i32
      %parallel_loop3A_511 = arith.muli %parallel_loop3A_509, %parallel_loop3A_510 : i32
      %parallel_loop3A_512 = arith.constant 0 : i32
      %parallel_loop3A_513 = arith.addi %parallel_loop3A_512, %parallel_loop3A_511 : i32
      %parallel_loop3A_514 = arith.index_cast %parallel_loop3A_513 : i32 to index
      %parallel_loop3A_515 = tpu.vector_load %arg10[%parallel_loop3A_514] {strides = array<i32>} : memref<100000xf32, #tpu.memory_space<vmem>>, vector<16xf32>,
      %parallel_loop3A_516 = arith.constant 25024 : i32
      %parallel_loop3A_517 = arith.addi %parallel_loop3A_516, %parallel_loop3A_511 : i32
      %parallel_loop3A_518 = arith.index_cast %parallel_loop3A_517 : i32 to index
      %parallel_loop3A_519 = tpu.vector_load %arg10[%parallel_loop3A_518] {strides = array<i32>} : memref<100000xf32, #tpu.memory_space<vmem>>, vector<16xf32>,
      %parallel_loop3A_520 = arith.constant 1.000000e-01 : f32
      %parallel_loop3A_521 = vector.broadcast %parallel_loop3A_520 : f32 to vector<16xf32>
      %parallel_loop3A_522 = arith.mulf %parallel_loop3A_521, %parallel_loop3A_519 : vector<16xf32>
      %parallel_loop3A_523 = arith.subf %parallel_loop3A_515, %parallel_loop3A_522 : vector<16xf32>
      %parallel_loop3A_524 = arith.constant 0 : i32
      %parallel_loop3A_525 = arith.addi %parallel_loop3A_524, %parallel_loop3A_511 : i32
      %parallel_loop3A_526 = arith.index_cast %parallel_loop3A_525 : i32 to index
      %parallel_loop3A_527 = tpu.vector_load %arg10[%parallel_loop3A_526] {strides = array<i32>} : memref<100000xf32, #tpu.memory_space<vmem>>, vector<16xf32>,
      tpu.vector_store %arg10[%parallel_loop3A_526], %parallel_loop3A_523 {strides = array<i32>} : memref<100000xf32, #tpu.memory_space<vmem>>, vector<16xf32>,
    } {sc.loop_unroll_factor = 4 : i64, sc.parallel_access}
    %mul3A_448 = arith.constant 8 : i32
    %mul3A_449 = arith.muli %add3A, %mul3A_448 : i32
    %add3A_450 = arith.constant 7 : i32
    %add3A_451 = arith.addi %mul3A_449, %add3A_450 : i32
    %mul3A_452 = arith.constant 100000 : i32
    %mul3A_453 = arith.muli %add3A_451, %mul3A_452 : i32
    %add3A_454 = arith.addi %mul3A_453, %multiple_of3A_186 : i32
    %multiple_of3A_455 = tpu.assume_multiple %add3A_454, 16 : i32
    %dma_start3A_456 = arith.constant 1 : i32
    %dma_start3A_457 = arith.constant 25024 : i32
    %dma_start3A_458 = tpu.memref_slice %arg10[%dma_start3A_457] : memref<100000xf32, #tpu.memory_space<vmem>> -> memref<12512xf32, #tpu.memory_space<vmem>>
    %dma_start3A_459 = tpu.memref_slice %arg9[%multiple_of3A_455] : memref<3200000xf32, #tpu.memory_space<hbm>> -> memref<12512xf32, #tpu.memory_space<hbm>>
    %dma_start3A_460 = tpu.memref_slice %arg20[%dma_start3A_456] : memref<2x!tpu.dma_semaphore, #tpu.memory_space<semaphore_mem>> -> memref<1x!tpu.dma_semaphore, #tpu.memory_space<semaphore_mem>>
    %dma_start3A_461 = tpu.memref_squeeze %dma_start3A_460 : memref<1x!tpu.dma_semaphore, #tpu.memory_space<semaphore_mem>> -> memref<!tpu.dma_semaphore, #tpu.memory_space<semaphore_mem>>
    %dma_start3A_462 = arith.constant 25024 : i32
    %dma_start3A_463 = tpu.memref_slice %arg10[%dma_start3A_462] : memref<100000xf32, #tpu.memory_space<vmem>> -> memref<12512xf32, #tpu.memory_space<vmem>>
    %dma_start3A_464 = tpu.memref_slice %arg9[%multiple_of3A_455] : memref<3200000xf32, #tpu.memory_space<hbm>> -> memref<12512xf32, #tpu.memory_space<hbm>>
    tpu.enqueue_dma source(%dma_start3A_464 : memref<12512xf32, #tpu.memory_space<hbm>>) target(%dma_start3A_463 : memref<12512xf32, #tpu.memory_space<vmem>>) target_semaphore(%dma_start3A_461 : memref<!tpu.dma_semaphore, #tpu.memory_space<semaphore_mem>>)
    %mul3A_465 = arith.constant 8 : i32
    %mul3A_466 = arith.muli %add3A, %mul3A_465 : i32
    %add3A_467 = arith.constant 6 : i32
    %add3A_468 = arith.addi %mul3A_466, %add3A_467 : i32
    %mul3A_469 = arith.constant 100000 : i32
    %mul3A_470 = arith.muli %add3A_468, %mul3A_469 : i32
    %add3A_471 = arith.addi %mul3A_470, %multiple_of3A_186 : i32
    %multiple_of3A_472 = tpu.assume_multiple %add3A_471, 16 : i32
    %dma_wait3A_473 = arith.constant 0 : i32
    %dma_wait3A_474 = arith.constant 12512 : i32
    %dma_wait3A_475 = tpu.memref_slice %arg10[%dma_wait3A_474] : memref<100000xf32, #tpu.memory_space<vmem>> -> memref<12512xf32, #tpu.memory_space<vmem>>
    %dma_wait3A_476 = tpu.memref_slice %arg9[%multiple_of3A_472] : memref<3200000xf32, #tpu.memory_space<hbm>> -> memref<12512xf32, #tpu.memory_space<hbm>>
    %dma_wait3A_477 = tpu.memref_slice %arg20[%dma_wait3A_473] : memref<2x!tpu.dma_semaphore, #tpu.memory_space<semaphore_mem>> -> memref<1x!tpu.dma_semaphore, #tpu.memory_space<semaphore_mem>>
    %dma_wait3A_478 = tpu.memref_squeeze %dma_wait3A_477 : memref<1x!tpu.dma_semaphore, #tpu.memory_space<semaphore_mem>> -> memref<!tpu.dma_semaphore, #tpu.memory_space<semaphore_mem>>
    %dma_wait3A_479 = arith.constant 12512 : i32
    %dma_wait3A_480 = tpu.memref_slice %arg10[%dma_wait3A_479] : memref<100000xf32, #tpu.memory_space<vmem>> -> memref<12512xf32, #tpu.memory_space<vmem>>
    %dma_wait3A_481 = tpu.memref_slice %arg9[%multiple_of3A_472] : memref<3200000xf32, #tpu.memory_space<hbm>> -> memref<12512xf32, #tpu.memory_space<hbm>>
    tpu.wait_dma2 semaphore(%dma_wait3A_478 : memref<!tpu.dma_semaphore, #tpu.memory_space<semaphore_mem>>) src(%dma_wait3A_481 : memref<12512xf32, #tpu.memory_space<hbm>>) dst(%dma_wait3A_480 : memref<12512xf32, #tpu.memory_space<vmem>>)
    %parallel_loop3A_482 = arith.constant 0 : i32
    %parallel_loop3A_483 = arith.constant 782 : i32
    %parallel_loop3A_484 = arith.constant 1 : i32
    scf.for %parallel_loop3A_509 = %parallel_loop3A_482 to %parallel_loop3A_483 step %parallel_loop3A_484  : i32 {
      %parallel_loop3A_510 = arith.constant 16 : i32
      %parallel_loop3A_511 = arith.muli %parallel_loop3A_509, %parallel_loop3A_510 : i32
      %parallel_loop3A_512 = arith.constant 0 : i32
      %parallel_loop3A_513 = arith.addi %parallel_loop3A_512, %parallel_loop3A_511 : i32
      %parallel_loop3A_514 = arith.index_cast %parallel_loop3A_513 : i32 to index
      %parallel_loop3A_515 = tpu.vector_load %arg10[%parallel_loop3A_514] {strides = array<i32>} : memref<100000xf32, #tpu.memory_space<vmem>>, vector<16xf32>,
      %parallel_loop3A_516 = arith.constant 12512 : i32
      %parallel_loop3A_517 = arith.addi %parallel_loop3A_516, %parallel_loop3A_511 : i32
      %parallel_loop3A_518 = arith.index_cast %parallel_loop3A_517 : i32 to index
      %parallel_loop3A_519 = tpu.vector_load %arg10[%parallel_loop3A_518] {strides = array<i32>} : memref<100000xf32, #tpu.memory_space<vmem>>, vector<16xf32>,
      %parallel_loop3A_520 = arith.constant 1.000000e-01 : f32
      %parallel_loop3A_521 = vector.broadcast %parallel_loop3A_520 : f32 to vector<16xf32>
      %parallel_loop3A_522 = arith.mulf %parallel_loop3A_521, %parallel_loop3A_519 : vector<16xf32>
      %parallel_loop3A_523 = arith.subf %parallel_loop3A_515, %parallel_loop3A_522 : vector<16xf32>
      %parallel_loop3A_524 = arith.constant 0 : i32
      %parallel_loop3A_525 = arith.addi %parallel_loop3A_524, %parallel_loop3A_511 : i32
      %parallel_loop3A_526 = arith.index_cast %parallel_loop3A_525 : i32 to index
      %parallel_loop3A_527 = tpu.vector_load %arg10[%parallel_loop3A_526] {strides = array<i32>} : memref<100000xf32, #tpu.memory_space<vmem>>, vector<16xf32>,
      tpu.vector_store %arg10[%parallel_loop3A_526], %parallel_loop3A_523 {strides = array<i32>} : memref<100000xf32, #tpu.memory_space<vmem>>, vector<16xf32>,
    } {sc.loop_unroll_factor = 4 : i64, sc.parallel_access}
    %mul3A_485 = arith.constant 8 : i32
    %mul3A_486 = arith.muli %add3A, %mul3A_485 : i32
    %add3A_487 = arith.constant 7 : i32
    %add3A_488 = arith.addi %mul3A_486, %add3A_487 : i32
    %mul3A_489 = arith.constant 100000 : i32
    %mul3A_490 = arith.muli %add3A_488, %mul3A_489 : i32
    %add3A_491 = arith.addi %mul3A_490, %multiple_of3A_186 : i32
    %multiple_of3A_492 = tpu.assume_multiple %add3A_491, 16 : i32
    %dma_wait3A_493 = arith.constant 1 : i32
    %dma_wait3A_494 = arith.constant 25024 : i32
    %dma_wait3A_495 = tpu.memref_slice %arg10[%dma_wait3A_494] : memref<100000xf32, #tpu.memory_space<vmem>> -> memref<12512xf32, #tpu.memory_space<vmem>>
    %dma_wait3A_496 = tpu.memref_slice %arg9[%multiple_of3A_492] : memref<3200000xf32, #tpu.memory_space<hbm>> -> memref<12512xf32, #tpu.memory_space<hbm>>
    %dma_wait3A_497 = tpu.memref_slice %arg20[%dma_wait3A_493] : memref<2x!tpu.dma_semaphore, #tpu.memory_space<semaphore_mem>> -> memref<1x!tpu.dma_semaphore, #tpu.memory_space<semaphore_mem>>
    %dma_wait3A_498 = tpu.memref_squeeze %dma_wait3A_497 : memref<1x!tpu.dma_semaphore, #tpu.memory_space<semaphore_mem>> -> memref<!tpu.dma_semaphore, #tpu.memory_space<semaphore_mem>>
    %dma_wait3A_499 = arith.constant 25024 : i32
    %dma_wait3A_500 = tpu.memref_slice %arg10[%dma_wait3A_499] : memref<100000xf32, #tpu.memory_space<vmem>> -> memref<12512xf32, #tpu.memory_space<vmem>>
    %dma_wait3A_501 = tpu.memref_slice %arg9[%multiple_of3A_492] : memref<3200000xf32, #tpu.memory_space<hbm>> -> memref<12512xf32, #tpu.memory_space<hbm>>
    tpu.wait_dma2 semaphore(%dma_wait3A_498 : memref<!tpu.dma_semaphore, #tpu.memory_space<semaphore_mem>>) src(%dma_wait3A_501 : memref<12512xf32, #tpu.memory_space<hbm>>) dst(%dma_wait3A_500 : memref<12512xf32, #tpu.memory_space<vmem>>)
    %parallel_loop3A_502 = arith.constant 0 : i32
    %parallel_loop3A_503 = arith.constant 782 : i32
    %parallel_loop3A_504 = arith.constant 1 : i32
    scf.for %parallel_loop3A_509 = %parallel_loop3A_502 to %parallel_loop3A_503 step %parallel_loop3A_504  : i32 {
      %parallel_loop3A_510 = arith.constant 16 : i32
      %parallel_loop3A_511 = arith.muli %parallel_loop3A_509, %parallel_loop3A_510 : i32
      %parallel_loop3A_512 = arith.constant 0 : i32
      %parallel_loop3A_513 = arith.addi %parallel_loop3A_512, %parallel_loop3A_511 : i32
      %parallel_loop3A_514 = arith.index_cast %parallel_loop3A_513 : i32 to index
      %parallel_loop3A_515 = tpu.vector_load %arg10[%parallel_loop3A_514] {strides = array<i32>} : memref<100000xf32, #tpu.memory_space<vmem>>, vector<16xf32>,
      %parallel_loop3A_516 = arith.constant 25024 : i32
      %parallel_loop3A_517 = arith.addi %parallel_loop3A_516, %parallel_loop3A_511 : i32
      %parallel_loop3A_518 = arith.index_cast %parallel_loop3A_517 : i32 to index
      %parallel_loop3A_519 = tpu.vector_load %arg10[%parallel_loop3A_518] {strides = array<i32>} : memref<100000xf32, #tpu.memory_space<vmem>>, vector<16xf32>,
      %parallel_loop3A_520 = arith.constant 1.000000e-01 : f32
      %parallel_loop3A_521 = vector.broadcast %parallel_loop3A_520 : f32 to vector<16xf32>
      %parallel_loop3A_522 = arith.mulf %parallel_loop3A_521, %parallel_loop3A_519 : vector<16xf32>
      %parallel_loop3A_523 = arith.subf %parallel_loop3A_515, %parallel_loop3A_522 : vector<16xf32>
      %parallel_loop3A_524 = arith.constant 0 : i32
      %parallel_loop3A_525 = arith.addi %parallel_loop3A_524, %parallel_loop3A_511 : i32
      %parallel_loop3A_526 = arith.index_cast %parallel_loop3A_525 : i32 to index
      %parallel_loop3A_527 = tpu.vector_load %arg10[%parallel_loop3A_526] {strides = array<i32>} : memref<100000xf32, #tpu.memory_space<vmem>>, vector<16xf32>,
      tpu.vector_store %arg10[%parallel_loop3A_526], %parallel_loop3A_523 {strides = array<i32>} : memref<100000xf32, #tpu.memory_space<vmem>>, vector<16xf32>,
    } {sc.loop_unroll_factor = 4 : i64, sc.parallel_access}
    %mul3A_505 = arith.constant 100000 : i32
    %mul3A_506 = arith.muli %add3A, %mul3A_505 : i32
    %add3A_507 = arith.addi %mul3A_506, %multiple_of3A_186 : i32
    %multiple_of3A_508 = tpu.assume_multiple %add3A_507, 16 : i32
    "tpu.region"() ({
      %run_scoped3A = tpu.sem_alloc : memref<!tpu.dma_semaphore, #tpu.memory_space<semaphore_mem>>
      %dma_start3A_509 = arith.constant 0 : i32
      %dma_start3A_510 = tpu.memref_slice %arg10[%dma_start3A_509] : memref<100000xf32, #tpu.memory_space<vmem>> -> memref<12512xf32, #tpu.memory_space<vmem>>
      %dma_start3A_511 = tpu.memref_slice %arg7[%multiple_of3A_508] : memref<400000xf32, #tpu.memory_space<hbm>> -> memref<12512xf32, #tpu.memory_space<hbm>>
      %dma_start3A_512 = tpu.memref_slice %arg7[%multiple_of3A_508] : memref<400000xf32, #tpu.memory_space<hbm>> -> memref<12512xf32, #tpu.memory_space<hbm>>
      %dma_start3A_513 = arith.constant 0 : i32
      %dma_start3A_514 = tpu.memref_slice %arg10[%dma_start3A_513] : memref<100000xf32, #tpu.memory_space<vmem>> -> memref<12512xf32, #tpu.memory_space<vmem>>
      tpu.enqueue_dma source(%dma_start3A_514 : memref<12512xf32, #tpu.memory_space<vmem>>) target(%dma_start3A_512 : memref<12512xf32, #tpu.memory_space<hbm>>) target_semaphore(%run_scoped3A : memref<!tpu.dma_semaphore, #tpu.memory_space<semaphore_mem>>)
      %dma_wait3A_515 = arith.constant 0 : i32
      %dma_wait3A_516 = tpu.memref_slice %arg10[%dma_wait3A_515] : memref<100000xf32, #tpu.memory_space<vmem>> -> memref<12512xf32, #tpu.memory_space<vmem>>
      %dma_wait3A_517 = tpu.memref_slice %arg7[%multiple_of3A_508] : memref<400000xf32, #tpu.memory_space<hbm>> -> memref<12512xf32, #tpu.memory_space<hbm>>
      %dma_wait3A_518 = tpu.memref_slice %arg7[%multiple_of3A_508] : memref<400000xf32, #tpu.memory_space<hbm>> -> memref<12512xf32, #tpu.memory_space<hbm>>
      %dma_wait3A_519 = arith.constant 0 : i32
      %dma_wait3A_520 = tpu.memref_slice %arg10[%dma_wait3A_519] : memref<100000xf32, #tpu.memory_space<vmem>> -> memref<12512xf32, #tpu.memory_space<vmem>>
      tpu.wait_dma2 semaphore(%run_scoped3A : memref<!tpu.dma_semaphore, #tpu.memory_space<semaphore_mem>>) src(%dma_wait3A_520 : memref<12512xf32, #tpu.memory_space<vmem>>) dst(%dma_wait3A_518 : memref<12512xf32, #tpu.memory_space<hbm>>)
      tpu.yield
    }) : () -> ()
    "tpu.trace_stop"() : () -> ()
    return
  }
}

</mosaic_0001>

<sc_bundles>
// kernel: kernel.3.cloned.1.call-start
scs
__scs_entry_jumppad:
0x0: {  	(pc) =	sbr.rel $0x88, $3  }
0x1: {  	(tag) =	ssettag $0x0;
	lr =	simm.s32 $0x1  }
0x2: {  	[smem:$0x3F9E] =	sst lr;
	_ =	strace $0xD0000000  }
0x3: {  	_ = 	snop  }
0x4: {  	_ = 	snop  }
0x5: {  	_ = 	snop  }
0x6: {  	_ = 	snop  }
0x7: {  	_ = 	snop  }
__scs_overlays_trampoline_lowered:
0x8: {  	[smem:$0x3FAD] =	sst s0  }
0x9: {  	[smem:$0x3FAE] =	sst s1  }
0xa: {  	[smem:$0x3FAF] =	sst s2  }
0xb: {  	[smem:$0x3FB0] =	sst s3  }
0xc: {  	[smem:$0x3FB1] =	sst s4  }
0xd: {  	[smem:$0x3FB2] =	sst s5  }
0xe: {  	[smem:$0x3FB3] =	sst s6  }
0xf: {  	[smem:$0x3FB4] =	sst s7  }
0x10: {  	[smem:$0x3FB5] =	sst s8  }
0x11: {  	[smem:$0x3FB6] =	sst s9;
	s0 =	simm.s32 @!p0 $0x0  }
0x12: {  	s1 =	sld [smem:$0x3F9C];
	s0 =	simm.s32 @p0 $0x1  }
0x13: {  	[smem:$0x3FB7] =	sst s0;
	s0 =	simm.s32 @!p1 $0x0  }
0x14: {  	s2 =	sld [smem:$0x3F9B];
	s0 =	simm.s32 @p1 $0x1  }
0x15: {  	[smem:$0x3FB8] =	sst s0;
	s0 =	simm.s32 @!p2 $0x0  }
0x16: {  	s3 =	sld [smem:$0x3FDB];
	s0 =	simm.s32 @p2 $0x1  }
0x17: {  	s4 =	simm.s32 $0x1BF5;
	[smem:$0x3FBA] =	sst s0  }
0x18: {  	s0 =	sld [smem:$0x3F9D];
	_ =	swait.ge [sflag:s4], $0x0  }
0x19: {  	s7 =	sld [smem:$0x3F9E]  }
0x1a: {  	s8 =	sadd.s32 $0xFFFFE003, lr  }
0x1b: {  	s9 =	sadd.s32 $0xFFFFFEF7, lr;
	s5 =	simm.s32 $0xFFFFFFFF;
	p2 =	slt.u32 s8, $0xFFFFF086  }
0x1c: {  	p1 =	slt.u32 s9, $0xF7A;
	s5 =	simm.s32 @!p2 $0x0  }
0x1d: {  	s5 =	simm.s32 @p1 $0x1;
	p0 =	seq.s32 s7, s2  }
0x1e: {  	s7 =	smul.u32 @!p0 $0xF7A, s2;
	p2 =	seq.s32 @!p0 s5, $0x0  }
0x1f: {  	s9 =	smul.u32 $0xF7A, s1;
	s8 =	simm.s32 @!p0 $0x1BF5;
	p2 =	por !p2, p0  }
0x20: {  	[sflag:s8] =	ssyncset.s32 @!p0 $0xFFFFF086;
	s6 =	sadd.s32 @!p0 s3, s7;
	s7 =	simm.s32 @!p0 $0x108  }
0x21: {  	s3 =	sadd.s32 s3, s9;
	s6 =	sadd.s32 @!p0 $0x88, s6;
	s7 =	simm.s32 @p2 $0x1082  }
0x22: {  	[simem:s7], [sflag:s8] =	dma.local @!p0 [hbm:s6], $0xF7A  }
0x23: {  	s9 =	sor.u32 $0xD0000000, s2;
	s6 =	simm.s32 $0x108;
	_ =	swait.ge @!p0 [sflag:s8], $0x0  }
0x24: {  	s3 =	sadd.s32 $0x88, s3;
	s6 =	simm.s32 @!p1 $0x1082;
	[sflag:s4] =	ssyncset.s32 $0xFFFFF086  }
0x25: {  	[simem:s6], [sflag:s4] =	dma.local [hbm:s3], $0xF7A  }
0x26: {  	[smem:$0x3F9E] =	sst s1;
	(tag) =	ssettag s2;
	_ =	strace s9  }
0x27: {  	s1 =	sld [smem:$0x3FAE]  }
0x28: {  	s2 =	sld [smem:$0x3FAF]  }
0x29: {  	s4 =	sld [smem:$0x3FB1]  }
0x2a: {  	p0 =	seq.s32 s5, $0x0;
	s5 =	sld [smem:$0x3FB2]  }
0x2b: {  	s6 =	sld [smem:$0x3FB3]  }
0x2c: {  	s7 =	sld [smem:$0x3FB4]  }
0x2d: {  	s3 =	simm.s32 $0x108;
	s8 =	sld [smem:$0x3FB5]  }
0x2e: {  	s3 =	simm.s32 @!p0 $0x1082;
	s9 =	sld [smem:$0x3FB6]  }
0x2f: {  	lr =	sadd.s32 s0, s3;
	s0 =	sld [smem:$0x3FAD]  }
0x30: {  	s3 =	sld [smem:$0x3FB0]  }
0x31: {  	[smem:$0x3FB9] =	sst s10  }
0x32: {  	s10 =	sld [smem:$0x3FB7];
	_ =	sdelay $0x3  }
0x33: {  	p0 =	seq.s32 s10, $0x1;
	s10 =	sld [smem:$0x3FB9];
	_ =	sdelay $0x3  }
0x34: {  	[smem:$0x3FB9] =	sst s10  }
0x35: {  	s10 =	sld [smem:$0x3FB8];
	_ =	sdelay $0x3  }
0x36: {  	p1 =	seq.s32 s10, $0x1;
	s10 =	sld [smem:$0x3FB9];
	_ =	sdelay $0x3  }
0x37: {  	[smem:$0x3FB9] =	sst s10  }
0x38: {  	s10 =	sld [smem:$0x3FBA]  }
0x39: {  	_ = 	snop;
	(pc) =	sbr.ind lr, $3  }
0x3a: {  	_ = 	snop  }
0x3b: {  	_ = 	snop  }
0x3c: {  	p2 =	seq.s32 s10, $0x1;
	s10 =	sld [smem:$0x3FB9]  }
0x3d: {  	_ =	shalt  }
0x3e: {  	_ =	shalt  }
0x3f: {  	_ =	shalt  }
0x40: {  	_ =	shalt  }
0x41: {  	_ =	shalt  }
0x42: {  	_ =	shalt  }
0x43: {  	_ =	shalt  }
0x44: {  	_ =	shalt  }
0x45: {  	_ =	shalt  }
0x46: {  	_ =	shalt  }
0x47: {  	_ =	shalt  }
0x48: {  	_ =	shalt  }
0x49: {  	_ =	shalt  }
0x4a: {  	_ =	shalt  }
0x4b: {  	_ =	shalt  }
0x4c: {  	_ =	shalt  }
0x4d: {  	_ =	shalt  }
0x4e: {  	_ =	shalt  }
0x4f: {  	_ =	shalt  }
0x50: {  	_ =	shalt  }
0x51: {  	_ =	shalt  }
0x52: {  	_ =	shalt  }
0x53: {  	_ =	shalt  }
0x54: {  	_ =	shalt  }
0x55: {  	_ =	shalt  }
0x56: {  	_ =	shalt  }
0x57: {  	_ =	shalt  }
0x58: {  	_ =	shalt  }
0x59: {  	_ =	shalt  }
0x5a: {  	_ =	shalt  }
0x5b: {  	_ =	shalt  }
0x5c: {  	_ =	shalt  }
0x5d: {  	_ =	shalt  }
0x5e: {  	_ =	shalt  }
0x5f: {  	_ =	shalt  }
0x60: {  	_ =	shalt  }
0x61: {  	_ =	shalt  }
0x62: {  	_ =	shalt  }
0x63: {  	_ =	shalt  }
0x64: {  	_ =	shalt  }
0x65: {  	_ =	shalt  }
0x66: {  	_ =	shalt  }
0x67: {  	_ =	shalt  }
0x68: {  	_ =	shalt  }
0x69: {  	_ =	shalt  }
0x6a: {  	_ =	shalt  }
0x6b: {  	_ =	shalt  }
0x6c: {  	_ =	shalt  }
0x6d: {  	_ =	shalt  }
0x6e: {  	_ =	shalt  }
0x6f: {  	_ =	shalt  }
0x70: {  	_ =	shalt  }
0x71: {  	_ =	shalt  }
0x72: {  	_ =	shalt  }
0x73: {  	_ =	shalt  }
0x74: {  	_ =	shalt  }
0x75: {  	_ =	shalt  }
0x76: {  	_ =	shalt  }
0x77: {  	_ =	shalt  }
0x78: {  	_ =	shalt  }
0x79: {  	_ =	shalt  }
0x7a: {  	_ =	shalt  }
0x7b: {  	_ =	shalt  }
0x7c: {  	_ =	shalt  }
0x7d: {  	_ =	shalt  }
0x7e: {  	_ =	shalt  }
0x7f: {  	_ =	shalt  }
0x80: {  	_ =	shalt  }
0x81: {  	_ =	shalt  }
0x82: {  	_ =	shalt  }
0x83: {  	_ =	shalt  }
0x84: {  	_ =	shalt  }
0x85: {  	_ =	shalt  }
0x86: {  	_ =	shalt  }
0x87: {  	_ =	shalt  }
.Lfunc_end0:
.L_simem_size_0:
called_computation_lowered:
.L_overlay_start_0:
0x88: {  	s2 =	sld [smem:$0x3FD9]  }
0x89: {  	s3 =	sld [smem:$0x3FFE];
	_ =	sdelay $0x1  }
0x8a: {  	s1 =	srdreg.scid  }
0x8b: {  	s0 =	sand.u32 $0x1, s1  }
0x8c: {  	s17 =	sshll.u32 s0, $0xA;
	s2 =	sadd.s32 s3, s2  }
0x8d: {  	s2 =	sadd.s32 s2, s17  }
0x8e: {  	[smem:$0x3FC5] =	sst s2  }
0x8f: {  	_ = 	snop  }
0x90: {  	s2 =	sld [smem:$0x3FC8]  }
0x91: {  	s18 =	sld [smem:$0x3FD0];
	(tm) =	ssettm $0x1  }
0x92: {  	s4 =	sld [smem:$0x3FFB];
	_ =	sdelay $0x3  }
0x93: {  	_ =	strace s4  }
0x94: {  	s4 =	sld [smem:$0x3FFC];
	_ =	sdelay $0x3  }
0x95: {  	_ =	strace s4  }
0x96: {  	s4 =	sld [smem:$0x3FFD];
	_ =	sdelay $0x3  }
0x97: {  	_ =	strace s4  }
0x98: {  	_ =	strace $0x8FFFFFFF  }
0x99: {  	s19 =	sld [smem:$0x3FDB];
	_ =	sdelay $0x1  }
0x9a: {  	s5 =	simm.s32 $_scs_section_size  }
0x9b: {  	s6 =	simm.s32 $_size__tile_overlayer_lowered;
	s7 =	simm.s32 $_tile_overlayer_lowered  }
0x9c: {  	s22 =	simm.s32 $0x1BFF;
	s21 =	sshll.u32 s7, $0x1;
	s4 =	sadd.s32 s5, s19  }
0x9d: {  	s8 =	simm.s32 $0x0;
	s20 =	sshll.u32 s6, $0x1;
	s6 =	sadd.s32 s21, s4  }
0x9e: {  	[timem:s8], [sflag:s22] =	dma.local [hbm:s6], s20  }
0x9f: {  	_ =	swait.ge [sflag:s22], s20  }
0xa0: {  	s5 =	ssub.s32 $0x0, s20;
	[sflag:s22] =	ssyncset.done $0x0  }
0xa1: {  	[sflag:s22] =	ssyncadd.s32 s5;
	_ =	sdelay $0x1  }
0xa2: {  	s23 =	simm.s32 $0x1B8B  }
0xa3: {  	_ =	swait.ge [sflag:s23], $0x1  }
0xa4: {  	[sflag:s23] =	ssyncset.done $0x0  }
0xa5: {  	s25 =	simm.s32 $0x1B8E;
	s24 =	sld [smem:$0x3FFE];
	[sflag:s23] =	ssyncadd.s32 $0xFFFFFFFF  }
0xa6: {  	s26 =	simm.s32 $execute0_lowered;
	[smem:$0x3FD2] =	sst s25  }
0xa7: {  	s6 =	sshll.u32 s26, $0x1;
	_ =	strace $0x80000046;
	[dreg:$0x1] =	wrdreg $0xFFFFFFFF  }
0xa8: {  	s28 =	simm.s32 $_size_execute0_lowered;
	s4 =	sadd.s32 s4, s6;
	[dreg:$0x0] =	wrdreg $0x0  }
0xa9: {  	s6 =	sshll.u32 s28, $0x1;
	[dreg:$0x2] =	wrdreg s4  }
0xaa: {  	[dreg:$0x3] =	wrdreg s6  }
0xab: {  	[dreg:$0x4] =	wrdreg $0xC0  }
0xac: {  	_ =	task [dreg:s8], $0x5FFFF  }
0xad: {  	[dreg:$0x1] =	wrdreg $0xFFFFFFFF  }
0xae: {  	[dreg:$0x0] =	wrdreg $0x60  }
0xaf: {  	[dreg:$0x2] =	wrdreg s18  }
0xb0: {  	[dreg:$0x3] =	wrdreg s24  }
0xb1: {  	[dreg:$0x4] =	wrdreg s2  }
0xb2: {  	[dreg:$0x5] =	wrdreg $0x9  }
0xb3: {  	_ =	task.clear_ibuf [dreg:s8], $0x6FFFF;
	_ =	strace $0x90000046  }
0xb4: {  	s29 =	simm.s32 $0x9;
	_ =	strace $0x8000004B  }
0xb5: {  	_ =	swait.ge [sflag:s29], $0x1  }
0xb6: {  	[sflag:s29] =	ssyncadd.s32 $0xFFFFFFFF  }
0xb7: {  	_ =	strace $0x9000004B  }
0xb8: {  	_ =	sfence  }
0xb9: {  	s30 =	sld [smem:$0x0];
	_ =	sdelay $0x2  }
0xba: {  	s31 =	sshll.u32 s1, $0xD;
	s1 =	sshrl.u32 s1, $0x2  }
0xbb: {  	s3 =	sand.u32 $0x4000, s31;
	s1 =	sadd.s32 s1, s30  }
0xbc: {  	s0 =	sor.u32 s3, s0;
	s1 =	sshll.u32 s1, $0x11  }
0xbd: {  	s0 =	sor.u32 s1, s0  }
0xbe: {  	s0 =	sadd.s32 $0x8F2B, s0  }
0xbf: {  	[sflag:s0] =	ssyncadd.remote.s32 $0x1  }
0xc0: {  	_ =	sfence.sel $0xFFFF  }
0xc1: {  	[dreg:$0x0] =	wrdreg $0xFFFFFFFF;
	(pc) =	sbr.abs _section_cstart, $3  }
0xc2: {  	[dreg:$0x1] =	wrdreg $0xFFFFFFFF  }
0xc3: {  	_ =	task.clear_ibuf [dreg:s8], $0x2FFFF;
	_ =	strace $0x9FFFFFFF  }
0xc4: {  	(tm) =	ssettm $0x7FFFFFFF  }
0xc5: {  	_ =	shalt  }
tec
execute0_lowered:
.L_overlay_start_1:
0x0: {  	(tag) =	ssettag $0x1  }
0x1: {  	s0 =	rddreg [dreg:$0x0]  }
0x2: {  	s1 =	rddreg [dreg:$0x1];
	s3 =	srdreg.scid  }
0x3: {  	s7 =	stileid.u32;
	s2 =	rddreg [dreg:$0x2]  }
0x4: {  	s10 =	sand.u32 $0x7, s7;
	s11 =	sshrl.u32 s7, $0x3;
	s7 =	smul.u32 $0x30D40, s7  }
0x5: {  	s30 =	simm.s32 $0x18700;
	s9 =	sand.u32 $0x1, s3;
	s4 =	smul.u32 $0x30D4, s10  }
0x6: {  	s31 =	simm.s32 $0x19700;
	s3 =	sshll.u32 s9, $0x1;
	s5 =	smul.u32 $0x30D4, s9  }
0x7: {  	s8 =	ssub.s32 $0x2, s9;
	s9 =	smul.u32 $0x30D400, s9;
	s12 =	sor.u32 s11, s3  }
0x8: {  	s3 =	simm.s32 $0x0;
	s14 =	sshrl.u32 s8, $0x1;
	s22 =	sshrl.u32 s7, $0x3  }
0x9: {  	s4 =	sand.u32 $0x1FFF0, s4;
	s6 =	smul.u32 $0x186A0, s12;
	[smem:$0x7FF] =	sst s3  }
0xa: {  	s13 =	sadd.s32 s5, s1;
	s18 =	ssub.s32 s8, s14;
	s8 =	smul.u32 $0x61A80, s10  }
0xb: {  	s5 =	sadd.s32 $0x200, s1;
	s21 =	sshll.u32 s12, $0x3;
	s12 =	smul.u32 $0xC3500, s12  }
0xc: {  	s25 =	sadd.s32 s2, s22;
	s15 =	smin.u32 s4, $0x155C0;
	_ =	strace $0x80000047  }
0xd: {  	s4 =	sadd.s32 $0x61E00, s1;
	s13 =	sadd.s32 $0xC3A00, s13;
	[dreg:$0x7] =	wrdreg s25  }
0xe: {  	s10 =	sor.u32 s10, s21;
	s24 =	sadd.s32 s5, s22;
	[dreg:$0x4] =	wrdreg s13  }
0xf: {  	s6 =	sadd.s32 s6, s15;
	s23 =	sadd.s32 s4, s22;
	[dreg:$0x6] =	wrdreg s24  }
0x10: {  	s10 =	smul.u32 $0x30D4, s10;
	s12 =	sadd.s32 s12, s15;
	s19 =	sshrl.u32 s8, $0x3  }
0x11: {  	s15 =	sadd.s32 s9, s8;
	s22 =	smax.u32 s18, $0x1;
	s16 =	sshrl.u32 s6, $0x3  }
0x12: {  	s6 =	sadd.s32 $0xC9C00, s1;
	[dreg:$0x5] =	wrdreg s23;
	s26 =	sshrl.u32 s12, $0x3  }
0x13: {  	s28 =	sshrl.u32 s15, $0x3;
	s29 =	sadd.s32 s4, s19;
	[dreg:$0x10] =	wrdreg s22  }
0x14: {  	s17 =	sadd.s32 s16, s1;
	[dreg:$0xa] =	wrdreg s29;
	s12 =	sadd.s32 s6, s28  }
0x15: {  	s1 =	sadd.s32 $0x18D200, s1;
	s0 =	sadd.s32 s0, s16;
	[dreg:$0xc] =	wrdreg s12  }
0x16: {  	s14 =	sadd.s32 $0xFA0, s7;
	s10 =	sadd.s32 s1, s10;
	[dreg:$0xd] =	wrdreg s0  }
0x17: {  	s21 =	sshll.u32 s11, $0x4;
	s20 =	sadd.s32 $0x1EEE00, s17;
	[dreg:$0x8] =	wrdreg s10  }
0x18: {  	s11 =	simm.s32 $0x18F00;
	s1 =	sadd.s32 s1, s26;
	[dreg:$0xf] =	wrdreg s20  }
0x19: {  	s13 =	sadd.s32 s7, s9;
	s10 =	sadd.s32 s5, s19;
	[dreg:$0x9] =	wrdreg s1  }
0x1a: {  	s9 =	simm.s32 $0x1B700;
	s19 =	sadd.s32 $0x30D4, s1;
	[dreg:$0xb] =	wrdreg s10  }
0x1b: {  	s18 =	simm.s32 $0x3;
	s23 =	sadd.s32 $0x61A8, s1;
	[dreg:$0xe] =	wrdreg s19  }
0x1c: {  	v0 =	vmov s21;
	s21 =	simm.s32 $0x30E0;
	s24 =	sadd.s32 $0x927C, s1;
	[dreg:$0x11] =	wrdreg s23  }
0x1d: {  	s22 =	simm.s32 $0x61C0;
	s25 =	sadd.s32 $0xC350, s1;
	[dreg:$0x12] =	wrdreg s24  }
0x1e: {  	s16 =	simm.s32 $0x1BF00;
	s26 =	sadd.s32 $0xF424, s1;
	[dreg:$0x13] =	wrdreg s25  }
0x1f: {  	s0 =	simm.s32 $0x19F00;
	s28 =	sadd.s32 $0x124F8, s1;
	[dreg:$0x14] =	wrdreg s26  }
0x20: {  	s12 =	simm.s32 $0x1AF00;
	s29 =	sadd.s32 $0x155CC, s1;
	[dreg:$0x15] =	wrdreg s28  }
0x21: {  	s1 =	simm.s32 $0x1;
	s20 =	simm.s32 $0x5;
	[dreg:$0x16] =	wrdreg s29  }
0x22: {  	v1 =	vimm.f32 $0.0e+00;
	s10 =	simm.s32 $0x2;
	s19 =	simm.s32 $0x4;
	s23 =	simm.s32 $0x0  }
.LBB2_1:
0x23: {  	_ =	strace $0x80000048  }
0x24: {  	s17 =	rddreg [dreg:$0x4]  }
0x25: {  	[tilespmem:s3], [sflag:$0x1] =	stream.linear.gather [hbm4b:s17+s3], $0x186A0, $0x200038;
	[tilespmem:$0x1C700] =	vst v63  }
0x26: {  	_ =	swait.ge [sflag:s1], $0x186A0  }
0x27: {  	[sflag:s1] =	ssyncset.done $0x0  }
0x28: {  	s29 =	rddreg [dreg:$0x5];
	[sflag:s1] =	ssyncadd.s32 $0xFFFE7960  }
0x29: {  	[tilespmem:s30], [sflag:$0x1] =	stream.linear.gather [hbm4b:s29+s3], $0x7D0, $0x200038;
	[tilespmem:$0x1C700] =	vst v63  }
0x2a: {  	s30 =	rddreg [dreg:$0x6]  }
0x2b: {  	[tilespmem:s31], [sflag:$0x1] =	stream.linear.gather [hbm4b:s30+s3], $0x7D0, $0x200038;
	[tilespmem:$0x1C700] =	vst v63  }
0x2c: {  	s24 =	simm.s32 $0x1A700;
	s31 =	rddreg [dreg:$0x7]  }
0x2d: {  	[tilespmem:s24], [sflag:$0x1] =	stream.linear.gather [hbm4b:s31+s3], $0x7D0, $0x200038;
	[tilespmem:$0x1C700] =	vst v63  }
0x2e: {  	s24 =	simm.s32 $0x0  }
.LBB2_2:
0x2f: {  	s26 =	smul.u32 $0xFA0, s24;
	_ =	sdelay $0x1  }
0x30: {  	s25 =	sadd.s32 $0x7D0, s26  }
0x31: {  	s17 =	sadd.s32 s7, s25  }
0x32: {  	s17 =	sshrl.u32 s17, $0x3  }
0x33: {  	s28 =	sadd.s32 s4, s17  }
0x34: {  	[tilespmem:s11], [sflag:$0x2] =	stream.linear.gather [hbm4b:s28+s3], $0x7D0, $0x200038;
	[tilespmem:$0x1C700] =	vst v63  }
0x35: {  	s28 =	sadd.s32 s5, s17  }
0x36: {  	[tilespmem:s0], [sflag:$0x2] =	stream.linear.gather [hbm4b:s28+s3], $0x7D0, $0x200038;
	[tilespmem:$0x1C700] =	vst v63  }
0x37: {  	s17 =	sadd.s32 s2, s17  }
0x38: {  	[tilespmem:s12], [sflag:$0x2] =	stream.linear.gather [hbm4b:s17+s3], $0x7D0, $0x200038;
	[tilespmem:$0x1C700] =	vst v63  }
0x39: {  	_ =	swait.ge [sflag:s1], $0x7D0  }
0x3a: {  	[sflag:s1] =	ssyncset.done $0x0  }
0x3b: {  	[sflag:s1] =	ssyncadd.s32 $0xFFFFF830  }
0x3c: {  	_ =	swait.ge [sflag:s1], $0x7D0  }
0x3d: {  	[sflag:s1] =	ssyncset.done $0x0  }
0x3e: {  	[sflag:s1] =	ssyncadd.s32 $0xFFFFF830  }
0x3f: {  	_ =	swait.ge [sflag:s1], $0x7D0  }
0x40: {  	p0 =	seq.s32 s24, $0x0;
	[sflag:s1] =	ssyncset.done $0x0  }
0x41: {  	s17 =	simm.s32 @!p0 $0x3;
	[sflag:s1] =	ssyncadd.s32 $0xFFFFF830  }
0x42: {  	_ =	swait.ge @!p0 [sflag:s17], $0x7D0  }
0x43: {  	[sflag:s17] =	ssyncset.done @!p0 $0x0  }
0x44: {  	[sflag:s17] =	ssyncadd.s32 @!p0 $0xFFFFF830;
	s17 =	simm.s32 $0x18720  }
0x45: {  	s28 =	simm.s32 $0x19720;
	v2 =	vld [tilespmem:s17+$0x10]  }
0x46: {  	v3 =	vld [tilespmem:s28+$0x10]  }
0x47: {  	v4 =	vld [tilespmem:s28+$0xFFFFFFE0]  }
0x48: {  	v5 =	vld [tilespmem:s17+$0xFFFFFFF0]  }
0x49: {  	v6 =	vld [tilespmem:s28+$0xFFFFFFF0]  }
0x4a: {  	v7 =	vld [tilespmem:s17+$0x0]  }
0x4b: {  	v8 =	vld [tilespmem:s28+$0x0]  }
0x4c: {  	v9 =	vld [tilespmem:s17+$0xFFFFFFE0];
	s17 =	simm.s32 $0x1A720  }
0x4d: {  	v10 =	vld [tilespmem:s17+$0x10]  }
0x4e: {  	v12 =	vld [tilespmem:s17+$0xFFFFFFE0]  }
0x4f: {  	v2 =	vld.idx.msk [tilespmem:v2+s3+$0x0], $0xffff  }
0x50: {  	v3 =	vld.idx.msk [tilespmem:v3+s3+$0x0], $0xffff  }
0x51: {  	v4 =	vld.idx.msk [tilespmem:v4+s3+$0x0], $0xffff  }
0x52: {  	v6 =	vld.idx.msk [tilespmem:v6+s3+$0x0], $0xffff  }
0x53: {  	v7 =	vld.idx.msk [tilespmem:v7+s3+$0x0], $0xffff  }
0x54: {  	v9 =	vld.idx.msk [tilespmem:v9+s3+$0x0], $0xffff  }
0x55: {  	v5 =	vld.idx.msk [tilespmem:v5+s3+$0x0], $0xffff  }
0x56: {  	s28 =	simm.s32 $0x19760;
	v14 =	vld [tilespmem:s17+$0xFFFFFFF0];
	v11 =	vshll.u32 v2, $0x10;
	v13 =	vshll.u32 v3, $0x10;
	v2 =	vand.u32 $0xFFFF0000, v2  }
0x57: {  	v18 =	vld [tilespmem:s28+$0xFFFFFFE0];
	v3 =	vand.u32 $0xFFFF0000, v3;
	v15 =	vshll.u32 v4, $0x10;
	v4 =	vand.u32 $0xFFFF0000, v4  }
0x58: {  	v8 =	vld.idx.msk [tilespmem:v8+s3+$0x0], $0xffff;
	v17 =	vshll.u32 v6, $0x10;
	v6 =	vand.u32 $0xFFFF0000, v6;
	v58 =	vshll.u32 v7, $0x10  }
0x59: {  	v19 =	vshll.u32 v9, $0x10;
	v11 =	vsub.f32 v11, v13;
	v2 =	vsub.f32 v2, v3;
	v3 =	vld [tilespmem:s17+$0x0];
	s17 =	simm.s32 $0x18760  }
0x5a: {  	v9 =	vand.u32 $0xFFFF0000, v9;
	v13 =	vshll.u32 v5, $0x10;
	v15 =	vsub.f32 v19, v15;
	v16 =	vld [tilespmem:s17+$0x10]  }
0x5b: {  	v4 =	vsub.f32 v9, v4;
	v11 =	vmul.f32 v11, v10;
	v2 =	vmul.f32 v2, v10;
	v10 =	vld [tilespmem:s28+$0x10]  }
0x5c: {  	v7 =	vand.u32 $0xFFFF0000, v7;
	v5 =	vand.u32 $0xFFFF0000, v5;
	v13 =	vsub.f32 v13, v17;
	v20 =	vld [tilespmem:s17+$0xFFFFFFF0]  }
0x5d: {  	v21 =	vld [tilespmem:s28+$0xFFFFFFF0];
	v5 =	vsub.f32 v5, v6;
	v6 =	vmul.f32 v15, v12;
	v4 =	vmul.f32 v4, v12  }
0x5e: {  	v9 =	vld [tilespmem:s28+$0x0];
	v13 =	vmul.f32 v13, v14;
	v11 =	vadd.s32 $0x8000, v11;
	v2 =	vadd.s32 $0x8000, v2  }
0x5f: {  	v15 =	vld [tilespmem:s17+$0xFFFFFFE0];
	v5 =	vmul.f32 v5, v14;
	v11 =	vshrl.u32 v11, $0x10;
	v2 =	vand.u32 $0xFFFF0000, v2  }
0x60: {  	v59 =	vld [tilespmem:s17+$0x0];
	v11 =	vor.u32 v2, v11;
	v2 =	vshll.u32 v8, $0x10;
	v8 =	vand.u32 $0xFFFF0000, v8  }
0x61: {  	v12 =	vadd.s32 $0x8000, v13;
	v13 =	vld.idx.msk [tilespmem:v18+s3+$0x0], $0xffff;
	v2 =	vsub.f32 v58, v2;
	v7 =	vsub.f32 v7, v8  }
0x62: {  	v6 =	vadd.s32 $0x8000, v6;
	v4 =	vadd.s32 $0x8000, v4;
	v8 =	vld.idx.msk [tilespmem:v16+s3+$0x0], $0xffff  }
0x63: {  	v5 =	vadd.s32 $0x8000, v5;
	v2 =	vmul.f32 v2, v3;
	v3 =	vmul.f32 v7, v3;
	v10 =	vld.idx.msk [tilespmem:v10+s3+$0x0], $0xffff  }
0x64: {  	v6 =	vshrl.u32 v6, $0x10;
	v4 =	vand.u32 $0xFFFF0000, v4;
	v5 =	vand.u32 $0xFFFF0000, v5;
	v14 =	vld.idx.msk [tilespmem:v20+s3+$0x0], $0xffff  }
0x65: {  	s30 =	simm.s32 $0x1A760;
	v7 =	vshrl.u32 v12, $0x10;
	v12 =	vld.idx.msk [tilespmem:v21+s3+$0x0], $0xffff;
	v2 =	vadd.s32 $0x8000, v2;
	v3 =	vadd.s32 $0x8000, v3  }
0x66: {  	v60 =	vld [tilespmem:s30+$0x10];
	v4 =	vor.u32 v4, v6;
	v2 =	vshrl.u32 v2, $0x10;
	v3 =	vand.u32 $0xFFFF0000, v3  }
0x67: {  	s29 =	simm.s32 $0x1B720;
	v6 =	vor.u32 v5, v7;
	v7 =	vld.idx.msk [tilespmem:v15+s3+$0x0], $0xffff;
	v61 =	vor.u32 v3, v2;
	v3 =	vshll.u32 v8, $0x10  }
0x68: {  	[tilespmem:s29+$0x10] =	vst v11;
	v2 =	vld.idx.msk [tilespmem:v59+s3+$0x0], $0xffff;
	v62 =	vand.u32 $0xFFFF0000, v8;
	v15 =	vshll.u32 v10, $0x10;
	v10 =	vand.u32 $0xFFFF0000, v10  }
0x69: {  	[tilespmem:s29+$0xFFFFFFE0] =	vst v4;
	v5 =	vld.idx.msk [tilespmem:v9+s3+$0x0], $0xffff;
	v9 =	vand.u32 $0xFFFF0000, v13;
	v11 =	vsub.f32 v3, v15;
	v15 =	vsub.f32 v62, v10  }
0x6a: {  	v4 =	vld [tilespmem:s30+$0xFFFFFFF0];
	[tilespmem:s29+$0xFFFFFFF0] =	vst v6;
	v8 =	vshll.u32 v13, $0x10;
	v63 =	vshll.u32 v14, $0x10;
	v6 =	vshll.u32 v12, $0x10  }
0x6b: {  	v3 =	vld [tilespmem:s30+$0xFFFFFFE0];
	v10 =	vand.u32 $0xFFFF0000, v14;
	v13 =	vmul.f32 v11, v60;
	v14 =	vmul.f32 v15, v60  }
0x6c: {  	s31 =	simm.s32 $0x4;
	s17 =	simm.s32 $0x187A0;
	[tilespmem:s29+$0x0] =	vst v61;
	v11 =	vand.u32 $0xFFFF0000, v12;
	v12 =	vsub.f32 v63, v6;
	v6 =	vld [tilespmem:s30+$0x0]  }
.LBB2_3:
0x6d: {  	v15 =	vld [tilespmem:s17+$0x10];
	v16 =	vshll.u32 v2, $0x10;
	v13 =	vadd.s32 $0x8000, v13;
	v14 =	vadd.s32 $0x8000, v14;
	s28 =	sadd.s32 $0x40, s28  }
0x6e: {  	s31 =	sadd.s32 $0x4, s31;
	v18 =	vshll.u32 v7, $0x10;
	v17 =	vld [tilespmem:s28+$0x10];
	v13 =	vshrl.u32 v13, $0x10;
	v14 =	vand.u32 $0xFFFF0000, v14  }
0x6f: {  	v7 =	vand.u32 $0xFFFF0000, v7;
	s29 =	sadd.s32 $0x40, s29;
	p1 =	slt.u32 s31, $0x78;
	v20 =	vshll.u32 v5, $0x10;
	v19 =	vld [tilespmem:s28+$0xFFFFFFE0];
	v13 =	vor.u32 v14, v13  }
0x70: {  	v2 =	vand.u32 $0xFFFF0000, v2;
	v8 =	vsub.f32 v18, v8;
	v5 =	vand.u32 $0xFFFF0000, v5;
	v14 =	vld [tilespmem:s17+$0xFFFFFFF0];
	[tilespmem:s29+$0x10] =	vst v13  }
0x71: {  	v10 =	vsub.f32 v10, v11;
	v7 =	vsub.f32 v7, v9;
	v9 =	vmul.f32 v12, v4;
	v13 =	vld [tilespmem:s28+$0xFFFFFFF0]  }
0x72: {  	v2 =	vsub.f32 v2, v5;
	v8 =	vmul.f32 v8, v3;
	v12 =	vsub.f32 v16, v20;
	v11 =	vld [tilespmem:s17+$0x0]  }
0x73: {  	v3 =	vmul.f32 v7, v3;
	v4 =	vmul.f32 v10, v4;
	v7 =	vadd.s32 $0x8000, v9;
	v5 =	vld [tilespmem:s28+$0x0]  }
0x74: {  	v2 =	vmul.f32 v2, v6;
	v8 =	vadd.s32 $0x8000, v8;
	v10 =	vmul.f32 v12, v6;
	v9 =	vld [tilespmem:s17+$0xFFFFFFE0]  }
0x75: {  	v3 =	vadd.s32 $0x8000, v3;
	v4 =	vadd.s32 $0x8000, v4;
	v8 =	vshrl.u32 v8, $0x10;
	v6 =	vld.idx.msk [tilespmem:v15+s3+$0x0], $0xffff  }
0x76: {  	v3 =	vand.u32 $0xFFFF0000, v3;
	v2 =	vadd.s32 $0x8000, v2;
	v10 =	vadd.s32 $0x8000, v10;
	v12 =	vld.idx.msk [tilespmem:v17+s3+$0x0], $0xffff  }
0x77: {  	v7 =	vshrl.u32 v7, $0x10;
	v4 =	vand.u32 $0xFFFF0000, v4;
	v10 =	vshrl.u32 v10, $0x10;
	v15 =	vld.idx.msk [tilespmem:v19+s3+$0x0], $0xffff  }
0x78: {  	v3 =	vor.u32 v3, v8;
	v4 =	vor.u32 v4, v7;
	v2 =	vand.u32 $0xFFFF0000, v2;
	v14 =	vld.idx.msk [tilespmem:v14+s3+$0x0], $0xffff  }
0x79: {  	s30 =	sadd.s32 $0x40, s30;
	v16 =	vld.idx.msk [tilespmem:v13+s3+$0x0], $0xffff;
	[tilespmem:s29+$0xFFFFFFE0] =	vst v3;
	v3 =	vor.u32 v2, v10  }
0x7a: {  	v17 =	vld [tilespmem:s30+$0x10];
	[tilespmem:s29+$0xFFFFFFF0] =	vst v4  }
0x7b: {  	v4 =	vshll.u32 v6, $0x10;
	v2 =	vld.idx.msk [tilespmem:v11+s3+$0x0], $0xffff;
	[tilespmem:s29+$0x0] =	vst v3  }
.Ltmp0:
0x7c: {  	v6 =	vand.u32 $0xFFFF0000, v6;
	v3 =	vshll.u32 v12, $0x10;
	v7 =	vld.idx.msk [tilespmem:v9+s3+$0x0], $0xffff;
	v9 =	vand.u32 $0xFFFF0000, v12;
	(pc) =	sbr.rel @p1 .LBB2_3-.Ltmp0, $4  }
0x7d: {  	v8 =	vshll.u32 v15, $0x10;
	v11 =	vsub.f32 v4, v3;
	v5 =	vld.idx.msk [tilespmem:v5+s3+$0x0], $0xffff;
	v6 =	vsub.f32 v6, v9  }
0x7e: {  	v9 =	vand.u32 $0xFFFF0000, v15;
	v12 =	vshll.u32 v14, $0x10;
	v10 =	vand.u32 $0xFFFF0000, v14;
	v3 =	vld [tilespmem:s30+$0xFFFFFFE0]  }
0x7f: {  	v15 =	vshll.u32 v16, $0x10;
	v4 =	vld [tilespmem:s30+$0xFFFFFFF0];
	v13 =	vmul.f32 v11, v17;
	v14 =	vmul.f32 v6, v17  }
0x80: {  	s17 =	sadd.s32 $0x40, s17;
	v11 =	vand.u32 $0xFFFF0000, v16;
	v12 =	vsub.f32 v12, v15;
	v6 =	vld [tilespmem:s30+$0x0]  }
0x81: {  	v15 =	vshll.u32 v2, $0x10;
	v13 =	vadd.s32 $0x8000, v13;
	v14 =	vadd.s32 $0x8000, v14  }
0x82: {  	v16 =	vshll.u32 v7, $0x10;
	v7 =	vand.u32 $0xFFFF0000, v7;
	v2 =	vand.u32 $0xFFFF0000, v2  }
0x83: {  	v10 =	vsub.f32 v10, v11;
	v13 =	vshrl.u32 v13, $0x10;
	v17 =	vshll.u32 v5, $0x10  }
0x84: {  	v8 =	vsub.f32 v16, v8;
	v5 =	vand.u32 $0xFFFF0000, v5;
	v7 =	vsub.f32 v7, v9  }
0x85: {  	v14 =	vand.u32 $0xFFFF0000, v14;
	v2 =	vsub.f32 v2, v5;
	v9 =	vmul.f32 v12, v4  }
0x86: {  	v11 =	vsub.f32 v15, v17;
	v8 =	vmul.f32 v8, v3;
	v3 =	vmul.f32 v7, v3  }
0x87: {  	v13 =	vor.u32 v14, v13;
	v4 =	vmul.f32 v10, v4;
	v2 =	vmul.f32 v2, v6  }
0x88: {  	v5 =	vadd.s32 $0x8000, v9;
	v7 =	vadd.s32 $0x8000, v8;
	v8 =	vmul.f32 v11, v6  }
0x89: {  	v3 =	vadd.s32 $0x8000, v3;
	v4 =	vadd.s32 $0x8000, v4;
	v6 =	vshrl.u32 v7, $0x10  }
0x8a: {  	s17 =	sadd.s32 $0x40, s29;
	v3 =	vand.u32 $0xFFFF0000, v3;
	v2 =	vadd.s32 $0x8000, v2;
	v5 =	vshrl.u32 v5, $0x10  }
0x8b: {  	[tilespmem:s17+$0x10] =	vst v13;
	v4 =	vand.u32 $0xFFFF0000, v4;
	v7 =	vadd.s32 $0x8000, v8;
	v3 =	vor.u32 v3, v6  }
0x8c: {  	v4 =	vor.u32 v4, v5;
	v2 =	vand.u32 $0xFFFF0000, v2;
	v6 =	vshrl.u32 v7, $0x10;
	[tilespmem:s17+$0xFFFFFFE0] =	vst v3  }
0x8d: {  	[tilespmem:s17+$0xFFFFFFF0] =	vst v4;
	v2 =	vor.u32 v2, v6  }
0x8e: {  	[tilespmem:s17+$0x0] =	vst v2  }
0x8f: {  	v2 =	vld [tilespmem:$0x18EC0]  }
0x90: {  	v3 =	vld [tilespmem:$0x19EC0];
	_ =	sdelay $0x6  }
0x91: {  	v2 =	vld.idx.msk [tilespmem:v2+s3+$0x0], $0xffff  }
0x92: {  	v3 =	vld.idx.msk [tilespmem:v3+s3+$0x0], $0xffff;
	_ =	sdelay $0x2  }
0x93: {  	v4 =	vld [tilespmem:$0x1AEC0]  }
0x94: {  	v5 =	vshll.u32 v2, $0x10  }
0x95: {  	v6 =	vshll.u32 v3, $0x10;
	v2 =	vand.u32 $0xFFFF0000, v2;
	v3 =	vand.u32 $0xFFFF0000, v3  }
0x96: {  	v5 =	vsub.f32 v5, v6;
	v2 =	vsub.f32 v2, v3;
	_ =	sdelay $0x1  }
0x97: {  	v3 =	vmul.f32 v5, v4;
	v2 =	vmul.f32 v2, v4;
	_ =	sdelay $0x1  }
0x98: {  	v3 =	vadd.s32 $0x8000, v3;
	v2 =	vadd.s32 $0x8000, v2  }
0x99: {  	s31 =	sadd.s32 s13, s26;
	v3 =	vshrl.u32 v3, $0x10;
	v2 =	vand.u32 $0xFFFF0000, v2  }
0x9a: {  	s17 =	sshrl.u32 s31, $0x3;
	v2 =	vor.u32 v2, v3  }
0x9b: {  	p1 =	seq.s32 s24, $0x31;
	s17 =	sadd.s32 s6, s17;
	[tilespmem:$0x1BEC0] =	vst v2  }
0x9c: {  	[hbm4b:s17+s3] =	stream.linear.scatter [tilespmem:s9], [sflag:$0x3], $0x7D0, $0x200038;
	[tilespmem:$0x1C700] =	vst v63  }
0x9d: {  	s17 =	sadd.s32 @!p1 s26, s14  }
0x9e: {  	s17 =	sshrl.u32 @!p1 s17, $0x3  }
0x9f: {  	s28 =	simm.s32 @!p1 $0x0;
	s29 =	simm.s32 @!p1 $0x18700;
	s26 =	sadd.s32 @!p1 s4, s17  }
0xa0: {  	[tilespmem:s29], [sflag:$0x1] =	stream.linear.gather @!p1 [hbm4b:s26+s28], $0x7D0, $0x200038;
	[tilespmem:$0x1C700] =	vst v63  }
0xa1: {  	s26 =	sadd.s32 @!p1 s5, s17;
	s29 =	simm.s32 @!p1 $0x19700  }
0xa2: {  	[tilespmem:s29], [sflag:$0x1] =	stream.linear.gather @!p1 [hbm4b:s26+s28], $0x7D0, $0x200038;
	[tilespmem:$0x1C700] =	vst v63  }
0xa3: {  	s17 =	sadd.s32 @!p1 s2, s17;
	s26 =	simm.s32 @!p1 $0x1A700  }
0xa4: {  	[tilespmem:s26], [sflag:$0x1] =	stream.linear.gather @!p1 [hbm4b:s17+s28], $0x7D0, $0x200038;
	[tilespmem:$0x1C700] =	vst v63  }
0xa5: {  	_ =	swait.ge [sflag:s10], $0x7D0  }
0xa6: {  	[sflag:s10] =	ssyncset.done $0x0  }
0xa7: {  	[sflag:s10] =	ssyncadd.s32 $0xFFFFF830  }
0xa8: {  	_ =	swait.ge [sflag:s10], $0x7D0  }
0xa9: {  	[sflag:s10] =	ssyncset.done $0x0  }
0xaa: {  	[sflag:s10] =	ssyncadd.s32 $0xFFFFF830  }
0xab: {  	_ =	swait.ge [sflag:s10], $0x7D0  }
0xac: {  	[sflag:s10] =	ssyncset.done $0x0  }
0xad: {  	s17 =	simm.s32 @!p0 $0x4;
	[sflag:s10] =	ssyncadd.s32 $0xFFFFF830  }
0xae: {  	_ =	swait.ge @!p0 [sflag:s17], $0x7D0  }
0xaf: {  	[sflag:s17] =	ssyncset.done @!p0 $0x0  }
0xb0: {  	[sflag:s17] =	ssyncadd.s32 @!p0 $0xFFFFF830;
	s17 =	simm.s32 $0x18F20  }
0xb1: {  	s31 =	simm.s32 $0x19F20;
	v2 =	vld [tilespmem:s17+$0x10]  }
0xb2: {  	v3 =	vld [tilespmem:s31+$0x10]  }
0xb3: {  	v4 =	vld [tilespmem:s31+$0xFFFFFFE0]  }
0xb4: {  	v5 =	vld [tilespmem:s17+$0xFFFFFFF0]  }
0xb5: {  	v6 =	vld [tilespmem:s31+$0xFFFFFFF0]  }
0xb6: {  	v7 =	vld [tilespmem:s17+$0x0]  }
0xb7: {  	v8 =	vld [tilespmem:s31+$0x0]  }
0xb8: {  	s26 =	simm.s32 $0x1AF20;
	v9 =	vld [tilespmem:s17+$0xFFFFFFE0]  }
0xb9: {  	v10 =	vld [tilespmem:s26+$0x10]  }
0xba: {  	v12 =	vld [tilespmem:s26+$0xFFFFFFE0]  }
0xbb: {  	v14 =	vld [tilespmem:s26+$0xFFFFFFF0]  }
0xbc: {  	v2 =	vld.idx.msk [tilespmem:v2+s3+$0x0], $0xffff  }
0xbd: {  	v3 =	vld.idx.msk [tilespmem:v3+s3+$0x0], $0xffff  }
0xbe: {  	v4 =	vld.idx.msk [tilespmem:v4+s3+$0x0], $0xffff  }
0xbf: {  	v6 =	vld.idx.msk [tilespmem:v6+s3+$0x0], $0xffff  }
0xc0: {  	v7 =	vld.idx.msk [tilespmem:v7+s3+$0x0], $0xffff  }
0xc1: {  	s31 =	simm.s32 $0x18F60;
	v9 =	vld.idx.msk [tilespmem:v9+s3+$0x0], $0xffff  }
0xc2: {  	v56 =	vld [tilespmem:s31+$0x10];
	v11 =	vshll.u32 v2, $0x10;
	v13 =	vshll.u32 v3, $0x10  }
0xc3: {  	v5 =	vld.idx.msk [tilespmem:v5+s3+$0x0], $0xffff;
	v2 =	vand.u32 $0xFFFF0000, v2;
	v3 =	vand.u32 $0xFFFF0000, v3;
	v15 =	vshll.u32 v4, $0x10  }
0xc4: {  	v20 =	vld [tilespmem:s31+$0xFFFFFFF0];
	v4 =	vand.u32 $0xFFFF0000, v4;
	v57 =	vshll.u32 v6, $0x10;
	v6 =	vand.u32 $0xFFFF0000, v6  }
0xc5: {  	v8 =	vld.idx.msk [tilespmem:v8+s3+$0x0], $0xffff;
	v58 =	vshll.u32 v7, $0x10;
	v11 =	vsub.f32 v11, v13;
	v2 =	vsub.f32 v2, v3  }
0xc6: {  	v19 =	vshll.u32 v9, $0x10;
	v9 =	vand.u32 $0xFFFF0000, v9;
	v7 =	vand.u32 $0xFFFF0000, v7;
	v3 =	vld [tilespmem:s26+$0x0];
	s26 =	simm.s32 $0x19F60  }
0xc7: {  	v15 =	vsub.f32 v19, v15;
	v11 =	vmul.f32 v11, v10;
	v2 =	vmul.f32 v2, v10;
	v10 =	vld [tilespmem:s26+$0x10]  }
0xc8: {  	v13 =	vshll.u32 v5, $0x10;
	v5 =	vand.u32 $0xFFFF0000, v5;
	v4 =	vsub.f32 v9, v4;
	v18 =	vld [tilespmem:s26+$0xFFFFFFE0]  }
0xc9: {  	v13 =	vsub.f32 v13, v57;
	v21 =	vld [tilespmem:s26+$0xFFFFFFF0];
	v5 =	vsub.f32 v5, v6;
	v6 =	vmul.f32 v15, v12  }
0xca: {  	v59 =	vld [tilespmem:s31+$0x0];
	v4 =	vmul.f32 v4, v12;
	v11 =	vadd.s32 $0x8000, v11;
	v2 =	vadd.s32 $0x8000, v2  }
0xcb: {  	v15 =	vld [tilespmem:s31+$0xFFFFFFE0];
	v13 =	vmul.f32 v13, v14;
	v11 =	vshrl.u32 v11, $0x10;
	v2 =	vand.u32 $0xFFFF0000, v2  }
0xcc: {  	v9 =	vld [tilespmem:s26+$0x0];
	v11 =	vor.u32 v2, v11;
	v2 =	vshll.u32 v8, $0x10;
	v8 =	vand.u32 $0xFFFF0000, v8  }
0xcd: {  	v5 =	vmul.f32 v5, v14;
	v14 =	vld.idx.msk [tilespmem:v20+s3+$0x0], $0xffff;
	v2 =	vsub.f32 v58, v2;
	v7 =	vsub.f32 v7, v8  }
0xce: {  	v6 =	vadd.s32 $0x8000, v6;
	v4 =	vadd.s32 $0x8000, v4;
	v12 =	vadd.s32 $0x8000, v13;
	v8 =	vld.idx.msk [tilespmem:v56+s3+$0x0], $0xffff  }
0xcf: {  	v5 =	vadd.s32 $0x8000, v5;
	v2 =	vmul.f32 v2, v3;
	v3 =	vmul.f32 v7, v3;
	v10 =	vld.idx.msk [tilespmem:v10+s3+$0x0], $0xffff  }
0xd0: {  	v6 =	vshrl.u32 v6, $0x10;
	v4 =	vand.u32 $0xFFFF0000, v4;
	v5 =	vand.u32 $0xFFFF0000, v5;
	v13 =	vld.idx.msk [tilespmem:v18+s3+$0x0], $0xffff  }
0xd1: {  	s29 =	simm.s32 $0x1AF60;
	v7 =	vshrl.u32 v12, $0x10;
	v12 =	vld.idx.msk [tilespmem:v21+s3+$0x0], $0xffff;
	v2 =	vadd.s32 $0x8000, v2;
	v3 =	vadd.s32 $0x8000, v3  }
0xd2: {  	v60 =	vld [tilespmem:s29+$0x10];
	v4 =	vor.u32 v4, v6;
	v2 =	vshrl.u32 v2, $0x10;
	v3 =	vand.u32 $0xFFFF0000, v3  }
0xd3: {  	s28 =	simm.s32 $0x1BF20;
	v6 =	vor.u32 v5, v7;
	v7 =	vld.idx.msk [tilespmem:v15+s3+$0x0], $0xffff;
	v62 =	vand.u32 $0xFFFF0000, v8;
	v61 =	vor.u32 v3, v2  }
0xd4: {  	[tilespmem:s28+$0x10] =	vst v11;
	v2 =	vld.idx.msk [tilespmem:v59+s3+$0x0], $0xffff;
	v3 =	vshll.u32 v8, $0x10;
	v15 =	vshll.u32 v10, $0x10;
	v10 =	vand.u32 $0xFFFF0000, v10  }
0xd5: {  	[tilespmem:s28+$0xFFFFFFE0] =	vst v4;
	v4 =	vld [tilespmem:s29+$0xFFFFFFF0];
	v63 =	vshll.u32 v14, $0x10;
	v11 =	vsub.f32 v3, v15;
	v15 =	vsub.f32 v62, v10  }
0xd6: {  	v5 =	vld.idx.msk [tilespmem:v9+s3+$0x0], $0xffff;
	[tilespmem:s28+$0xFFFFFFF0] =	vst v6;
	v8 =	vshll.u32 v13, $0x10;
	v9 =	vand.u32 $0xFFFF0000, v13;
	v6 =	vshll.u32 v12, $0x10  }
0xd7: {  	v3 =	vld [tilespmem:s29+$0xFFFFFFE0];
	v10 =	vand.u32 $0xFFFF0000, v14;
	v13 =	vmul.f32 v11, v60;
	v14 =	vmul.f32 v15, v60  }
0xd8: {  	s30 =	simm.s32 $0x4;
	s17 =	simm.s32 $0x18FA0;
	[tilespmem:s28+$0x0] =	vst v61;
	v11 =	vand.u32 $0xFFFF0000, v12;
	v12 =	vsub.f32 v63, v6;
	v6 =	vld [tilespmem:s29+$0x0]  }
.LBB2_5:
0xd9: {  	v15 =	vld [tilespmem:s17+$0x10];
	v16 =	vshll.u32 v2, $0x10;
	v13 =	vadd.s32 $0x8000, v13;
	v14 =	vadd.s32 $0x8000, v14;
	s26 =	sadd.s32 $0x40, s26  }
0xda: {  	s30 =	sadd.s32 $0x4, s30;
	v18 =	vshll.u32 v7, $0x10;
	v17 =	vld [tilespmem:s26+$0x10];
	v13 =	vshrl.u32 v13, $0x10;
	v14 =	vand.u32 $0xFFFF0000, v14  }
0xdb: {  	v7 =	vand.u32 $0xFFFF0000, v7;
	s28 =	sadd.s32 $0x40, s28;
	p0 =	slt.u32 s30, $0x78;
	v20 =	vshll.u32 v5, $0x10;
	v19 =	vld [tilespmem:s26+$0xFFFFFFE0];
	v13 =	vor.u32 v14, v13  }
0xdc: {  	v2 =	vand.u32 $0xFFFF0000, v2;
	v8 =	vsub.f32 v18, v8;
	v5 =	vand.u32 $0xFFFF0000, v5;
	v14 =	vld [tilespmem:s17+$0xFFFFFFF0];
	[tilespmem:s28+$0x10] =	vst v13  }
0xdd: {  	v10 =	vsub.f32 v10, v11;
	v7 =	vsub.f32 v7, v9;
	v9 =	vmul.f32 v12, v4;
	v13 =	vld [tilespmem:s26+$0xFFFFFFF0]  }
0xde: {  	v2 =	vsub.f32 v2, v5;
	v8 =	vmul.f32 v8, v3;
	v12 =	vsub.f32 v16, v20;
	v11 =	vld [tilespmem:s17+$0x0]  }
0xdf: {  	v3 =	vmul.f32 v7, v3;
	v4 =	vmul.f32 v10, v4;
	v7 =	vadd.s32 $0x8000, v9;
	v5 =	vld [tilespmem:s26+$0x0]  }
0xe0: {  	v2 =	vmul.f32 v2, v6;
	v8 =	vadd.s32 $0x8000, v8;
	v10 =	vmul.f32 v12, v6;
	v9 =	vld [tilespmem:s17+$0xFFFFFFE0]  }
0xe1: {  	v3 =	vadd.s32 $0x8000, v3;
	v4 =	vadd.s32 $0x8000, v4;
	v8 =	vshrl.u32 v8, $0x10;
	v6 =	vld.idx.msk [tilespmem:v15+s3+$0x0], $0xffff  }
0xe2: {  	v3 =	vand.u32 $0xFFFF0000, v3;
	v2 =	vadd.s32 $0x8000, v2;
	v10 =	vadd.s32 $0x8000, v10;
	v12 =	vld.idx.msk [tilespmem:v17+s3+$0x0], $0xffff  }
0xe3: {  	v7 =	vshrl.u32 v7, $0x10;
	v4 =	vand.u32 $0xFFFF0000, v4;
	v10 =	vshrl.u32 v10, $0x10;
	v15 =	vld.idx.msk [tilespmem:v19+s3+$0x0], $0xffff  }
0xe4: {  	v3 =	vor.u32 v3, v8;
	v4 =	vor.u32 v4, v7;
	v2 =	vand.u32 $0xFFFF0000, v2;
	v14 =	vld.idx.msk [tilespmem:v14+s3+$0x0], $0xffff  }
0xe5: {  	s29 =	sadd.s32 $0x40, s29;
	v16 =	vld.idx.msk [tilespmem:v13+s3+$0x0], $0xffff;
	[tilespmem:s28+$0xFFFFFFE0] =	vst v3;
	v3 =	vor.u32 v2, v10  }
0xe6: {  	v17 =	vld [tilespmem:s29+$0x10];
	[tilespmem:s28+$0xFFFFFFF0] =	vst v4  }
0xe7: {  	v4 =	vshll.u32 v6, $0x10;
	v2 =	vld.idx.msk [tilespmem:v11+s3+$0x0], $0xffff;
	[tilespmem:s28+$0x0] =	vst v3  }
.Ltmp1:
0xe8: {  	v6 =	vand.u32 $0xFFFF0000, v6;
	v3 =	vshll.u32 v12, $0x10;
	v7 =	vld.idx.msk [tilespmem:v9+s3+$0x0], $0xffff;
	v9 =	vand.u32 $0xFFFF0000, v12;
	(pc) =	sbr.rel @p0 .LBB2_5-.Ltmp1, $4  }
0xe9: {  	v8 =	vshll.u32 v15, $0x10;
	v11 =	vsub.f32 v4, v3;
	v5 =	vld.idx.msk [tilespmem:v5+s3+$0x0], $0xffff;
	v6 =	vsub.f32 v6, v9  }
0xea: {  	v9 =	vand.u32 $0xFFFF0000, v15;
	v12 =	vshll.u32 v14, $0x10;
	v10 =	vand.u32 $0xFFFF0000, v14;
	v3 =	vld [tilespmem:s29+$0xFFFFFFE0]  }
0xeb: {  	v15 =	vshll.u32 v16, $0x10;
	v4 =	vld [tilespmem:s29+$0xFFFFFFF0];
	v13 =	vmul.f32 v11, v17;
	v14 =	vmul.f32 v6, v17  }
0xec: {  	s17 =	sadd.s32 $0x40, s17;
	v11 =	vand.u32 $0xFFFF0000, v16;
	v12 =	vsub.f32 v12, v15;
	v6 =	vld [tilespmem:s29+$0x0]  }
0xed: {  	v15 =	vshll.u32 v2, $0x10;
	v13 =	vadd.s32 $0x8000, v13;
	v14 =	vadd.s32 $0x8000, v14  }
0xee: {  	v16 =	vshll.u32 v7, $0x10;
	v51 =	vand.u32 $0xFFFF0000, v7;
	v2 =	vand.u32 $0xFFFF0000, v2  }
0xef: {  	v10 =	vsub.f32 v10, v11;
	v13 =	vshrl.u32 v13, $0x10;
	v14 =	vand.u32 $0xFFFF0000, v14  }
0xf0: {  	v17 =	vshll.u32 v5, $0x10;
	v8 =	vsub.f32 v16, v8;
	v7 =	vsub.f32 v51, v9  }
0xf1: {  	v52 =	vand.u32 $0xFFFF0000, v5;
	v54 =	vsub.f32 v15, v17;
	v53 =	vmul.f32 v12, v4  }
0xf2: {  	v2 =	vsub.f32 v2, v52;
	v8 =	vmul.f32 v8, v3;
	v3 =	vmul.f32 v7, v3  }
0xf3: {  	v13 =	vor.u32 v14, v13;
	v55 =	vmul.f32 v10, v4;
	v58 =	vmul.f32 v54, v6  }
0xf4: {  	v2 =	vmul.f32 v2, v6;
	v56 =	vadd.s32 $0x8000, v53;
	v57 =	vadd.s32 $0x8000, v8  }
0xf5: {  	v3 =	vadd.s32 $0x8000, v3;
	v4 =	vadd.s32 $0x8000, v55;
	v59 =	vshrl.u32 v57, $0x10  }
0xf6: {  	s17 =	sadd.s32 $0x40, s28;
	v3 =	vand.u32 $0xFFFF0000, v3;
	v60 =	vadd.s32 $0x8000, v58;
	v2 =	vadd.s32 $0x8000, v2  }
0xf7: {  	[tilespmem:s17+$0x10] =	vst v13;
	v5 =	vshrl.u32 v56, $0x10;
	v4 =	vand.u32 $0xFFFF0000, v4;
	v3 =	vor.u32 v3, v59  }
0xf8: {  	v61 =	vshrl.u32 v60, $0x10;
	v4 =	vor.u32 v4, v5;
	v2 =	vand.u32 $0xFFFF0000, v2;
	[tilespmem:s17+$0xFFFFFFE0] =	vst v3  }
0xf9: {  	v2 =	vor.u32 v2, v61;
	[tilespmem:s17+$0xFFFFFFF0] =	vst v4  }
0xfa: {  	[tilespmem:s17+$0x0] =	vst v2  }
0xfb: {  	v2 =	vld [tilespmem:$0x196C0]  }
0xfc: {  	v3 =	vld [tilespmem:$0x1A6C0];
	_ =	sdelay $0x6  }
0xfd: {  	v2 =	vld.idx.msk [tilespmem:v2+s3+$0x0], $0xffff  }
0xfe: {  	v3 =	vld.idx.msk [tilespmem:v3+s3+$0x0], $0xffff;
	_ =	sdelay $0x2  }
0xff: {  	v4 =	vld [tilespmem:$0x1B6C0]  }
0x100: {  	v62 =	vshll.u32 v2, $0x10  }
0x101: {  	v63 =	vshll.u32 v3, $0x10;
	v2 =	vand.u32 $0xFFFF0000, v2;
	v3 =	vand.u32 $0xFFFF0000, v3  }
0x102: {  	v5 =	vsub.f32 v62, v63;
	v2 =	vsub.f32 v2, v3;
	_ =	sdelay $0x1  }
0x103: {  	s24 =	sadd.s32 $0x1, s24;
	v3 =	vmul.f32 v5, v4;
	v2 =	vmul.f32 v2, v4  }
0x104: {  	p0 =	sne.s32 s24, $0x32  }
.Ltmp2:
0x105: {  	v3 =	vadd.s32 $0x8000, v3;
	v2 =	vadd.s32 $0x8000, v2;
	(pc) =	sbr.rel @p0 .LBB2_2-.Ltmp2, $4  }
0x106: {  	s31 =	sadd.s32 s13, s25;
	v3 =	vshrl.u32 v3, $0x10;
	v2 =	vand.u32 $0xFFFF0000, v2  }
0x107: {  	s17 =	sshrl.u32 s31, $0x3;
	v2 =	vor.u32 v2, v3  }
0x108: {  	s17 =	sadd.s32 s6, s17;
	[tilespmem:$0x1C6C0] =	vst v2  }
0x109: {  	[hbm4b:s17+s3] =	stream.linear.scatter [tilespmem:s16], [sflag:$0x4], $0x7D0, $0x200038;
	[tilespmem:$0x1C700] =	vst v63  }
0x10a: {  	_ =	swait.ge [sflag:s18], $0x7D0  }
0x10b: {  	[sflag:s18] =	ssyncset.done $0x0  }
0x10c: {  	[sflag:s18] =	ssyncadd.s32 $0xFFFFF830  }
0x10d: {  	_ =	swait.ge [sflag:s19], $0x7D0  }
0x10e: {  	[sflag:s19] =	ssyncset.done $0x0  }
0x10f: {  	[sflag:s19] =	ssyncadd.s32 $0xFFFFF830  }
0x110: {  	[bflag:$0x0] =	sbarrier.arrive $0xFFFF  }
0x111: {  	_ =	strace $0x90000048  }
0x112: {  	_ =	strace $0x80000049  }
0x113: {  	s30 =	simm.s32 $0x18700;
	s17 =	rddreg [dreg:$0xa]  }
0x114: {  	[tilespmem:s30], [sflag:$0x1] =	stream.linear.gather [hbm4b:s17+s3], $0x7D0, $0x200038;
	[tilespmem:$0x1C700] =	vst v63  }
0x115: {  	s31 =	simm.s32 $0x19700;
	s28 =	rddreg [dreg:$0xb]  }
0x116: {  	[tilespmem:s31], [sflag:$0x1] =	stream.linear.gather [hbm4b:s28+s3], $0x7D0, $0x200038;
	[tilespmem:$0x1C700] =	vst v63  }
0x117: {  	s24 =	simm.s32 $0x1A700;
	s29 =	rddreg [dreg:$0xc];
	s17 =	simm.s32 $0x40  }
0x118: {  	[tilespmem:s24], [sflag:$0x1] =	stream.linear.gather [hbm4b:s29+s3], $0x7D0, $0x200038;
	[tilespmem:$0x1C700] =	vst v63  }
0x119: {  	[tilespmem:s17+$0xFFFFFFC0] =	vst v1  }
0x11a: {  	[tilespmem:s17+$0x30] =	vst v1  }
0x11b: {  	[tilespmem:s17+$0x20] =	vst v1  }
0x11c: {  	[tilespmem:s17+$0x10] =	vst v1  }
0x11d: {  	[tilespmem:s17+$0x0] =	vst v1  }
0x11e: {  	[tilespmem:s17+$0xFFFFFFF0] =	vst v1  }
0x11f: {  	s24 =	simm.s32 $0x0;
	[tilespmem:s17+$0xFFFFFFE0] =	vst v1  }
.LBB2_8:
0x120: {  	s24 =	sadd.s32 $0x8, s24;
	[tilespmem:s17+$0xFFFFFFD0] =	vst v1;
	s17 =	sadd.s32 $0x80, s17  }
0x121: {  	[tilespmem:s17+$0xFFFFFFC0] =	vst v1;
	p0 =	slt.u32 s24, $0x1860  }
0x122: {  	[tilespmem:s17+$0x30] =	vst v1  }
.Ltmp3:
0x123: {  	[tilespmem:s17+$0x20] =	vst v1;
	(pc) =	sbr.rel @p0 .LBB2_8-.Ltmp3, $4  }
0x124: {  	[tilespmem:s17+$0x10] =	vst v1  }
0x125: {  	[tilespmem:s17+$0x0] =	vst v1  }
0x126: {  	[tilespmem:s17+$0xFFFFFFF0] =	vst v1  }
0x127: {  	[tilespmem:s17+$0xFFFFFFE0] =	vst v1  }
0x128: {  	[tilespmem:s17+$0xFFFFFFD0] =	vst v1;
	s24 =	simm.s32 $0x0;
	s17 =	simm.s32 $0x0  }
.LBB2_10:
0x129: {  	p0 =	sne.s32 s17, $0x40  }
.Ltmp4:
0x12a: {  	_ = 	snop;
	(pc) =	sbr.rel @p0 .LBB2_10-.Ltmp4, $3  }
0x12b: {  	_ =	sdelay $0x1  }
0x12c: {  	s25 =	sshra.s32 s17, $0x2  }
0x12d: {  	s17 =	sadd.s32 $0x40, s17;
	[tilespmem:s25+$0x18680] =	vst v1  }
.LBB2_11:
0x12e: {  	s25 =	smul.u32 $0xFA0, s24;
	_ =	sdelay $0x1  }
0x12f: {  	s17 =	sadd.s32 $0x7D0, s25  }
0x130: {  	s26 =	sadd.s32 s8, s17  }
0x131: {  	s26 =	sshrl.u32 s26, $0x3  }
0x132: {  	s17 =	sadd.s32 s15, s17;
	s28 =	sadd.s32 s4, s26  }
0x133: {  	[tilespmem:s11], [sflag:$0x2] =	stream.linear.gather [hbm4b:s28+s3], $0x7D0, $0x200038;
	[tilespmem:$0x1C700] =	vst v63  }
0x134: {  	s17 =	sshrl.u32 s17, $0x3;
	s26 =	sadd.s32 s5, s26  }
0x135: {  	[tilespmem:s0], [sflag:$0x2] =	stream.linear.gather [hbm4b:s26+s3], $0x7D0, $0x200038;
	[tilespmem:$0x1C700] =	vst v63  }
0x136: {  	s17 =	sadd.s32 s6, s17  }
0x137: {  	[tilespmem:s12], [sflag:$0x2] =	stream.linear.gather [hbm4b:s17+s3], $0x7D0, $0x200038;
	[tilespmem:$0x1C700] =	vst v63  }
0x138: {  	_ =	swait.ge [sflag:s1], $0x7D0  }
0x139: {  	[sflag:s1] =	ssyncset.done $0x0  }
0x13a: {  	[sflag:s1] =	ssyncadd.s32 $0xFFFFF830  }
0x13b: {  	_ =	swait.ge [sflag:s1], $0x7D0  }
0x13c: {  	[sflag:s1] =	ssyncset.done $0x0  }
0x13d: {  	[sflag:s1] =	ssyncadd.s32 $0xFFFFF830  }
0x13e: {  	_ =	swait.ge [sflag:s1], $0x7D0  }
0x13f: {  	[sflag:s1] =	ssyncset.done $0x0  }
0x140: {  	s17 =	simm.s32 $0x19720;
	[sflag:s1] =	ssyncadd.s32 $0xFFFFF830  }
0x141: {  	v4 =	vld [tilespmem:s17+$0x0]  }
0x142: {  	s26 =	simm.s32 $0x1A720;
	v5 =	vld [tilespmem:s17+$0x10]  }
0x143: {  	s28 =	simm.s32 $0x18720;
	v2 =	vld [tilespmem:s26+$0x10]  }
0x144: {  	v3 =	vld [tilespmem:s28+$0x10]  }
0x145: {  	v6 =	vld [tilespmem:s26+$0x0]  }
0x146: {  	v8 =	vld [tilespmem:s28+$0x0]  }
0x147: {  	v10 =	vld [tilespmem:s28+$0xFFFFFFF0]  }
0x148: {  	v9 =	vld [tilespmem:s26+$0xFFFFFFF0]  }
0x149: {  	v7 =	vld [tilespmem:s17+$0xFFFFFFF0]  }
0x14a: {  	v12 =	vld [tilespmem:s26+$0xFFFFFFE0];
	v11 =	vshra.s32 v2, v0  }
0x14b: {  	v2 =	vld [tilespmem:s28+$0xFFFFFFE0];
	v11 =	vshll.u32 v11, $0x10  }
0x14c: {  	v6 =	vshra.s32 v6, v0;
	[tilespmem:v3+s3+$0x0] =	vst.idx.add.f32.msk $0xffff, v11  }
0x14d: {  	v9 =	vshra.s32 v9, v0;
	v6 =	vshll.u32 v6, $0x10;
	v3 =	vld [tilespmem:s17+$0xFFFFFFE0]  }
0x14e: {  	v9 =	vshll.u32 v9, $0x10;
	v11 =	vsub.f32 $0.0e+00, v11;
	[tilespmem:v8+s3+$0x0] =	vst.idx.add.f32.msk $0xffff, v6  }
0x14f: {  	v13 =	vsub.f32 $0.0e+00, v6;
	[tilespmem:v10+s3+$0x0] =	vst.idx.add.f32.msk $0xffff, v9  }
0x150: {  	v6 =	vsub.f32 $0.0e+00, v9;
	[tilespmem:v5+s3+$0x0] =	vst.idx.add.f32.msk $0xffff, v11;
	v5 =	vshra.s32 v12, v0  }
0x151: {  	[tilespmem:v4+s3+$0x0] =	vst.idx.add.f32.msk $0xffff, v13;
	v5 =	vshll.u32 v5, $0x10  }
0x152: {  	s29 =	simm.s32 $0x18760;
	s28 =	simm.s32 $0x0;
	[tilespmem:v7+s3+$0x0] =	vst.idx.add.f32.msk $0xffff, v6;
	v4 =	vsub.f32 $0.0e+00, v5  }
.LBB2_12:
0x153: {  	s28 =	sadd.s32 $0x4, s28;
	[tilespmem:v2+s3+$0x0] =	vst.idx.add.f32.msk $0xffff, v5;
	s26 =	sadd.s32 $0x40, s26;
	s17 =	sadd.s32 $0x40, s17  }
0x154: {  	v6 =	vld [tilespmem:s17+$0x0];
	p0 =	slt.u32 s28, $0x78  }
0x155: {  	[tilespmem:v3+s3+$0x0] =	vst.idx.add.f32.msk $0xffff, v4  }
0x156: {  	v4 =	vld [tilespmem:s17+$0x10]  }
0x157: {  	v2 =	vld [tilespmem:s26+$0x10]  }
0x158: {  	v3 =	vld [tilespmem:s29+$0x10]  }
0x159: {  	v5 =	vld [tilespmem:s26+$0x0]  }
0x15a: {  	v7 =	vld [tilespmem:s17+$0xFFFFFFF0]  }
0x15b: {  	v8 =	vld [tilespmem:s29+$0x0]  }
0x15c: {  	v9 =	vld [tilespmem:s26+$0xFFFFFFF0];
	v10 =	vshra.s32 v2, v0  }
0x15d: {  	v11 =	vld [tilespmem:s29+$0xFFFFFFF0]  }
0x15e: {  	v12 =	vld [tilespmem:s26+$0xFFFFFFE0];
	v5 =	vshra.s32 v5, v0  }
0x15f: {  	v10 =	vshll.u32 v10, $0x10;
	v2 =	vld [tilespmem:s29+$0xFFFFFFE0]  }
0x160: {  	[tilespmem:v3+s3+$0x0] =	vst.idx.add.f32.msk $0xffff, v10;
	v10 =	vsub.f32 $0.0e+00, v10  }
0x161: {  	v5 =	vshll.u32 v5, $0x10;
	v3 =	vld [tilespmem:s17+$0xFFFFFFE0];
	v9 =	vshra.s32 v9, v0  }
.Ltmp5:
0x162: {  	v13 =	vsub.f32 $0.0e+00, v5;
	[tilespmem:v4+s3+$0x0] =	vst.idx.add.f32.msk $0xffff, v10;
	(pc) =	sbr.rel @p0 .LBB2_12-.Ltmp5, $4  }
0x163: {  	v9 =	vshll.u32 v9, $0x10;
	v4 =	vshra.s32 v12, v0;
	[tilespmem:v8+s3+$0x0] =	vst.idx.add.f32.msk $0xffff, v5  }
0x164: {  	v8 =	vsub.f32 $0.0e+00, v9;
	v5 =	vshll.u32 v4, $0x10;
	[tilespmem:v6+s3+$0x0] =	vst.idx.add.f32.msk $0xffff, v13  }
0x165: {  	v4 =	vsub.f32 $0.0e+00, v5;
	[tilespmem:v11+s3+$0x0] =	vst.idx.add.f32.msk $0xffff, v9  }
0x166: {  	s29 =	sadd.s32 $0x40, s29;
	[tilespmem:v7+s3+$0x0] =	vst.idx.add.f32.msk $0xffff, v8  }
0x167: {  	_ =	sdelay $0x3  }
0x168: {  	[tilespmem:v2+s3+$0x0] =	vst.idx.add.f32.msk $0xffff, v5  }
0x169: {  	[tilespmem:v3+s3+$0x0] =	vst.idx.add.f32.msk $0xffff, v4  }
0x16a: {  	v2 =	vld [tilespmem:$0x18EC0]  }
0x16b: {  	v3 =	vld [tilespmem:$0x1AEC0]  }
0x16c: {  	v4 =	vld [tilespmem:$0x19EC0];
	_ =	sdelay $0x3  }
0x16d: {  	p0 =	seq.s32 s24, $0x63;
	v3 =	vshra.s32 v3, v0  }
0x16e: {  	s17 =	sadd.s32 @!p0 $0xFA0, s25;
	v3 =	vshll.u32 v3, $0x10  }
0x16f: {  	s25 =	sadd.s32 @!p0 s8, s17;
	v5 =	vsub.f32 $0.0e+00, v3  }
0x170: {  	s28 =	simm.s32 @!p0 $0x0;
	s25 =	sshrl.u32 @!p0 s25, $0x3;
	[tilespmem:v2+s3+$0x0] =	vst.idx.add.f32.msk $0xffff, v3  }
0x171: {  	s29 =	simm.s32 @!p0 $0x18700;
	s17 =	sadd.s32 @!p0 s15, s17;
	s26 =	sadd.s32 @!p0 s4, s25;
	[tilespmem:v4+s3+$0x0] =	vst.idx.add.f32.msk $0xffff, v5  }
0x172: {  	[tilespmem:s29], [sflag:$0x1] =	stream.linear.gather @!p0 [hbm4b:s26+s28], $0x7D0, $0x200038;
	[tilespmem:$0x1C700] =	vst v63  }
0x173: {  	s17 =	sshrl.u32 @!p0 s17, $0x3;
	s25 =	sadd.s32 @!p0 s5, s25;
	s26 =	simm.s32 @!p0 $0x19700  }
0x174: {  	[tilespmem:s26], [sflag:$0x1] =	stream.linear.gather @!p0 [hbm4b:s25+s28], $0x7D0, $0x200038;
	[tilespmem:$0x1C700] =	vst v63  }
0x175: {  	s17 =	sadd.s32 @!p0 s6, s17;
	s25 =	simm.s32 @!p0 $0x1A700  }
0x176: {  	[tilespmem:s25], [sflag:$0x1] =	stream.linear.gather @!p0 [hbm4b:s17+s28], $0x7D0, $0x200038;
	[tilespmem:$0x1C700] =	vst v63  }
0x177: {  	_ =	swait.ge [sflag:s10], $0x7D0  }
0x178: {  	[sflag:s10] =	ssyncset.done $0x0  }
0x179: {  	[sflag:s10] =	ssyncadd.s32 $0xFFFFF830  }
0x17a: {  	_ =	swait.ge [sflag:s10], $0x7D0  }
0x17b: {  	[sflag:s10] =	ssyncset.done $0x0  }
0x17c: {  	[sflag:s10] =	ssyncadd.s32 $0xFFFFF830  }
0x17d: {  	_ =	swait.ge [sflag:s10], $0x7D0  }
0x17e: {  	[sflag:s10] =	ssyncset.done $0x0  }
0x17f: {  	s17 =	simm.s32 $0x19F20;
	[sflag:s10] =	ssyncadd.s32 $0xFFFFF830  }
0x180: {  	v4 =	vld [tilespmem:s17+$0x0]  }
0x181: {  	s25 =	simm.s32 $0x1AF20;
	v5 =	vld [tilespmem:s17+$0x10]  }
0x182: {  	s29 =	simm.s32 $0x18F20;
	v2 =	vld [tilespmem:s25+$0x10]  }
0x183: {  	v3 =	vld [tilespmem:s29+$0x10]  }
0x184: {  	v6 =	vld [tilespmem:s25+$0x0]  }
0x185: {  	v8 =	vld [tilespmem:s29+$0x0]  }
0x186: {  	v10 =	vld [tilespmem:s29+$0xFFFFFFF0]  }
0x187: {  	v9 =	vld [tilespmem:s25+$0xFFFFFFF0]  }
0x188: {  	v7 =	vld [tilespmem:s17+$0xFFFFFFF0]  }
0x189: {  	v12 =	vld [tilespmem:s25+$0xFFFFFFE0];
	v11 =	vshra.s32 v2, v0  }
0x18a: {  	v2 =	vld [tilespmem:s29+$0xFFFFFFE0];
	v11 =	vshll.u32 v11, $0x10  }
0x18b: {  	v6 =	vshra.s32 v6, v0;
	[tilespmem:v3+s3+$0x0] =	vst.idx.add.f32.msk $0xffff, v11  }
0x18c: {  	v9 =	vshra.s32 v9, v0;
	v6 =	vshll.u32 v6, $0x10;
	v3 =	vld [tilespmem:s17+$0xFFFFFFE0]  }
0x18d: {  	v9 =	vshll.u32 v9, $0x10;
	v11 =	vsub.f32 $0.0e+00, v11;
	[tilespmem:v8+s3+$0x0] =	vst.idx.add.f32.msk $0xffff, v6  }
0x18e: {  	v13 =	vsub.f32 $0.0e+00, v6;
	[tilespmem:v10+s3+$0x0] =	vst.idx.add.f32.msk $0xffff, v9  }
0x18f: {  	v6 =	vsub.f32 $0.0e+00, v9;
	[tilespmem:v5+s3+$0x0] =	vst.idx.add.f32.msk $0xffff, v11;
	v5 =	vshra.s32 v12, v0  }
0x190: {  	[tilespmem:v4+s3+$0x0] =	vst.idx.add.f32.msk $0xffff, v13;
	v5 =	vshll.u32 v5, $0x10  }
0x191: {  	s26 =	simm.s32 $0x0;
	s28 =	simm.s32 $0x18F60;
	[tilespmem:v7+s3+$0x0] =	vst.idx.add.f32.msk $0xffff, v6;
	v4 =	vsub.f32 $0.0e+00, v5  }
.LBB2_14:
0x192: {  	s26 =	sadd.s32 $0x4, s26;
	[tilespmem:v2+s3+$0x0] =	vst.idx.add.f32.msk $0xffff, v5;
	s25 =	sadd.s32 $0x40, s25;
	s17 =	sadd.s32 $0x40, s17  }
0x193: {  	v6 =	vld [tilespmem:s17+$0x0];
	p0 =	slt.u32 s26, $0x78  }
0x194: {  	[tilespmem:v3+s3+$0x0] =	vst.idx.add.f32.msk $0xffff, v4  }
0x195: {  	v4 =	vld [tilespmem:s17+$0x10]  }
0x196: {  	v2 =	vld [tilespmem:s25+$0x10]  }
0x197: {  	v3 =	vld [tilespmem:s28+$0x10]  }
0x198: {  	v5 =	vld [tilespmem:s25+$0x0]  }
0x199: {  	v7 =	vld [tilespmem:s17+$0xFFFFFFF0]  }
0x19a: {  	v8 =	vld [tilespmem:s28+$0x0]  }
0x19b: {  	v9 =	vld [tilespmem:s25+$0xFFFFFFF0];
	v10 =	vshra.s32 v2, v0  }
0x19c: {  	v11 =	vld [tilespmem:s28+$0xFFFFFFF0]  }
0x19d: {  	v12 =	vld [tilespmem:s25+$0xFFFFFFE0];
	v5 =	vshra.s32 v5, v0  }
0x19e: {  	v10 =	vshll.u32 v10, $0x10;
	v2 =	vld [tilespmem:s28+$0xFFFFFFE0]  }
0x19f: {  	[tilespmem:v3+s3+$0x0] =	vst.idx.add.f32.msk $0xffff, v10;
	v10 =	vsub.f32 $0.0e+00, v10  }
0x1a0: {  	v5 =	vshll.u32 v5, $0x10;
	v3 =	vld [tilespmem:s17+$0xFFFFFFE0];
	v9 =	vshra.s32 v9, v0  }
.Ltmp6:
0x1a1: {  	v13 =	vsub.f32 $0.0e+00, v5;
	[tilespmem:v4+s3+$0x0] =	vst.idx.add.f32.msk $0xffff, v10;
	(pc) =	sbr.rel @p0 .LBB2_14-.Ltmp6, $4  }
0x1a2: {  	v9 =	vshll.u32 v9, $0x10;
	v4 =	vshra.s32 v12, v0;
	[tilespmem:v8+s3+$0x0] =	vst.idx.add.f32.msk $0xffff, v5  }
0x1a3: {  	v8 =	vsub.f32 $0.0e+00, v9;
	v5 =	vshll.u32 v4, $0x10;
	[tilespmem:v6+s3+$0x0] =	vst.idx.add.f32.msk $0xffff, v13  }
0x1a4: {  	v4 =	vsub.f32 $0.0e+00, v5;
	[tilespmem:v11+s3+$0x0] =	vst.idx.add.f32.msk $0xffff, v9  }
0x1a5: {  	s28 =	sadd.s32 $0x40, s28;
	[tilespmem:v7+s3+$0x0] =	vst.idx.add.f32.msk $0xffff, v8  }
0x1a6: {  	_ =	sdelay $0x3  }
0x1a7: {  	[tilespmem:v2+s3+$0x0] =	vst.idx.add.f32.msk $0xffff, v5  }
0x1a8: {  	[tilespmem:v3+s3+$0x0] =	vst.idx.add.f32.msk $0xffff, v4  }
0x1a9: {  	v2 =	vld [tilespmem:$0x196C0]  }
0x1aa: {  	v3 =	vld [tilespmem:$0x1B6C0]  }
0x1ab: {  	v4 =	vld [tilespmem:$0x1A6C0];
	_ =	sdelay $0x1  }
0x1ac: {  	s24 =	sadd.s32 $0x1, s24  }
0x1ad: {  	p0 =	sne.s32 s24, $0x64  }
.Ltmp7:
0x1ae: {  	v3 =	vshra.s32 v3, v0;
	(pc) =	sbr.rel @p0 .LBB2_11-.Ltmp7, $4  }
0x1af: {  	v3 =	vshll.u32 v3, $0x10  }
0x1b0: {  	v63 =	vsub.f32 $0.0e+00, v3  }
0x1b1: {  	[tilespmem:v2+s3+$0x0] =	vst.idx.add.f32.msk $0xffff, v3  }
0x1b2: {  	[tilespmem:v4+s3+$0x0] =	vst.idx.add.f32.msk $0xffff, v63  }
0x1b3: {  	_ =	strace $0x90000049  }
0x1b4: {  	_ =	strace $0x8000004A  }
0x1b5: {  	s24 =	simm.s32 $0x0;
	s17 =	rddreg [dreg:$0x8]  }
0x1b6: {  	[hbm4b:s17+s24] =	stream.linear.scatter [tilespmem:s24], [sflag:$0x5], $0x186A0, $0x200038;
	[tilespmem:$0x1C700] =	vst v63  }
0x1b7: {  	_ =	swait.ge [sflag:s20], $0x186A0  }
0x1b8: {  	[sflag:s20] =	ssyncset.done $0x0  }
0x1b9: {  	[sflag:s20] =	ssyncadd.s32 $0xFFFE7960  }
0x1ba: {  	[bflag:$0x0] =	sbarrier.arrive $0xFFFF  }
0x1bb: {  	s29 =	rddreg [dreg:$0xd]  }
0x1bc: {  	[tilespmem:s24], [sflag:$0x1] =	stream.linear.gather [hbm4b:s29+s24], $0x30E0, $0x200038;
	[tilespmem:$0x1C700] =	vst v63  }
0x1bd: {  	s25 =	rddreg [dreg:$0x9]  }
0x1be: {  	[tilespmem:s21], [sflag:$0x3] =	stream.linear.gather [hbm4b:s25+s24], $0x30E0, $0x200038;
	[tilespmem:$0x1C700] =	vst v63  }
0x1bf: {  	_ =	swait.ge [sflag:s1], $0x30E0  }
0x1c0: {  	[sflag:s1] =	ssyncset.done $0x0  }
0x1c1: {  	s26 =	rddreg [dreg:$0xe];
	[sflag:s1] =	ssyncadd.s32 $0xFFFFCF20  }
0x1c2: {  	[tilespmem:s22], [sflag:$0x4] =	stream.linear.gather [hbm4b:s26+s24], $0x30E0, $0x200038;
	[tilespmem:$0x1C700] =	vst v63  }
0x1c3: {  	_ =	swait.ge [sflag:s18], $0x30E0  }
0x1c4: {  	[sflag:s18] =	ssyncset.done $0x0  }
0x1c5: {  	s29 =	sand.u32 $0x3FC0, s24;
	[sflag:s18] =	ssyncadd.s32 $0xFFFFCF20  }
0x1c6: {  	v2 =	vld [tilespmem:s29+$0x3100]  }
0x1c7: {  	v3 =	vld [tilespmem:s24+$0x20]  }
0x1c8: {  	v4 =	vld [tilespmem:s24+$0x30E0]  }
0x1c9: {  	v5 =	vld [tilespmem:s24+$0x30F0]  }
0x1ca: {  	v6 =	vld [tilespmem:s24+$0x3110]  }
0x1cb: {  	s17 =	simm.s32 $0x40;
	v7 =	vld [tilespmem:s24+$0x10]  }
0x1cc: {  	s25 =	sand.u32 $0x3FC0, s17;
	v8 =	vld [tilespmem:s24+$0x30]  }
0x1cd: {  	v9 =	vld [tilespmem:s25+$0x3100];
	v2 =	vmul.f32 $1.000000010e-01, v2  }
0x1ce: {  	v10 =	vld [tilespmem:s24+$0x0];
	v5 =	vmul.f32 $1.000000010e-01, v5  }
0x1cf: {  	v6 =	vmul.f32 $1.000000010e-01, v6;
	v11 =	vsub.f32 v3, v2;
	v3 =	vld [tilespmem:s17+$0x20]  }
0x1d0: {  	v7 =	vsub.f32 v7, v5;
	v2 =	vld [tilespmem:s17+$0x30E0]  }
0x1d1: {  	v12 =	vmul.f32 $1.000000010e-01, v4;
	v5 =	vld [tilespmem:s17+$0x30F0];
	[tilespmem:s24+$0x20] =	vst v11;
	v11 =	vsub.f32 v8, v6  }
0x1d2: {  	v4 =	vld [tilespmem:s17+$0x3110];
	[tilespmem:s24+$0x10] =	vst v7;
	v7 =	vmul.f32 $1.000000010e-01, v9  }
0x1d3: {  	s28 =	simm.s32 $0x80;
	s26 =	simm.s32 $0x4;
	s25 =	simm.s32 $0x0;
	v6 =	vld [tilespmem:s17+$0x10];
	v8 =	vsub.f32 v10, v12;
	[tilespmem:s24+$0x30] =	vst v11  }
.LBB2_17:
0x1d4: {  	s29 =	sand.u32 $0x3FC0, s28;
	s26 =	sadd.s32 $0x4, s26;
	v3 =	vsub.f32 v3, v7;
	v7 =	vld [tilespmem:s17+$0x30]  }
0x1d5: {  	v9 =	vld [tilespmem:s29+$0x3100];
	p0 =	slt.u32 s26, $0x308;
	v10 =	vmul.f32 $1.000000010e-01, v2;
	[tilespmem:s25+$0x0] =	vst v8;
	s25 =	smov.u32 s17  }
0x1d6: {  	s17 =	sadd.s32 $0x40, s17;
	v8 =	vld [tilespmem:s25+$0x0];
	v5 =	vmul.f32 $1.000000010e-01, v5;
	[tilespmem:s25+$0x20] =	vst v3  }
.Ltmp8:
0x1d7: {  	v3 =	vld [tilespmem:s17+$0x20];
	v4 =	vmul.f32 $1.000000010e-01, v4;
	(pc) =	sbr.rel @p0 .LBB2_17-.Ltmp8, $4  }
0x1d8: {  	v2 =	vld [tilespmem:s17+$0x30E0];
	v6 =	vsub.f32 v6, v5  }
0x1d9: {  	v5 =	vld [tilespmem:s17+$0x30F0];
	v11 =	vsub.f32 v7, v4  }
0x1da: {  	v7 =	vmul.f32 $1.000000010e-01, v9;
	v4 =	vld [tilespmem:s17+$0x3110];
	[tilespmem:s25+$0x10] =	vst v6  }
0x1db: {  	s28 =	sadd.s32 $0x40, s28;
	v6 =	vld [tilespmem:s17+$0x10];
	v8 =	vsub.f32 v8, v10;
	[tilespmem:s25+$0x30] =	vst v11  }
0x1dc: {  	v9 =	vld [tilespmem:s17+$0x30]  }
0x1dd: {  	v10 =	vld [tilespmem:s17+$0x0]  }
0x1de: {  	v5 =	vmul.f32 $1.000000010e-01, v5  }
0x1df: {  	v3 =	vsub.f32 v3, v7;
	v4 =	vmul.f32 $1.000000010e-01, v4  }
0x1e0: {  	v2 =	vmul.f32 $1.000000010e-01, v2;
	[tilespmem:s25+$0x0] =	vst v8;
	v5 =	vsub.f32 v6, v5  }
0x1e1: {  	[tilespmem:s17+$0x20] =	vst v3;
	v3 =	vsub.f32 v9, v4  }
0x1e2: {  	v2 =	vsub.f32 v10, v2;
	[tilespmem:s17+$0x10] =	vst v5  }
0x1e3: {  	[tilespmem:s17+$0x30] =	vst v3  }
0x1e4: {  	[tilespmem:s17+$0x0] =	vst v2  }
.LBB2_19:
0x1e5: {  	s17 =	sshra.s32 s24, $0x2  }
0x1e6: {  	v2 =	vld [tilespmem:s17+$0x61A0];
	_ =	sdelay $0x1  }
0x1e7: {  	v3 =	vld [tilespmem:s17+$0x30C0];
	_ =	sdelay $0x1  }
0x1e8: {  	p0 =	sne.s32 s24, $0x40  }
.Ltmp9:
0x1e9: {  	v2 =	vmul.f32 $-1.000000010e-01, v2;
	(pc) =	sbr.rel @p0 .LBB2_19-.Ltmp9, $3  }
0x1ea: {  	_ = 	snop  }
0x1eb: {  	v2 =	vadd.f32 v2, v3;
	_ =	sdelay $0x1  }
0x1ec: {  	s24 =	sadd.s32 $0x40, s24;
	[tilespmem:s17+$0x30C0] =	vst v2  }
0x1ed: {  	s17 =	simm.s32 $0x0;
	s24 =	rddreg [dreg:$0x11]  }
0x1ee: {  	[tilespmem:s21], [sflag:$0x3] =	stream.linear.gather [hbm4b:s24+s17], $0x30E0, $0x200038;
	[tilespmem:$0x1C700] =	vst v63  }
0x1ef: {  	_ =	swait.ge [sflag:s19], $0x30E0  }
0x1f0: {  	[sflag:s19] =	ssyncset.done $0x0  }
0x1f1: {  	[sflag:s19] =	ssyncadd.s32 $0xFFFFCF20  }
0x1f2: {  	v2 =	vld [tilespmem:s17+$0x61F0]  }
0x1f3: {  	v7 =	vld [tilespmem:s17+$0x61C0]  }
0x1f4: {  	v8 =	vld [tilespmem:s17+$0x30]  }
0x1f5: {  	v5 =	vld [tilespmem:s17+$0x61D0]  }
0x1f6: {  	v3 =	vld [tilespmem:s17+$0x61E0]  }
0x1f7: {  	v4 =	vld [tilespmem:s17+$0x10];
	v9 =	vmul.f32 $1.000000010e-01, v2  }
0x1f8: {  	v6 =	vld [tilespmem:s17+$0x20]  }
0x1f9: {  	s25 =	simm.s32 $0x0;
	s26 =	simm.s32 $0x40;
	s24 =	simm.s32 $0x0;
	v2 =	vmul.f32 $1.000000010e-01, v7;
	v7 =	vld [tilespmem:s17+$0x0];
	v8 =	vsub.f32 v8, v9  }
.LBB2_21:
0x1fa: {  	v9 =	vld [tilespmem:s26+$0x61F0];
	s25 =	sadd.s32 $0x4, s25;
	v5 =	vmul.f32 $1.000000010e-01, v5  }
0x1fb: {  	v10 =	vld [tilespmem:s26+$0x61C0];
	p0 =	slt.u32 s25, $0x308;
	v3 =	vmul.f32 $1.000000010e-01, v3;
	[tilespmem:s24+$0x30] =	vst v8  }
0x1fc: {  	v8 =	vld [tilespmem:s26+$0x30];
	v4 =	vsub.f32 v4, v5  }
.Ltmp10:
0x1fd: {  	v5 =	vld [tilespmem:s26+$0x61D0];
	v6 =	vsub.f32 v6, v3;
	(pc) =	sbr.rel @p0 .LBB2_21-.Ltmp10, $4  }
0x1fe: {  	v3 =	vld [tilespmem:s26+$0x61E0];
	v7 =	vsub.f32 v7, v2;
	[tilespmem:s24+$0x10] =	vst v4  }
0x1ff: {  	v4 =	vld [tilespmem:s26+$0x10];
	v9 =	vmul.f32 $1.000000010e-01, v9;
	[tilespmem:s24+$0x20] =	vst v6  }
0x200: {  	v2 =	vmul.f32 $1.000000010e-01, v10;
	v6 =	vld [tilespmem:s26+$0x20];
	[tilespmem:s24+$0x0] =	vst v7;
	s24 =	smov.u32 s26  }
0x201: {  	s26 =	sadd.s32 $0x40, s26;
	v7 =	vld [tilespmem:s24+$0x0];
	v8 =	vsub.f32 v8, v9  }
0x202: {  	v5 =	vmul.f32 $1.000000010e-01, v5  }
0x203: {  	v3 =	vmul.f32 $1.000000010e-01, v3  }
0x204: {  	v4 =	vsub.f32 v4, v5  }
0x205: {  	[tilespmem:s24+$0x30] =	vst v8;
	v3 =	vsub.f32 v6, v3  }
0x206: {  	v2 =	vsub.f32 v7, v2;
	[tilespmem:s24+$0x10] =	vst v4  }
0x207: {  	[tilespmem:s24+$0x20] =	vst v3  }
0x208: {  	[tilespmem:s24+$0x0] =	vst v2  }
.LBB2_23:
0x209: {  	s24 =	sshra.s32 s17, $0x2  }
0x20a: {  	v2 =	vld [tilespmem:s24+$0x9280];
	_ =	sdelay $0x1  }
0x20b: {  	v3 =	vld [tilespmem:s24+$0x30C0];
	_ =	sdelay $0x1  }
0x20c: {  	p0 =	sne.s32 s17, $0x40  }
.Ltmp11:
0x20d: {  	v2 =	vmul.f32 $-1.000000010e-01, v2;
	(pc) =	sbr.rel @p0 .LBB2_23-.Ltmp11, $3  }
0x20e: {  	_ = 	snop  }
0x20f: {  	v2 =	vadd.f32 v2, v3;
	_ =	sdelay $0x1  }
0x210: {  	s17 =	sadd.s32 $0x40, s17;
	[tilespmem:s24+$0x30C0] =	vst v2  }
0x211: {  	s17 =	simm.s32 $0x0;
	s24 =	rddreg [dreg:$0x12]  }
0x212: {  	[tilespmem:s22], [sflag:$0x4] =	stream.linear.gather [hbm4b:s24+s17], $0x30E0, $0x200038;
	[tilespmem:$0x1C700] =	vst v63  }
0x213: {  	_ =	swait.ge [sflag:s18], $0x30E0  }
0x214: {  	[sflag:s18] =	ssyncset.done $0x0  }
0x215: {  	s29 =	sand.u32 $0x3FC0, s17;
	[sflag:s18] =	ssyncadd.s32 $0xFFFFCF20  }
0x216: {  	v2 =	vld [tilespmem:s29+$0x3100]  }
0x217: {  	v3 =	vld [tilespmem:s17+$0x20]  }
0x218: {  	v4 =	vld [tilespmem:s17+$0x30E0]  }
0x219: {  	v5 =	vld [tilespmem:s17+$0x30F0]  }
0x21a: {  	v6 =	vld [tilespmem:s17+$0x3110]  }
0x21b: {  	s24 =	simm.s32 $0x40;
	v7 =	vld [tilespmem:s17+$0x10]  }
0x21c: {  	s25 =	sand.u32 $0x3FC0, s24;
	v8 =	vld [tilespmem:s17+$0x30]  }
0x21d: {  	v9 =	vld [tilespmem:s25+$0x3100];
	v2 =	vmul.f32 $1.000000010e-01, v2  }
0x21e: {  	v10 =	vld [tilespmem:s17+$0x0];
	v5 =	vmul.f32 $1.000000010e-01, v5  }
0x21f: {  	v6 =	vmul.f32 $1.000000010e-01, v6;
	v11 =	vsub.f32 v3, v2;
	v3 =	vld [tilespmem:s24+$0x20]  }
0x220: {  	v7 =	vsub.f32 v7, v5;
	v2 =	vld [tilespmem:s24+$0x30E0]  }
0x221: {  	v12 =	vmul.f32 $1.000000010e-01, v4;
	v5 =	vld [tilespmem:s24+$0x30F0];
	[tilespmem:s17+$0x20] =	vst v11;
	v11 =	vsub.f32 v8, v6  }
0x222: {  	v4 =	vld [tilespmem:s24+$0x3110];
	[tilespmem:s17+$0x10] =	vst v7;
	v7 =	vmul.f32 $1.000000010e-01, v9  }
0x223: {  	s26 =	simm.s32 $0x4;
	s28 =	simm.s32 $0x80;
	s25 =	simm.s32 $0x0;
	v6 =	vld [tilespmem:s24+$0x10];
	v8 =	vsub.f32 v10, v12;
	[tilespmem:s17+$0x30] =	vst v11  }
.LBB2_25:
0x224: {  	s29 =	sand.u32 $0x3FC0, s28;
	s26 =	sadd.s32 $0x4, s26;
	v3 =	vsub.f32 v3, v7;
	v7 =	vld [tilespmem:s24+$0x30]  }
0x225: {  	v9 =	vld [tilespmem:s29+$0x3100];
	p0 =	slt.u32 s26, $0x308;
	v10 =	vmul.f32 $1.000000010e-01, v2;
	[tilespmem:s25+$0x0] =	vst v8;
	s25 =	smov.u32 s24  }
0x226: {  	s24 =	sadd.s32 $0x40, s24;
	v8 =	vld [tilespmem:s25+$0x0];
	v5 =	vmul.f32 $1.000000010e-01, v5;
	[tilespmem:s25+$0x20] =	vst v3  }
.Ltmp12:
0x227: {  	v3 =	vld [tilespmem:s24+$0x20];
	v4 =	vmul.f32 $1.000000010e-01, v4;
	(pc) =	sbr.rel @p0 .LBB2_25-.Ltmp12, $4  }
0x228: {  	v2 =	vld [tilespmem:s24+$0x30E0];
	v6 =	vsub.f32 v6, v5  }
0x229: {  	v5 =	vld [tilespmem:s24+$0x30F0];
	v11 =	vsub.f32 v7, v4  }
0x22a: {  	v7 =	vmul.f32 $1.000000010e-01, v9;
	v4 =	vld [tilespmem:s24+$0x3110];
	[tilespmem:s25+$0x10] =	vst v6  }
0x22b: {  	s28 =	sadd.s32 $0x40, s28;
	v6 =	vld [tilespmem:s24+$0x10];
	v8 =	vsub.f32 v8, v10;
	[tilespmem:s25+$0x30] =	vst v11  }
0x22c: {  	v9 =	vld [tilespmem:s24+$0x30]  }
0x22d: {  	v10 =	vld [tilespmem:s24+$0x0]  }
0x22e: {  	v5 =	vmul.f32 $1.000000010e-01, v5  }
0x22f: {  	v3 =	vsub.f32 v3, v7;
	v4 =	vmul.f32 $1.000000010e-01, v4  }
0x230: {  	v2 =	vmul.f32 $1.000000010e-01, v2;
	[tilespmem:s25+$0x0] =	vst v8;
	v5 =	vsub.f32 v6, v5  }
0x231: {  	[tilespmem:s24+$0x20] =	vst v3;
	v3 =	vsub.f32 v9, v4  }
0x232: {  	v2 =	vsub.f32 v10, v2;
	[tilespmem:s24+$0x10] =	vst v5  }
0x233: {  	[tilespmem:s24+$0x30] =	vst v3  }
0x234: {  	[tilespmem:s24+$0x0] =	vst v2  }
.LBB2_27:
0x235: {  	s24 =	sshra.s32 s17, $0x2  }
0x236: {  	v2 =	vld [tilespmem:s24+$0x61A0];
	_ =	sdelay $0x1  }
0x237: {  	v3 =	vld [tilespmem:s24+$0x30C0];
	_ =	sdelay $0x1  }
0x238: {  	p0 =	sne.s32 s17, $0x40  }
.Ltmp13:
0x239: {  	v2 =	vmul.f32 $-1.000000010e-01, v2;
	(pc) =	sbr.rel @p0 .LBB2_27-.Ltmp13, $3  }
0x23a: {  	_ = 	snop  }
0x23b: {  	v2 =	vadd.f32 v2, v3;
	_ =	sdelay $0x1  }
0x23c: {  	s17 =	sadd.s32 $0x40, s17;
	[tilespmem:s24+$0x30C0] =	vst v2  }
0x23d: {  	s17 =	simm.s32 $0x0;
	s24 =	rddreg [dreg:$0x13]  }
0x23e: {  	[tilespmem:s21], [sflag:$0x3] =	stream.linear.gather [hbm4b:s24+s17], $0x30E0, $0x200038;
	[tilespmem:$0x1C700] =	vst v63  }
0x23f: {  	_ =	swait.ge [sflag:s19], $0x30E0  }
0x240: {  	[sflag:s19] =	ssyncset.done $0x0  }
0x241: {  	[sflag:s19] =	ssyncadd.s32 $0xFFFFCF20  }
0x242: {  	v2 =	vld [tilespmem:s17+$0x61F0]  }
0x243: {  	v7 =	vld [tilespmem:s17+$0x61C0]  }
0x244: {  	v8 =	vld [tilespmem:s17+$0x30]  }
0x245: {  	v5 =	vld [tilespmem:s17+$0x61D0]  }
0x246: {  	v3 =	vld [tilespmem:s17+$0x61E0]  }
0x247: {  	v4 =	vld [tilespmem:s17+$0x10];
	v9 =	vmul.f32 $1.000000010e-01, v2  }
0x248: {  	v6 =	vld [tilespmem:s17+$0x20]  }
0x249: {  	s25 =	simm.s32 $0x0;
	s26 =	simm.s32 $0x40;
	s24 =	simm.s32 $0x0;
	v2 =	vmul.f32 $1.000000010e-01, v7;
	v7 =	vld [tilespmem:s17+$0x0];
	v8 =	vsub.f32 v8, v9  }
.LBB2_29:
0x24a: {  	v9 =	vld [tilespmem:s26+$0x61F0];
	s25 =	sadd.s32 $0x4, s25;
	v5 =	vmul.f32 $1.000000010e-01, v5  }
0x24b: {  	v10 =	vld [tilespmem:s26+$0x61C0];
	p0 =	slt.u32 s25, $0x308;
	v3 =	vmul.f32 $1.000000010e-01, v3;
	[tilespmem:s24+$0x30] =	vst v8  }
0x24c: {  	v8 =	vld [tilespmem:s26+$0x30];
	v4 =	vsub.f32 v4, v5  }
.Ltmp14:
0x24d: {  	v5 =	vld [tilespmem:s26+$0x61D0];
	v6 =	vsub.f32 v6, v3;
	(pc) =	sbr.rel @p0 .LBB2_29-.Ltmp14, $4  }
0x24e: {  	v3 =	vld [tilespmem:s26+$0x61E0];
	v7 =	vsub.f32 v7, v2;
	[tilespmem:s24+$0x10] =	vst v4  }
0x24f: {  	v4 =	vld [tilespmem:s26+$0x10];
	v9 =	vmul.f32 $1.000000010e-01, v9;
	[tilespmem:s24+$0x20] =	vst v6  }
0x250: {  	v2 =	vmul.f32 $1.000000010e-01, v10;
	v6 =	vld [tilespmem:s26+$0x20];
	[tilespmem:s24+$0x0] =	vst v7;
	s24 =	smov.u32 s26  }
0x251: {  	s26 =	sadd.s32 $0x40, s26;
	v7 =	vld [tilespmem:s24+$0x0];
	v8 =	vsub.f32 v8, v9  }
0x252: {  	v5 =	vmul.f32 $1.000000010e-01, v5  }
0x253: {  	v3 =	vmul.f32 $1.000000010e-01, v3  }
0x254: {  	v4 =	vsub.f32 v4, v5  }
0x255: {  	[tilespmem:s24+$0x30] =	vst v8;
	v3 =	vsub.f32 v6, v3  }
0x256: {  	v2 =	vsub.f32 v7, v2;
	[tilespmem:s24+$0x10] =	vst v4  }
0x257: {  	[tilespmem:s24+$0x20] =	vst v3  }
0x258: {  	[tilespmem:s24+$0x0] =	vst v2  }
.LBB2_31:
0x259: {  	s24 =	sshra.s32 s17, $0x2  }
0x25a: {  	v2 =	vld [tilespmem:s24+$0x9280];
	_ =	sdelay $0x1  }
0x25b: {  	v3 =	vld [tilespmem:s24+$0x30C0];
	_ =	sdelay $0x1  }
0x25c: {  	p0 =	sne.s32 s17, $0x40  }
.Ltmp15:
0x25d: {  	v2 =	vmul.f32 $-1.000000010e-01, v2;
	(pc) =	sbr.rel @p0 .LBB2_31-.Ltmp15, $3  }
0x25e: {  	_ = 	snop  }
0x25f: {  	v2 =	vadd.f32 v2, v3;
	_ =	sdelay $0x1  }
0x260: {  	s17 =	sadd.s32 $0x40, s17;
	[tilespmem:s24+$0x30C0] =	vst v2  }
0x261: {  	s17 =	simm.s32 $0x0;
	s24 =	rddreg [dreg:$0x14]  }
0x262: {  	[tilespmem:s22], [sflag:$0x4] =	stream.linear.gather [hbm4b:s24+s17], $0x30E0, $0x200038;
	[tilespmem:$0x1C700] =	vst v63  }
0x263: {  	_ =	swait.ge [sflag:s18], $0x30E0  }
0x264: {  	[sflag:s18] =	ssyncset.done $0x0  }
0x265: {  	s29 =	sand.u32 $0x3FC0, s17;
	[sflag:s18] =	ssyncadd.s32 $0xFFFFCF20  }
0x266: {  	v2 =	vld [tilespmem:s29+$0x3100]  }
0x267: {  	v3 =	vld [tilespmem:s17+$0x20]  }
0x268: {  	v4 =	vld [tilespmem:s17+$0x30E0]  }
0x269: {  	v5 =	vld [tilespmem:s17+$0x30F0]  }
0x26a: {  	v6 =	vld [tilespmem:s17+$0x3110]  }
0x26b: {  	s24 =	simm.s32 $0x40;
	v7 =	vld [tilespmem:s17+$0x10]  }
0x26c: {  	s25 =	sand.u32 $0x3FC0, s24;
	v8 =	vld [tilespmem:s17+$0x30]  }
0x26d: {  	v9 =	vld [tilespmem:s25+$0x3100];
	v2 =	vmul.f32 $1.000000010e-01, v2  }
0x26e: {  	v10 =	vld [tilespmem:s17+$0x0];
	v5 =	vmul.f32 $1.000000010e-01, v5  }
0x26f: {  	v6 =	vmul.f32 $1.000000010e-01, v6;
	v11 =	vsub.f32 v3, v2;
	v3 =	vld [tilespmem:s24+$0x20]  }
0x270: {  	v7 =	vsub.f32 v7, v5;
	v2 =	vld [tilespmem:s24+$0x30E0]  }
0x271: {  	v12 =	vmul.f32 $1.000000010e-01, v4;
	v5 =	vld [tilespmem:s24+$0x30F0];
	[tilespmem:s17+$0x20] =	vst v11;
	v11 =	vsub.f32 v8, v6  }
0x272: {  	v4 =	vld [tilespmem:s24+$0x3110];
	[tilespmem:s17+$0x10] =	vst v7;
	v7 =	vmul.f32 $1.000000010e-01, v9  }
0x273: {  	s26 =	simm.s32 $0x4;
	s28 =	simm.s32 $0x80;
	s25 =	simm.s32 $0x0;
	v6 =	vld [tilespmem:s24+$0x10];
	v8 =	vsub.f32 v10, v12;
	[tilespmem:s17+$0x30] =	vst v11  }
.LBB2_33:
0x274: {  	s29 =	sand.u32 $0x3FC0, s28;
	s26 =	sadd.s32 $0x4, s26;
	v3 =	vsub.f32 v3, v7;
	v7 =	vld [tilespmem:s24+$0x30]  }
0x275: {  	v9 =	vld [tilespmem:s29+$0x3100];
	p0 =	slt.u32 s26, $0x308;
	v10 =	vmul.f32 $1.000000010e-01, v2;
	[tilespmem:s25+$0x0] =	vst v8;
	s25 =	smov.u32 s24  }
0x276: {  	s24 =	sadd.s32 $0x40, s24;
	v8 =	vld [tilespmem:s25+$0x0];
	v5 =	vmul.f32 $1.000000010e-01, v5;
	[tilespmem:s25+$0x20] =	vst v3  }
.Ltmp16:
0x277: {  	v3 =	vld [tilespmem:s24+$0x20];
	v4 =	vmul.f32 $1.000000010e-01, v4;
	(pc) =	sbr.rel @p0 .LBB2_33-.Ltmp16, $4  }
0x278: {  	v2 =	vld [tilespmem:s24+$0x30E0];
	v6 =	vsub.f32 v6, v5  }
0x279: {  	v5 =	vld [tilespmem:s24+$0x30F0];
	v11 =	vsub.f32 v7, v4  }
0x27a: {  	v7 =	vmul.f32 $1.000000010e-01, v9;
	v4 =	vld [tilespmem:s24+$0x3110];
	[tilespmem:s25+$0x10] =	vst v6  }
0x27b: {  	s28 =	sadd.s32 $0x40, s28;
	v6 =	vld [tilespmem:s24+$0x10];
	v8 =	vsub.f32 v8, v10;
	[tilespmem:s25+$0x30] =	vst v11  }
0x27c: {  	v9 =	vld [tilespmem:s24+$0x30]  }
0x27d: {  	v10 =	vld [tilespmem:s24+$0x0]  }
0x27e: {  	v5 =	vmul.f32 $1.000000010e-01, v5  }
0x27f: {  	v3 =	vsub.f32 v3, v7;
	v4 =	vmul.f32 $1.000000010e-01, v4  }
0x280: {  	v2 =	vmul.f32 $1.000000010e-01, v2;
	[tilespmem:s25+$0x0] =	vst v8;
	v5 =	vsub.f32 v6, v5  }
0x281: {  	[tilespmem:s24+$0x20] =	vst v3;
	v3 =	vsub.f32 v9, v4  }
0x282: {  	v2 =	vsub.f32 v10, v2;
	[tilespmem:s24+$0x10] =	vst v5  }
0x283: {  	[tilespmem:s24+$0x30] =	vst v3  }
0x284: {  	[tilespmem:s24+$0x0] =	vst v2  }
.LBB2_35:
0x285: {  	s24 =	sshra.s32 s17, $0x2  }
0x286: {  	v2 =	vld [tilespmem:s24+$0x61A0];
	_ =	sdelay $0x1  }
0x287: {  	v3 =	vld [tilespmem:s24+$0x30C0];
	_ =	sdelay $0x1  }
0x288: {  	p0 =	sne.s32 s17, $0x40  }
.Ltmp17:
0x289: {  	v2 =	vmul.f32 $-1.000000010e-01, v2;
	(pc) =	sbr.rel @p0 .LBB2_35-.Ltmp17, $3  }
0x28a: {  	_ = 	snop  }
0x28b: {  	v2 =	vadd.f32 v2, v3;
	_ =	sdelay $0x1  }
0x28c: {  	s17 =	sadd.s32 $0x40, s17;
	[tilespmem:s24+$0x30C0] =	vst v2  }
0x28d: {  	s17 =	simm.s32 $0x0;
	s24 =	rddreg [dreg:$0x15]  }
0x28e: {  	[tilespmem:s21], [sflag:$0x3] =	stream.linear.gather [hbm4b:s24+s17], $0x30E0, $0x200038;
	[tilespmem:$0x1C700] =	vst v63  }
0x28f: {  	_ =	swait.ge [sflag:s19], $0x30E0  }
0x290: {  	[sflag:s19] =	ssyncset.done $0x0  }
0x291: {  	[sflag:s19] =	ssyncadd.s32 $0xFFFFCF20  }
0x292: {  	v2 =	vld [tilespmem:s17+$0x61F0]  }
0x293: {  	v7 =	vld [tilespmem:s17+$0x61C0]  }
0x294: {  	v8 =	vld [tilespmem:s17+$0x30]  }
0x295: {  	v5 =	vld [tilespmem:s17+$0x61D0]  }
0x296: {  	v3 =	vld [tilespmem:s17+$0x61E0]  }
0x297: {  	v4 =	vld [tilespmem:s17+$0x10];
	v9 =	vmul.f32 $1.000000010e-01, v2  }
0x298: {  	v6 =	vld [tilespmem:s17+$0x20]  }
0x299: {  	s25 =	simm.s32 $0x0;
	s26 =	simm.s32 $0x40;
	s24 =	simm.s32 $0x0;
	v2 =	vmul.f32 $1.000000010e-01, v7;
	v7 =	vld [tilespmem:s17+$0x0];
	v8 =	vsub.f32 v8, v9  }
.LBB2_37:
0x29a: {  	v9 =	vld [tilespmem:s26+$0x61F0];
	s25 =	sadd.s32 $0x4, s25;
	v5 =	vmul.f32 $1.000000010e-01, v5  }
0x29b: {  	v10 =	vld [tilespmem:s26+$0x61C0];
	p0 =	slt.u32 s25, $0x308;
	v3 =	vmul.f32 $1.000000010e-01, v3;
	[tilespmem:s24+$0x30] =	vst v8  }
0x29c: {  	v8 =	vld [tilespmem:s26+$0x30];
	v4 =	vsub.f32 v4, v5  }
.Ltmp18:
0x29d: {  	v5 =	vld [tilespmem:s26+$0x61D0];
	v6 =	vsub.f32 v6, v3;
	(pc) =	sbr.rel @p0 .LBB2_37-.Ltmp18, $4  }
0x29e: {  	v3 =	vld [tilespmem:s26+$0x61E0];
	v7 =	vsub.f32 v7, v2;
	[tilespmem:s24+$0x10] =	vst v4  }
0x29f: {  	v4 =	vld [tilespmem:s26+$0x10];
	v9 =	vmul.f32 $1.000000010e-01, v9;
	[tilespmem:s24+$0x20] =	vst v6  }
0x2a0: {  	v2 =	vmul.f32 $1.000000010e-01, v10;
	v6 =	vld [tilespmem:s26+$0x20];
	[tilespmem:s24+$0x0] =	vst v7;
	s24 =	smov.u32 s26  }
0x2a1: {  	s26 =	sadd.s32 $0x40, s26;
	v7 =	vld [tilespmem:s24+$0x0];
	v8 =	vsub.f32 v8, v9  }
0x2a2: {  	v5 =	vmul.f32 $1.000000010e-01, v5  }
0x2a3: {  	v3 =	vmul.f32 $1.000000010e-01, v3  }
0x2a4: {  	v4 =	vsub.f32 v4, v5  }
0x2a5: {  	[tilespmem:s24+$0x30] =	vst v8;
	v3 =	vsub.f32 v6, v3  }
0x2a6: {  	v2 =	vsub.f32 v7, v2;
	[tilespmem:s24+$0x10] =	vst v4  }
0x2a7: {  	[tilespmem:s24+$0x20] =	vst v3  }
0x2a8: {  	[tilespmem:s24+$0x0] =	vst v2  }
.LBB2_39:
0x2a9: {  	s24 =	sshra.s32 s17, $0x2  }
0x2aa: {  	v2 =	vld [tilespmem:s24+$0x9280];
	_ =	sdelay $0x1  }
0x2ab: {  	v3 =	vld [tilespmem:s24+$0x30C0];
	_ =	sdelay $0x1  }
0x2ac: {  	p0 =	sne.s32 s17, $0x40  }
.Ltmp19:
0x2ad: {  	v2 =	vmul.f32 $-1.000000010e-01, v2;
	(pc) =	sbr.rel @p0 .LBB2_39-.Ltmp19, $3  }
0x2ae: {  	_ = 	snop  }
0x2af: {  	v2 =	vadd.f32 v2, v3;
	_ =	sdelay $0x1  }
0x2b0: {  	s17 =	sadd.s32 $0x40, s17;
	[tilespmem:s24+$0x30C0] =	vst v2  }
0x2b1: {  	s17 =	simm.s32 $0x0;
	s24 =	rddreg [dreg:$0x16]  }
0x2b2: {  	[tilespmem:s22], [sflag:$0x4] =	stream.linear.gather [hbm4b:s24+s17], $0x30E0, $0x200038;
	[tilespmem:$0x1C700] =	vst v63  }
0x2b3: {  	_ =	swait.ge [sflag:s18], $0x30E0  }
0x2b4: {  	[sflag:s18] =	ssyncset.done $0x0  }
0x2b5: {  	s29 =	sand.u32 $0x3FC0, s17;
	[sflag:s18] =	ssyncadd.s32 $0xFFFFCF20  }
0x2b6: {  	v2 =	vld [tilespmem:s29+$0x3100]  }
0x2b7: {  	v3 =	vld [tilespmem:s17+$0x20]  }
0x2b8: {  	v4 =	vld [tilespmem:s17+$0x30E0]  }
0x2b9: {  	v5 =	vld [tilespmem:s17+$0x30F0]  }
0x2ba: {  	v6 =	vld [tilespmem:s17+$0x3110]  }
0x2bb: {  	s24 =	simm.s32 $0x40;
	v7 =	vld [tilespmem:s17+$0x10]  }
0x2bc: {  	s25 =	sand.u32 $0x3FC0, s24;
	v8 =	vld [tilespmem:s17+$0x30]  }
0x2bd: {  	v9 =	vld [tilespmem:s25+$0x3100];
	v2 =	vmul.f32 $1.000000010e-01, v2  }
0x2be: {  	v10 =	vld [tilespmem:s17+$0x0];
	v5 =	vmul.f32 $1.000000010e-01, v5  }
0x2bf: {  	v6 =	vmul.f32 $1.000000010e-01, v6;
	v11 =	vsub.f32 v3, v2;
	v3 =	vld [tilespmem:s24+$0x20]  }
0x2c0: {  	v7 =	vsub.f32 v7, v5;
	v2 =	vld [tilespmem:s24+$0x30E0]  }
0x2c1: {  	v12 =	vmul.f32 $1.000000010e-01, v4;
	v5 =	vld [tilespmem:s24+$0x30F0];
	[tilespmem:s17+$0x20] =	vst v11;
	v11 =	vsub.f32 v8, v6  }
0x2c2: {  	v4 =	vld [tilespmem:s24+$0x3110];
	[tilespmem:s17+$0x10] =	vst v7;
	v7 =	vmul.f32 $1.000000010e-01, v9  }
0x2c3: {  	s26 =	simm.s32 $0x4;
	s28 =	simm.s32 $0x80;
	s25 =	simm.s32 $0x0;
	v6 =	vld [tilespmem:s24+$0x10];
	v8 =	vsub.f32 v10, v12;
	[tilespmem:s17+$0x30] =	vst v11  }
.LBB2_41:
0x2c4: {  	s29 =	sand.u32 $0x3FC0, s28;
	s26 =	sadd.s32 $0x4, s26;
	v3 =	vsub.f32 v3, v7;
	v7 =	vld [tilespmem:s24+$0x30]  }
0x2c5: {  	v9 =	vld [tilespmem:s29+$0x3100];
	p0 =	slt.u32 s26, $0x308;
	v10 =	vmul.f32 $1.000000010e-01, v2;
	[tilespmem:s25+$0x0] =	vst v8;
	s25 =	smov.u32 s24  }
0x2c6: {  	s24 =	sadd.s32 $0x40, s24;
	v8 =	vld [tilespmem:s25+$0x0];
	v5 =	vmul.f32 $1.000000010e-01, v5;
	[tilespmem:s25+$0x20] =	vst v3  }
.Ltmp20:
0x2c7: {  	v3 =	vld [tilespmem:s24+$0x20];
	v4 =	vmul.f32 $1.000000010e-01, v4;
	(pc) =	sbr.rel @p0 .LBB2_41-.Ltmp20, $4  }
0x2c8: {  	v2 =	vld [tilespmem:s24+$0x30E0];
	v6 =	vsub.f32 v6, v5  }
0x2c9: {  	v5 =	vld [tilespmem:s24+$0x30F0];
	v11 =	vsub.f32 v7, v4  }
0x2ca: {  	v7 =	vmul.f32 $1.000000010e-01, v9;
	v4 =	vld [tilespmem:s24+$0x3110];
	[tilespmem:s25+$0x10] =	vst v6  }
0x2cb: {  	s28 =	sadd.s32 $0x40, s28;
	v6 =	vld [tilespmem:s24+$0x10];
	v8 =	vsub.f32 v8, v10;
	[tilespmem:s25+$0x30] =	vst v11  }
0x2cc: {  	v9 =	vld [tilespmem:s24+$0x30]  }
0x2cd: {  	v10 =	vld [tilespmem:s24+$0x0]  }
0x2ce: {  	v5 =	vmul.f32 $1.000000010e-01, v5  }
0x2cf: {  	v3 =	vsub.f32 v3, v7;
	v4 =	vmul.f32 $1.000000010e-01, v4  }
0x2d0: {  	v2 =	vmul.f32 $1.000000010e-01, v2;
	[tilespmem:s25+$0x0] =	vst v8;
	v5 =	vsub.f32 v6, v5  }
0x2d1: {  	[tilespmem:s24+$0x20] =	vst v3;
	v3 =	vsub.f32 v9, v4  }
0x2d2: {  	v2 =	vsub.f32 v10, v2;
	[tilespmem:s24+$0x10] =	vst v5  }
0x2d3: {  	[tilespmem:s24+$0x30] =	vst v3  }
0x2d4: {  	[tilespmem:s24+$0x0] =	vst v2  }
.LBB2_43:
0x2d5: {  	s24 =	sshra.s32 s17, $0x2  }
0x2d6: {  	v2 =	vld [tilespmem:s24+$0x61A0];
	_ =	sdelay $0x1  }
0x2d7: {  	v3 =	vld [tilespmem:s24+$0x30C0];
	_ =	sdelay $0x1  }
0x2d8: {  	p0 =	sne.s32 s17, $0x40  }
.Ltmp21:
0x2d9: {  	v2 =	vmul.f32 $-1.000000010e-01, v2;
	(pc) =	sbr.rel @p0 .LBB2_43-.Ltmp21, $3  }
0x2da: {  	_ = 	snop  }
0x2db: {  	v2 =	vadd.f32 v2, v3;
	_ =	sdelay $0x1  }
0x2dc: {  	s17 =	sadd.s32 $0x40, s17;
	[tilespmem:s24+$0x30C0] =	vst v2  }
0x2dd: {  	_ =	swait.ge [sflag:s19], $0x30E0  }
0x2de: {  	[sflag:s19] =	ssyncset.done $0x0  }
0x2df: {  	s17 =	simm.s32 $0x0;
	[sflag:s19] =	ssyncadd.s32 $0xFFFFCF20  }
0x2e0: {  	v2 =	vld [tilespmem:s17+$0x61F0]  }
0x2e1: {  	v7 =	vld [tilespmem:s17+$0x61C0]  }
0x2e2: {  	v8 =	vld [tilespmem:s17+$0x30]  }
0x2e3: {  	v5 =	vld [tilespmem:s17+$0x61D0]  }
0x2e4: {  	v3 =	vld [tilespmem:s17+$0x61E0]  }
0x2e5: {  	v4 =	vld [tilespmem:s17+$0x10];
	v9 =	vmul.f32 $1.000000010e-01, v2  }
0x2e6: {  	v6 =	vld [tilespmem:s17+$0x20]  }
0x2e7: {  	s25 =	simm.s32 $0x0;
	s26 =	simm.s32 $0x40;
	s24 =	simm.s32 $0x0;
	v2 =	vmul.f32 $1.000000010e-01, v7;
	v7 =	vld [tilespmem:s17+$0x0];
	v8 =	vsub.f32 v8, v9  }
.LBB2_45:
0x2e8: {  	v9 =	vld [tilespmem:s26+$0x61F0];
	s25 =	sadd.s32 $0x4, s25;
	v5 =	vmul.f32 $1.000000010e-01, v5  }
0x2e9: {  	v10 =	vld [tilespmem:s26+$0x61C0];
	p0 =	slt.u32 s25, $0x308;
	v3 =	vmul.f32 $1.000000010e-01, v3;
	[tilespmem:s24+$0x30] =	vst v8  }
0x2ea: {  	v8 =	vld [tilespmem:s26+$0x30];
	v4 =	vsub.f32 v4, v5  }
.Ltmp22:
0x2eb: {  	v5 =	vld [tilespmem:s26+$0x61D0];
	v6 =	vsub.f32 v6, v3;
	(pc) =	sbr.rel @p0 .LBB2_45-.Ltmp22, $4  }
0x2ec: {  	v3 =	vld [tilespmem:s26+$0x61E0];
	v7 =	vsub.f32 v7, v2;
	[tilespmem:s24+$0x10] =	vst v4  }
0x2ed: {  	v4 =	vld [tilespmem:s26+$0x10];
	v9 =	vmul.f32 $1.000000010e-01, v9;
	[tilespmem:s24+$0x20] =	vst v6  }
0x2ee: {  	v2 =	vmul.f32 $1.000000010e-01, v10;
	v6 =	vld [tilespmem:s26+$0x20];
	[tilespmem:s24+$0x0] =	vst v7;
	s24 =	smov.u32 s26  }
0x2ef: {  	s26 =	sadd.s32 $0x40, s26;
	v7 =	vld [tilespmem:s24+$0x0];
	v8 =	vsub.f32 v8, v9  }
0x2f0: {  	v5 =	vmul.f32 $1.000000010e-01, v5  }
0x2f1: {  	v3 =	vmul.f32 $1.000000010e-01, v3  }
0x2f2: {  	v4 =	vsub.f32 v4, v5  }
0x2f3: {  	[tilespmem:s24+$0x30] =	vst v8;
	v3 =	vsub.f32 v6, v3  }
0x2f4: {  	v2 =	vsub.f32 v7, v2;
	[tilespmem:s24+$0x10] =	vst v4  }
0x2f5: {  	[tilespmem:s24+$0x20] =	vst v3  }
0x2f6: {  	[tilespmem:s24+$0x0] =	vst v2  }
.LBB2_47:
0x2f7: {  	s24 =	sshra.s32 s17, $0x2  }
0x2f8: {  	v2 =	vld [tilespmem:s24+$0x9280];
	_ =	sdelay $0x1  }
0x2f9: {  	v3 =	vld [tilespmem:s24+$0x30C0];
	_ =	sdelay $0x1  }
0x2fa: {  	p0 =	sne.s32 s17, $0x40  }
.Ltmp23:
0x2fb: {  	v2 =	vmul.f32 $-1.000000010e-01, v2;
	(pc) =	sbr.rel @p0 .LBB2_47-.Ltmp23, $3  }
0x2fc: {  	_ = 	snop  }
0x2fd: {  	v2 =	vadd.f32 v2, v3;
	_ =	sdelay $0x1  }
0x2fe: {  	s17 =	sadd.s32 $0x40, s17;
	[tilespmem:s24+$0x30C0] =	vst v2  }
0x2ff: {  	s17 =	rddreg [dreg:$0xf]  }
0x300: {  	[hbm4b:s17+s3] =	stream.linear.scatter [tilespmem:s3], [sflag:$0x5], $0x30E0, $0x200038;
	[tilespmem:$0x1C700] =	vst v63  }
0x301: {  	_ =	swait.ge [sflag:s20], $0x30E0  }
0x302: {  	s23 =	sadd.s32 $0x1, s23;
	s29 =	rddreg [dreg:$0x10]  }
0x303: {  	p0 =	sne.s32 s23, s29  }
.Ltmp24:
0x304: {  	_ = 	snop;
	(pc) =	sbr.rel @p0 .LBB2_1-.Ltmp24, $4  }
0x305: {  	_ = 	snop  }
0x306: {  	[sflag:s20] =	ssyncset.done $0x0  }
0x307: {  	[sflag:s20] =	ssyncadd.s32 $0xFFFFCF20  }
0x308: {  	_ =	strace $0x9000004A  }
0x309: {  	_ =	sfence.sel $0x180000  }
0x30a: {  	[bflag:$0x0] =	sbarrier.arrive $0xFFFF  }
0x30b: {  	_ =	strace $0x90000047  }
0x30c: {  	s0 =	stileid.u32;
	[bflag:$0x2] =	sbarrier.arrive $0xFFFF  }
0x30d: {  	p0 =	sne.s32 s0, $0x0;
	s0 =	rddreg [dreg:$0x3]  }
0x30e: {  	s0 =	sadd.s32 @!p0 $0x100000, s0  }
0x30f: {  	[sflag:s0] =	ssyncadd.tile.s32 @!p0 $0x1;
	_ =	shalt  }
.Lfunc_end2:
_tile_overlayer_lowered:
.L_overlay_start_2:
0x310: {  	(tag) =	ssettag $0x2  }
0x311: {  	s0 =	rddreg [dreg:$0x0];
	s2 =	stileid.u32  }
0x312: {  	s1 =	rddreg [dreg:$0x1];
	p0 =	sne.s32 s2, $0x0  }
0x313: {  	s3 =	rddreg [dreg:$0x2];
	[bflag:$0x3] =	sbarrier.arrive $0xFFFF;
	s2 =	simm.s32 @!p0 $0x1C05  }
0x314: {  	[timem:s3], [sflag:s2] =	dma.local @!p0 [hbm:s0], s1  }
0x315: {  	s0 =	simm.s32 @!p0 $0x5  }
0x316: {  	_ =	swait.ge @!p0 [sflag:s0], s1  }
0x317: {  	s1 =	ssub.s32 @!p0 $0x0, s1;
	[sflag:s0] =	ssyncset.done @!p0 $0x0  }
0x318: {  	[sflag:s0] =	ssyncadd.s32 @!p0 s1  }
0x319: {  	[bflag:$0x3] =	sbarrier.arrive $0xFFFF  }
0x31a: {  	_ =	shalt  }

</sc_bundles>
